<compile_context>
chip_gen: v7x
topology: tpu7x:2x2x1
jax: 0.10.2.dev20260603
libtpu: 0.0.44.dev20260713+nightly
codegen_flags: <defaults>
</compile_context>

<pallas_src>
import functools

import jax
import jax.numpy as jnp
from jax import lax
from jax.experimental import pallas as pl
from jax.experimental.pallas import tpu as pltpu
from jax.experimental.pallas import tpu_sc as plsc

N = 10000
E = 320000
NF = 128
NH = 128
NT = 64

NC, NS, L = 2, 16, 16
NW = NC * NS
EPW = E // NW
EB = 80
NBLK = EPW // EB
EPS = E // NS
ABLK = EPS // EB
S_ = 9
G_ = 4
RPT = 624
ZR = 48
TAIL0 = NS * RPT
TAILR = N - TAIL0

_MESH = dict(core_axis_name="c", subcore_axis_name="s")


@functools.partial(
    pl.kernel,
    out_type=jax.ShapeDtypeStruct((NW, N), jnp.float32),
    mesh=plsc.VectorSubcoreMesh(**_MESH),
    compiler_params=pltpu.CompilerParams(needs_layout_passes=False,
                                         use_tc_tiling_on_sc=False),
    scratch_types=[
        pltpu.VMEM((NBLK, EB), jnp.int32),
        pltpu.VMEM((N,), jnp.float32),
        pltpu.SemaphoreType.DMA,
    ],
)
def _deg_kernel(ei_hbm, hist_out, cidx_v, hist_v, sem):
    cid = lax.axis_index("c")
    sid = lax.axis_index("s")
    wid = cid * NS + sid
    idx_cp = pltpu.async_copy(ei_hbm.at[1, sid, pl.ds(cid * NBLK, NBLK)],
                              cidx_v, sem)
    z = jnp.zeros((L,), jnp.float32)

    def zero_blk(i, _):
        hist_v[pl.ds(i * L, L)] = z
        return 0

    lax.fori_loop(0, N // L, zero_blk, 0)
    idx_cp.wait()

    ones = jnp.full((L,), 1.0, jnp.float32)

    def blk(j, _):
        for g in range(EB // L):
            idx = cidx_v[j, pl.ds(g * L, L)]
            plsc.addupdate_scatter(hist_v, [idx], ones)
        return 0

    lax.fori_loop(0, NBLK, blk, 0)
    pltpu.sync_copy(hist_v, hist_out.at[wid])


D1 = NH // 2


@functools.partial(
    pl.kernel,
    out_type=jax.ShapeDtypeStruct((N, NH), jnp.float32),
    mesh=plsc.VectorSubcoreMesh(**_MESH),
    compiler_params=pltpu.CompilerParams(use_tc_tiling_on_sc=False),
    scratch_types=[
        pltpu.VMEM_SHARED((N, D1), jnp.float32),
        pltpu.VMEM((ABLK, EB), jnp.int32),
        pltpu.VMEM((ABLK, EB), jnp.int32),
        pltpu.VMEM((S_, EB, D1), jnp.float32),
        pltpu.SemaphoreType.DMA((S_,)),
        pltpu.SemaphoreType.DMA((S_,)),
        pltpu.SemaphoreType.DMA,
        pltpu.SemaphoreType.DMA,
    ],
)
def _agg1(gv_hbm, ei_hbm, out_hbm, acc_sh, ridx_v, cidx_v, rows_v,
          gsem, ssem, isem, jsem):
    cid = lax.axis_index("c")
    sid = lax.axis_index("s")
    rcp = pltpu.async_copy(ei_hbm.at[0, sid], ridx_v, isem)
    ccp = pltpu.async_copy(ei_hbm.at[1, sid], cidx_v, jsem)
    z = jnp.zeros((L,), jnp.float32)

    def zfill(r, _):
        for c0 in range(D1 // L):
            rows_v[0, r, pl.ds(c0 * L, L)] = z
        return 0

    lax.fori_loop(0, EB, zfill, 0)
    row0 = sid * RPT
    ZT = RPT - (RPT // EB) * EB

    def zero_blk(i, _):
        pltpu.sync_copy(rows_v.at[0], acc_sh.at[pl.ds(row0 + i * EB, EB)])
        return 0

    lax.fori_loop(0, RPT // EB, zero_blk, 0)
    pltpu.sync_copy(rows_v.at[0, pl.ds(0, ZT)],
                    acc_sh.at[pl.ds(row0 + (RPT // EB) * EB, ZT)])

    @pl.when(sid == 0)
    def _():
        pltpu.sync_copy(rows_v.at[0, pl.ds(0, TAILR)],
                        acc_sh.at[pl.ds(TAIL0, TAILR)])

    rcp.wait()
    cidv = jnp.full((L,), cid, jnp.int32)

    def xform(j, _):
        for gg in range(EB // L):
            v = ridx_v[j, pl.ds(gg * L, L)]
            ridx_v[j, pl.ds(gg * L, L)] = v * 2 + cidv
        return 0

    lax.fori_loop(0, ABLK, xform, 0)
    ccp.wait()

    def gstart(j, s):
        pltpu.async_copy(gv_hbm.at[ridx_v.at[j]], rows_v.at[s], gsem.at[s])

    def gwait(j, s):
        pltpu.make_async_copy(gv_hbm.at[ridx_v.at[j]], rows_v.at[s],
                              gsem.at[s]).wait()

    def sstart(j, s):
        pltpu.async_copy(rows_v.at[s], acc_sh.at[cidx_v.at[j]],
                         ssem.at[s], add=True)

    def swait(j, s):
        pltpu.make_async_copy(rows_v.at[s], acc_sh.at[cidx_v.at[j]],
                              ssem.at[s]).wait()

    for j in range(G_):
        gstart(j, j)
    plsc.subcore_barrier()

    def step(j, _):
        s = lax.rem(j, S_)
        gwait(j, s)
        sstart(j, s)

        @pl.when(j + G_ < ABLK)
        def _():
            s2 = lax.rem(j + G_, S_)

            @pl.when(j >= S_ - G_)
            def _():
                swait(j - (S_ - G_), s2)

            gstart(j + G_, s2)

        return 0

    lax.fori_loop(0, ABLK, step, 0)

    def drain(k, _):
        j = ABLK - S_ + k
        swait(j, lax.rem(j, S_))
        return 0

    lax.fori_loop(0, S_, drain, 0)
    plsc.subcore_barrier()

    def copy_blk(i, _):
        r = row0 + i * EB
        pltpu.sync_copy(acc_sh.at[pl.ds(r, EB)],
                        out_hbm.at[pl.ds(r, EB), pl.ds(cid * D1, D1)])
        return 0

    lax.fori_loop(0, RPT // EB, copy_blk, 0)
    rz = row0 + (RPT // EB) * EB
    pltpu.sync_copy(acc_sh.at[pl.ds(rz, ZT)],
                    out_hbm.at[pl.ds(rz, ZT), pl.ds(cid * D1, D1)])

    @pl.when(sid == 0)
    def _():
        pltpu.sync_copy(acc_sh.at[pl.ds(TAIL0, TAILR)],
                        out_hbm.at[pl.ds(TAIL0, TAILR), pl.ds(cid * D1, D1)])


D2 = NT
ABLK2 = EPW // EB


@functools.partial(
    pl.kernel,
    out_type=jax.ShapeDtypeStruct((N, 2 * D2), jnp.float32),
    mesh=plsc.VectorSubcoreMesh(**_MESH),
    compiler_params=pltpu.CompilerParams(use_tc_tiling_on_sc=False),
    scratch_types=[
        pltpu.VMEM_SHARED((N, D2), jnp.float32),
        pltpu.VMEM((ABLK, EB), jnp.int32),
        pltpu.VMEM((ABLK, EB), jnp.int32),
        pltpu.VMEM((S_, EB, D2), jnp.float32),
        pltpu.SemaphoreType.DMA((S_,)),
        pltpu.SemaphoreType.DMA((S_,)),
        pltpu.SemaphoreType.DMA,
        pltpu.SemaphoreType.DMA,
    ],
)
def _agg2(gv_hbm, ei_hbm, out_hbm, acc_sh, ridx_v, cidx_v, rows_v,
          gsem, ssem, isem, jsem):
    cid = lax.axis_index("c")
    sid = lax.axis_index("s")
    rcp = pltpu.async_copy(ei_hbm.at[0, sid], ridx_v, isem)
    ccp = pltpu.async_copy(ei_hbm.at[1, sid], cidx_v, jsem)
    w0 = cid * ABLK2
    z = jnp.zeros((L,), jnp.float32)

    def zfill(r, _):
        for c0 in range(D2 // L):
            rows_v[0, r, pl.ds(c0 * L, L)] = z
        return 0

    lax.fori_loop(0, EB, zfill, 0)
    row0 = sid * RPT
    ZT = RPT - (RPT // EB) * EB

    def zero_blk(i, _):
        pltpu.sync_copy(rows_v.at[0], acc_sh.at[pl.ds(row0 + i * EB, EB)])
        return 0

    lax.fori_loop(0, RPT // EB, zero_blk, 0)
    pltpu.sync_copy(rows_v.at[0, pl.ds(0, ZT)],
                    acc_sh.at[pl.ds(row0 + (RPT // EB) * EB, ZT)])

    @pl.when(sid == 0)
    def _():
        pltpu.sync_copy(rows_v.at[0, pl.ds(0, TAILR)],
                        acc_sh.at[pl.ds(TAIL0, TAILR)])

    rcp.wait()
    two = jnp.full((L,), 2, jnp.int32)

    def xform(j, _):
        for gg in range(EB // L):
            v = ridx_v[w0 + j, pl.ds(gg * L, L)]
            ridx_v[w0 + j, pl.ds(gg * L, L)] = v * two
        return 0

    lax.fori_loop(0, ABLK2, xform, 0)
    ccp.wait()

    def gstart(j, s):
        pltpu.async_copy(gv_hbm.at[ridx_v.at[w0 + j]], rows_v.at[s],
                         gsem.at[s])

    def gwait(j, s):
        pltpu.make_async_copy(gv_hbm.at[ridx_v.at[w0 + j]], rows_v.at[s],
                              gsem.at[s]).wait()

    def sstart(j, s):
        pltpu.async_copy(rows_v.at[s], acc_sh.at[cidx_v.at[w0 + j]],
                         ssem.at[s], add=True)

    def swait(j, s):
        pltpu.make_async_copy(rows_v.at[s], acc_sh.at[cidx_v.at[w0 + j]],
                              ssem.at[s]).wait()

    for j in range(G_):
        gstart(j, j)
    plsc.subcore_barrier()

    def step(j, _):
        s = lax.rem(j, S_)
        gwait(j, s)
        sstart(j, s)

        @pl.when(j + G_ < ABLK2)
        def _():
            s2 = lax.rem(j + G_, S_)

            @pl.when(j >= S_ - G_)
            def _():
                swait(j - (S_ - G_), s2)

            gstart(j + G_, s2)

        return 0

    lax.fori_loop(0, ABLK2, step, 0)

    def drain(k, _):
        j = ABLK2 - S_ + k
        swait(j, lax.rem(j, S_))
        return 0

    lax.fori_loop(0, S_, drain, 0)
    plsc.subcore_barrier()

    def copy_blk(i, _):
        r = row0 + i * EB
        pltpu.sync_copy(acc_sh.at[pl.ds(r, EB)],
                        out_hbm.at[pl.ds(r, EB), pl.ds(cid * D2, D2)])
        return 0

    lax.fori_loop(0, RPT // EB, copy_blk, 0)
    rz = row0 + (RPT // EB) * EB
    pltpu.sync_copy(acc_sh.at[pl.ds(rz, ZT)],
                    out_hbm.at[pl.ds(rz, ZT), pl.ds(cid * D2, D2)])

    @pl.when(sid == 0)
    def _():
        pltpu.sync_copy(acc_sh.at[pl.ds(TAIL0, TAILR)],
                        out_hbm.at[pl.ds(TAIL0, TAILR), pl.ds(cid * D2, D2)])


def _dense1_body(x_ref, w_ref, hist_ref, g_ref, dinv_ref):
    deg = jnp.sum(hist_ref[...], axis=0)
    dinv = jnp.where(deg > 0, 1.0 / jnp.sqrt(deg), 0.0)[:, None]
    g_ref[...] = jnp.dot(x_ref[...], w_ref[...],
                         preferred_element_type=jnp.float32) * dinv
    dinv_ref[...] = dinv


_dense1 = pl.pallas_call(
    _dense1_body,
    out_shape=[
        jax.ShapeDtypeStruct((N, NH), jnp.float32),
        jax.ShapeDtypeStruct((N, 1), jnp.float32),
    ],
)


def _dense2_body(p_ref, dinv_ref, b1_ref, w2_ref, g2_ref):
    dinv = dinv_ref[...]
    p = p_ref[...]
    h = jnp.maximum(p * dinv + b1_ref[...][None, :], 0.0)
    g2 = jnp.dot(h, w2_ref[...], preferred_element_type=jnp.float32) * dinv
    g2_ref[...] = jnp.concatenate([g2, g2], axis=1)


_dense2 = pl.pallas_call(
    _dense2_body,
    out_shape=jax.ShapeDtypeStruct((N, 2 * NT), jnp.float32),
)


def _final_body(p_ref, dinv_ref, b2_ref, o_ref):
    p = p_ref[...]
    o_ref[...] = ((p[:, :NT] + p[:, NT:]) * dinv_ref[...]
                  + b2_ref[...][None, :])


_final = pl.pallas_call(
    _final_body,
    out_shape=jax.ShapeDtypeStruct((N, NT), jnp.float32),
)


def kernel(x, edge_index, W1, b1, W2, b2):
    ei4 = edge_index.reshape(2, NS, ABLK, EB)
    hist = _deg_kernel(ei4)
    g1, dinv = _dense1(x, W1, hist)
    p1 = _agg1(g1.reshape(2 * N, NH // 2), ei4)
    g2d = _dense2(p1, dinv, b1, W2)
    p2 = _agg2(g2d.reshape(2 * N, NT), ei4)
    return _final(p2, dinv, b2)

# --- scband reference (transcript-rebuilt; emitter-appended) ---
"""Pipeline reference for scband-gcn-pyg-78898549227791 (READ-ONLY COPY).

The authoritative reference and input builder live on the scoring server;
editing this copy changes nothing except your own understanding.
"""

import jax, jax.numpy as jnp
import numpy as np

N_NODES = 10000
N_EDGES = 320000
NFEAT = 128
NHID = 128
NTOPIC = 64


def gcn_conv(x, edge_index, W, b):
    # PyG GCNConv with add_self_loops=False, edge_weight=None (all ones).
    # gcn_norm: deg computed over target nodes (col), norm = d^-1/2[row] * d^-1/2[col]
    row = edge_index[0]
    col = edge_index[1]
    n = x.shape[0]
    deg = jnp.zeros((n,), dtype=x.dtype).at[col].add(1.0)
    deg_inv_sqrt = jnp.where(deg > 0, deg ** -0.5, 0.0)
    norm = deg_inv_sqrt[row] * deg_inv_sqrt[col]
    h = x @ W  # linear, bias=False inside GCNConv's lin
    msgs = norm[:, None] * h[row]  # gather source features
    out = jnp.zeros((n, W.shape[1]), dtype=x.dtype).at[col].add(msgs)  # scatter-add to targets
    return out + b


def setup_inputs(seed: int = 0) -> dict:
    key = jax.random.key(seed)
    k0, k1, k2, k3 = jax.random.split(key, 4)
    x = jax.random.normal(k0, (N_NODES, NFEAT), dtype=jnp.float32)
    edge_index = jax.random.randint(k1, (2, N_EDGES), 0, N_NODES, dtype=jnp.int32)
    W1 = jax.random.normal(k2, (NFEAT, NHID), dtype=jnp.float32) * (1.0 / np.sqrt(NFEAT))
    b1 = jnp.zeros((NHID,), dtype=jnp.float32)
    W2 = jax.random.normal(k3, (NHID, NTOPIC), dtype=jnp.float32) * (1.0 / np.sqrt(NHID))
    b2 = jnp.zeros((NTOPIC,), dtype=jnp.float32)
    return {"x": x, "edge_index": edge_index, "W1": W1, "b1": b1, "W2": W2, "b2": b2}


def reference(x, edge_index, W1, b1, W2, b2):
    h = gcn_conv(x, edge_index, W1, b1)
    h = jax.nn.relu(h)
    # th.dropout(x, p, train=self.training): identity in eval mode
    out = gcn_conv(h, edge_index, W2, b2)
    return out

if __name__ == "__main__":
    import jax
    _d = setup_inputs()
    print(jax.jit(kernel)(*tuple(_d.values())))

</pallas_src>

<mosaic_0001>
#map = affine_map<(d0, d1) -> (0, 0, 0, 0)>
#map1 = affine_map<(d0, d1) -> (0, 0)>
module attributes {stable_mosaic.version = 14 : i64} {
  func.func @_deg_kernel(%arg0: i32, %arg1: i32, %arg2: memref<2x16x250x80xi32, #tpu.memory_space<hbm>>, %arg3: memref<32x10000xf32, #tpu.memory_space<hbm>>, %arg4: memref<125x80xi32, #tpu.memory_space<vmem>>, %arg5: memref<10000xf32, #tpu.memory_space<vmem>>, %arg6: memref<!tpu.dma_semaphore, #tpu.memory_space<semaphore_mem>>) attributes {dimension_semantics = [#tpu.dimension_semantics<core_parallel>, #tpu.dimension_semantics<subcore_parallel>], iteration_bounds = array<i64: 2, 16>, scalar_prefetch = 0 : i64, scratch_operands = 3 : i64, tpu.core_type = #tpu.core_type<sc_vector_subcore>, window_params = [{transform_indices = #map}, {transform_indices = #map1}]} {
    %mul3A = arith.constant 16 : i32
    %mul3A_0 = arith.muli %arg0, %mul3A : i32
    %add3A = arith.addi %mul3A_0, %arg1 : i32
    %mul3A_1 = arith.constant 125 : i32
    %mul3A_2 = arith.muli %arg0, %mul3A_1 : i32
    %dma_start3A = arith.constant 1 : i32
    %dma_start3A_3 = arith.constant 0 : i32
    %dma_start3A_4 = tpu.memref_slice %arg2[%dma_start3A, %arg1, %mul3A_2, %dma_start3A_3] : memref<2x16x250x80xi32, #tpu.memory_space<hbm>> -> memref<1x1x125x80xi32, #tpu.memory_space<hbm>>
    %dma_start3A_5 = tpu.memref_squeeze %dma_start3A_4 : memref<1x1x125x80xi32, #tpu.memory_space<hbm>> -> memref<125x80xi32, #tpu.memory_space<hbm>>
    %dma_start3A_6 = arith.constant 0 : i32
    %dma_start3A_7 = tpu.memref_slice %arg2[%dma_start3A, %arg1, %mul3A_2, %dma_start3A_6] : memref<2x16x250x80xi32, #tpu.memory_space<hbm>> -> memref<1x1x125x80xi32, #tpu.memory_space<hbm>>
    %dma_start3A_8 = tpu.memref_squeeze %dma_start3A_7 : memref<1x1x125x80xi32, #tpu.memory_space<hbm>> -> memref<125x80xi32, #tpu.memory_space<hbm>>
    tpu.enqueue_dma source(%dma_start3A_8 : memref<125x80xi32, #tpu.memory_space<hbm>>) target(%arg4 : memref<125x80xi32, #tpu.memory_space<vmem>>) target_semaphore(%arg6 : memref<!tpu.dma_semaphore, #tpu.memory_space<semaphore_mem>>)
    %broadcast_in_dim3A = arith.constant 0.000000e+00 : f32
    %broadcast_in_dim3A_9 = vector.broadcast %broadcast_in_dim3A : f32 to vector<16xf32>
    %scan3A = arith.constant 0 : i32
    %scan3A_10 = arith.constant 0 : i32
    %scan3A_11 = arith.constant 625 : i32
    %scan3A_12 = arith.addi %scan3A_10, %scan3A_11 : i32
    %scan3A_13 = arith.constant 1 : i32
    %scan3A_14 = scf.for %scan3A_31 = %scan3A_10 to %scan3A_12 step %scan3A_13 iter_args(%scan3A_32 = %scan3A) -> (i32)  : i32 {
      %mul3A_33 = arith.constant 16 : i32
      %mul3A_34 = arith.muli %scan3A_31, %mul3A_33 : i32
      %swap3A = arith.index_cast %mul3A_34 : i32 to index
      %swap3A_35 = tpu.vector_load %arg5[%swap3A] {strides = array<i32>} : memref<10000xf32, #tpu.memory_space<vmem>>, vector<16xf32>,
      tpu.vector_store %arg5[%swap3A], %broadcast_in_dim3A_9 {strides = array<i32>} : memref<10000xf32, #tpu.memory_space<vmem>>, vector<16xf32>,
      %scan3A_36 = arith.constant 0 : i32
      scf.yield %scan3A_36 : i32
    }
    %scan3A_15 = arith.constant 625 : i32
    %dma_wait3A = arith.constant 1 : i32
    %dma_wait3A_16 = arith.constant 0 : i32
    %dma_wait3A_17 = tpu.memref_slice %arg2[%dma_wait3A, %arg1, %mul3A_2, %dma_wait3A_16] : memref<2x16x250x80xi32, #tpu.memory_space<hbm>> -> memref<1x1x125x80xi32, #tpu.memory_space<hbm>>
    %dma_wait3A_18 = tpu.memref_squeeze %dma_wait3A_17 : memref<1x1x125x80xi32, #tpu.memory_space<hbm>> -> memref<125x80xi32, #tpu.memory_space<hbm>>
    %dma_wait3A_19 = arith.constant 0 : i32
    %dma_wait3A_20 = tpu.memref_slice %arg2[%dma_wait3A, %arg1, %mul3A_2, %dma_wait3A_19] : memref<2x16x250x80xi32, #tpu.memory_space<hbm>> -> memref<1x1x125x80xi32, #tpu.memory_space<hbm>>
    %dma_wait3A_21 = tpu.memref_squeeze %dma_wait3A_20 : memref<1x1x125x80xi32, #tpu.memory_space<hbm>> -> memref<125x80xi32, #tpu.memory_space<hbm>>
    tpu.wait_dma2 semaphore(%arg6 : memref<!tpu.dma_semaphore, #tpu.memory_space<semaphore_mem>>) src(%dma_wait3A_21 : memref<125x80xi32, #tpu.memory_space<hbm>>) dst(%arg4 : memref<125x80xi32, #tpu.memory_space<vmem>>)
    %broadcast_in_dim3A_22 = arith.constant 1.000000e+00 : f32
    %broadcast_in_dim3A_23 = vector.broadcast %broadcast_in_dim3A_22 : f32 to vector<16xf32>
    %scan3A_24 = arith.constant 0 : i32
    %scan3A_25 = arith.constant 0 : i32
    %scan3A_26 = arith.constant 125 : i32
    %scan3A_27 = arith.addi %scan3A_25, %scan3A_26 : i32
    %scan3A_28 = arith.constant 1 : i32
    %scan3A_29 = scf.for %scan3A_31 = %scan3A_25 to %scan3A_27 step %scan3A_28 iter_args(%scan3A_32 = %scan3A_24) -> (i32)  : i32 {
      %get3A = arith.index_cast %scan3A_31 : i32 to index
      %get3A_33 = arith.constant 0 : index
      %get3A_34 = tpu.vector_load %arg4[%get3A, %get3A_33] {strides = array<i32>} : memref<125x80xi32, #tpu.memory_space<vmem>>, vector<16xi32>,
      tpu.vector_store_idx %arg5[%get3A_34], %broadcast_in_dim3A_23 {add = true} : memref<10000xf32, #tpu.memory_space<vmem>>[vector<16xi32>], vector<16xf32>,
      %get3A_35 = arith.index_cast %scan3A_31 : i32 to index
      %get3A_36 = arith.constant 16 : index
      %get3A_37 = tpu.vector_load %arg4[%get3A_35, %get3A_36] {strides = array<i32>} : memref<125x80xi32, #tpu.memory_space<vmem>>, vector<16xi32>,
      tpu.vector_store_idx %arg5[%get3A_37], %broadcast_in_dim3A_23 {add = true} : memref<10000xf32, #tpu.memory_space<vmem>>[vector<16xi32>], vector<16xf32>,
      %get3A_38 = arith.index_cast %scan3A_31 : i32 to index
      %get3A_39 = arith.constant 32 : index
      %get3A_40 = tpu.vector_load %arg4[%get3A_38, %get3A_39] {strides = array<i32>} : memref<125x80xi32, #tpu.memory_space<vmem>>, vector<16xi32>,
      tpu.vector_store_idx %arg5[%get3A_40], %broadcast_in_dim3A_23 {add = true} : memref<10000xf32, #tpu.memory_space<vmem>>[vector<16xi32>], vector<16xf32>,
      %get3A_41 = arith.index_cast %scan3A_31 : i32 to index
      %get3A_42 = arith.constant 48 : index
      %get3A_43 = tpu.vector_load %arg4[%get3A_41, %get3A_42] {strides = array<i32>} : memref<125x80xi32, #tpu.memory_space<vmem>>, vector<16xi32>,
      tpu.vector_store_idx %arg5[%get3A_43], %broadcast_in_dim3A_23 {add = true} : memref<10000xf32, #tpu.memory_space<vmem>>[vector<16xi32>], vector<16xf32>,
      %get3A_44 = arith.index_cast %scan3A_31 : i32 to index
      %get3A_45 = arith.constant 64 : index
      %get3A_46 = tpu.vector_load %arg4[%get3A_44, %get3A_45] {strides = array<i32>} : memref<125x80xi32, #tpu.memory_space<vmem>>, vector<16xi32>,
      tpu.vector_store_idx %arg5[%get3A_46], %broadcast_in_dim3A_23 {add = true} : memref<10000xf32, #tpu.memory_space<vmem>>[vector<16xi32>], vector<16xf32>,
      %scan3A_47 = arith.constant 0 : i32
      scf.yield %scan3A_47 : i32
    }
    %scan3A_30 = arith.constant 125 : i32
    "tpu.region"() ({
      %run_scoped3A = tpu.sem_alloc : memref<!tpu.dma_semaphore, #tpu.memory_space<semaphore_mem>>
      %dma_start3A_31 = arith.constant 0 : i32
      %dma_start3A_32 = tpu.memref_slice %arg3[%add3A, %dma_start3A_31] : memref<32x10000xf32, #tpu.memory_space<hbm>> -> memref<1x10000xf32, #tpu.memory_space<hbm>>
      %dma_start3A_33 = tpu.memref_squeeze %dma_start3A_32 : memref<1x10000xf32, #tpu.memory_space<hbm>> -> memref<10000xf32, #tpu.memory_space<hbm>>
      %dma_start3A_34 = arith.constant 0 : i32
      %dma_start3A_35 = tpu.memref_slice %arg3[%add3A, %dma_start3A_34] : memref<32x10000xf32, #tpu.memory_space<hbm>> -> memref<1x10000xf32, #tpu.memory_space<hbm>>
      %dma_start3A_36 = tpu.memref_squeeze %dma_start3A_35 : memref<1x10000xf32, #tpu.memory_space<hbm>> -> memref<10000xf32, #tpu.memory_space<hbm>>
      tpu.enqueue_dma source(%arg5 : memref<10000xf32, #tpu.memory_space<vmem>>) target(%dma_start3A_36 : memref<10000xf32, #tpu.memory_space<hbm>>) target_semaphore(%run_scoped3A : memref<!tpu.dma_semaphore, #tpu.memory_space<semaphore_mem>>)
      %dma_wait3A_37 = arith.constant 0 : i32
      %dma_wait3A_38 = tpu.memref_slice %arg3[%add3A, %dma_wait3A_37] : memref<32x10000xf32, #tpu.memory_space<hbm>> -> memref<1x10000xf32, #tpu.memory_space<hbm>>
      %dma_wait3A_39 = tpu.memref_squeeze %dma_wait3A_38 : memref<1x10000xf32, #tpu.memory_space<hbm>> -> memref<10000xf32, #tpu.memory_space<hbm>>
      %dma_wait3A_40 = arith.constant 0 : i32
      %dma_wait3A_41 = tpu.memref_slice %arg3[%add3A, %dma_wait3A_40] : memref<32x10000xf32, #tpu.memory_space<hbm>> -> memref<1x10000xf32, #tpu.memory_space<hbm>>
      %dma_wait3A_42 = tpu.memref_squeeze %dma_wait3A_41 : memref<1x10000xf32, #tpu.memory_space<hbm>> -> memref<10000xf32, #tpu.memory_space<hbm>>
      tpu.wait_dma2 semaphore(%run_scoped3A : memref<!tpu.dma_semaphore, #tpu.memory_space<semaphore_mem>>) src(%arg5 : memref<10000xf32, #tpu.memory_space<vmem>>) dst(%dma_wait3A_42 : memref<10000xf32, #tpu.memory_space<hbm>>)
      tpu.yield
    }) : () -> ()
    return
  }
}

#map = affine_map<(d0, d1) -> (0, 0)>
#map1 = affine_map<(d0, d1) -> (0, 0, 0, 0)>
module attributes {stable_mosaic.version = 14 : i64} {
  func.func @_agg2(%arg0: i32, %arg1: i32, %arg2: memref<20000x64xf32, #tpu.memory_space<hbm>>, %arg3: memref<2x16x250x80xi32, #tpu.memory_space<hbm>>, %arg4: memref<10000x128xf32, #tpu.memory_space<hbm>>, %arg5: memref<10000x64xf32, #tpu.memory_space<vmem_shared>>, %arg6: memref<250x80xi32, #tpu.memory_space<vmem>>, %arg7: memref<250x80xi32, #tpu.memory_space<vmem>>, %arg8: memref<9x80x64xf32, #tpu.memory_space<vmem>>, %arg9: memref<9x!tpu.dma_semaphore, #tpu.memory_space<semaphore_mem>>, %arg10: memref<9x!tpu.dma_semaphore, #tpu.memory_space<semaphore_mem>>, %arg11: memref<!tpu.dma_semaphore, #tpu.memory_space<semaphore_mem>>, %arg12: memref<!tpu.dma_semaphore, #tpu.memory_space<semaphore_mem>>) attributes {dimension_semantics = [#tpu.dimension_semantics<core_parallel>, #tpu.dimension_semantics<subcore_parallel>], iteration_bounds = array<i64: 2, 16>, scalar_prefetch = 0 : i64, scratch_operands = 8 : i64, tpu.core_type = #tpu.core_type<sc_vector_subcore>, window_params = [{transform_indices = #map}, {transform_indices = #map1}, {transform_indices = #map}]} {
    %dma_start3A = arith.constant 0 : i32
    %dma_start3A_0 = arith.constant 0 : i32
    %dma_start3A_1 = arith.constant 0 : i32
    %dma_start3A_2 = tpu.memref_slice %arg3[%dma_start3A, %arg1, %dma_start3A_0, %dma_start3A_1] : memref<2x16x250x80xi32, #tpu.memory_space<hbm>> -> memref<1x1x250x80xi32, #tpu.memory_space<hbm>>
    %dma_start3A_3 = tpu.memref_squeeze %dma_start3A_2 : memref<1x1x250x80xi32, #tpu.memory_space<hbm>> -> memref<250x80xi32, #tpu.memory_space<hbm>>
    %dma_start3A_4 = arith.constant 0 : i32
    %dma_start3A_5 = arith.constant 0 : i32
    %dma_start3A_6 = tpu.memref_slice %arg3[%dma_start3A, %arg1, %dma_start3A_4, %dma_start3A_5] : memref<2x16x250x80xi32, #tpu.memory_space<hbm>> -> memref<1x1x250x80xi32, #tpu.memory_space<hbm>>
    %dma_start3A_7 = tpu.memref_squeeze %dma_start3A_6 : memref<1x1x250x80xi32, #tpu.memory_space<hbm>> -> memref<250x80xi32, #tpu.memory_space<hbm>>
    tpu.enqueue_dma source(%dma_start3A_7 : memref<250x80xi32, #tpu.memory_space<hbm>>) target(%arg6 : memref<250x80xi32, #tpu.memory_space<vmem>>) target_semaphore(%arg11 : memref<!tpu.dma_semaphore, #tpu.memory_space<semaphore_mem>>)
    %dma_start3A_8 = arith.constant 1 : i32
    %dma_start3A_9 = arith.constant 0 : i32
    %dma_start3A_10 = arith.constant 0 : i32
    %dma_start3A_11 = tpu.memref_slice %arg3[%dma_start3A_8, %arg1, %dma_start3A_9, %dma_start3A_10] : memref<2x16x250x80xi32, #tpu.memory_space<hbm>> -> memref<1x1x250x80xi32, #tpu.memory_space<hbm>>
    %dma_start3A_12 = tpu.memref_squeeze %dma_start3A_11 : memref<1x1x250x80xi32, #tpu.memory_space<hbm>> -> memref<250x80xi32, #tpu.memory_space<hbm>>
    %dma_start3A_13 = arith.constant 0 : i32
    %dma_start3A_14 = arith.constant 0 : i32
    %dma_start3A_15 = tpu.memref_slice %arg3[%dma_start3A_8, %arg1, %dma_start3A_13, %dma_start3A_14] : memref<2x16x250x80xi32, #tpu.memory_space<hbm>> -> memref<1x1x250x80xi32, #tpu.memory_space<hbm>>
    %dma_start3A_16 = tpu.memref_squeeze %dma_start3A_15 : memref<1x1x250x80xi32, #tpu.memory_space<hbm>> -> memref<250x80xi32, #tpu.memory_space<hbm>>
    tpu.enqueue_dma source(%dma_start3A_16 : memref<250x80xi32, #tpu.memory_space<hbm>>) target(%arg7 : memref<250x80xi32, #tpu.memory_space<vmem>>) target_semaphore(%arg12 : memref<!tpu.dma_semaphore, #tpu.memory_space<semaphore_mem>>)
    %mul3A = arith.constant 125 : i32
    %mul3A_17 = arith.muli %arg0, %mul3A : i32
    %broadcast_in_dim3A = arith.constant 0.000000e+00 : f32
    %broadcast_in_dim3A_18 = vector.broadcast %broadcast_in_dim3A : f32 to vector<16xf32>
    %scan3A = arith.constant 0 : i32
    %scan3A_19 = arith.constant 0 : i32
    %scan3A_20 = arith.constant 80 : i32
    %scan3A_21 = arith.addi %scan3A_19, %scan3A_20 : i32
    %scan3A_22 = arith.constant 1 : i32
    %scan3A_23 = scf.for %scan3A_158 = %scan3A_19 to %scan3A_21 step %scan3A_22 iter_args(%scan3A_159 = %scan3A) -> (i32)  : i32 {
      %swap3A = arith.constant 0 : i32
      %swap3A_160 = arith.index_cast %swap3A : i32 to index
      %swap3A_161 = arith.index_cast %scan3A_158 : i32 to index
      %swap3A_162 = arith.constant 0 : index
      %swap3A_163 = tpu.vector_load %arg8[%swap3A_160, %swap3A_161, %swap3A_162] {strides = array<i32>} : memref<9x80x64xf32, #tpu.memory_space<vmem>>, vector<1x1x16xf32>,
      %swap3A_164 = vector.shape_cast %swap3A_163 : vector<1x1x16xf32> to vector<16xf32>
      %swap3A_165 = vector.shape_cast %broadcast_in_dim3A_18 : vector<16xf32> to vector<1x1x16xf32>
      tpu.vector_store %arg8[%swap3A_160, %swap3A_161, %swap3A_162], %swap3A_165 {strides = array<i32>} : memref<9x80x64xf32, #tpu.memory_space<vmem>>, vector<1x1x16xf32>,
      %swap3A_166 = arith.constant 0 : i32
      %swap3A_167 = arith.index_cast %swap3A_166 : i32 to index
      %swap3A_168 = arith.index_cast %scan3A_158 : i32 to index
      %swap3A_169 = arith.constant 16 : index
      %swap3A_170 = tpu.vector_load %arg8[%swap3A_167, %swap3A_168, %swap3A_169] {strides = array<i32>} : memref<9x80x64xf32, #tpu.memory_space<vmem>>, vector<1x1x16xf32>,
      %swap3A_171 = vector.shape_cast %swap3A_170 : vector<1x1x16xf32> to vector<16xf32>
      %swap3A_172 = vector.shape_cast %broadcast_in_dim3A_18 : vector<16xf32> to vector<1x1x16xf32>
      tpu.vector_store %arg8[%swap3A_167, %swap3A_168, %swap3A_169], %swap3A_172 {strides = array<i32>} : memref<9x80x64xf32, #tpu.memory_space<vmem>>, vector<1x1x16xf32>,
      %swap3A_173 = arith.constant 0 : i32
      %swap3A_174 = arith.index_cast %swap3A_173 : i32 to index
      %swap3A_175 = arith.index_cast %scan3A_158 : i32 to index
      %swap3A_176 = arith.constant 32 : index
      %swap3A_177 = tpu.vector_load %arg8[%swap3A_174, %swap3A_175, %swap3A_176] {strides = array<i32>} : memref<9x80x64xf32, #tpu.memory_space<vmem>>, vector<1x1x16xf32>,
      %swap3A_178 = vector.shape_cast %swap3A_177 : vector<1x1x16xf32> to vector<16xf32>
      %swap3A_179 = vector.shape_cast %broadcast_in_dim3A_18 : vector<16xf32> to vector<1x1x16xf32>
      tpu.vector_store %arg8[%swap3A_174, %swap3A_175, %swap3A_176], %swap3A_179 {strides = array<i32>} : memref<9x80x64xf32, #tpu.memory_space<vmem>>, vector<1x1x16xf32>,
      %swap3A_180 = arith.constant 0 : i32
      %swap3A_181 = arith.index_cast %swap3A_180 : i32 to index
      %swap3A_182 = arith.index_cast %scan3A_158 : i32 to index
      %swap3A_183 = arith.constant 48 : index
      %swap3A_184 = tpu.vector_load %arg8[%swap3A_181, %swap3A_182, %swap3A_183] {strides = array<i32>} : memref<9x80x64xf32, #tpu.memory_space<vmem>>, vector<1x1x16xf32>,
      %swap3A_185 = vector.shape_cast %swap3A_184 : vector<1x1x16xf32> to vector<16xf32>
      %swap3A_186 = vector.shape_cast %broadcast_in_dim3A_18 : vector<16xf32> to vector<1x1x16xf32>
      tpu.vector_store %arg8[%swap3A_181, %swap3A_182, %swap3A_183], %swap3A_186 {strides = array<i32>} : memref<9x80x64xf32, #tpu.memory_space<vmem>>, vector<1x1x16xf32>,
      %scan3A_187 = arith.constant 0 : i32
      scf.yield %scan3A_187 : i32
    }
    %scan3A_24 = arith.constant 80 : i32
    %mul3A_25 = arith.constant 624 : i32
    %mul3A_26 = arith.muli %arg1, %mul3A_25 : i32
    %scan3A_27 = arith.constant 0 : i32
    %scan3A_28 = arith.constant 0 : i32
    %scan3A_29 = arith.constant 7 : i32
    %scan3A_30 = arith.addi %scan3A_28, %scan3A_29 : i32
    %scan3A_31 = arith.constant 1 : i32
    %scan3A_32 = scf.for %scan3A_158 = %scan3A_28 to %scan3A_30 step %scan3A_31 iter_args(%scan3A_159 = %scan3A_27) -> (i32)  : i32 {
      %mul3A_160 = arith.constant 80 : i32
      %mul3A_161 = arith.muli %scan3A_158, %mul3A_160 : i32
      %add3A_162 = arith.addi %mul3A_26, %mul3A_161 : i32
      %run_scoped3A_163 = arith.constant 0 : i32
      "tpu.region"() ({
        %run_scoped3A_165 = tpu.sem_alloc : memref<!tpu.dma_semaphore, #tpu.memory_space<semaphore_mem>>
        %dma_start3A_166 = arith.constant 0 : i32
        %dma_start3A_167 = arith.constant 0 : i32
        %dma_start3A_168 = tpu.memref_slice %arg8[%run_scoped3A_163, %dma_start3A_166, %dma_start3A_167] : memref<9x80x64xf32, #tpu.memory_space<vmem>> -> memref<1x80x64xf32, #tpu.memory_space<vmem>>
        %dma_start3A_169 = tpu.memref_squeeze %dma_start3A_168 : memref<1x80x64xf32, #tpu.memory_space<vmem>> -> memref<80x64xf32, #tpu.memory_space<vmem>>
        %dma_start3A_170 = arith.constant 0 : i32
        %dma_start3A_171 = tpu.memref_slice %arg5[%add3A_162, %dma_start3A_170] : memref<10000x64xf32, #tpu.memory_space<vmem_shared>> -> memref<80x64xf32, #tpu.memory_space<vmem_shared>>
        %dma_start3A_172 = arith.constant 0 : i32
        %dma_start3A_173 = tpu.memref_slice %arg5[%add3A_162, %dma_start3A_172] : memref<10000x64xf32, #tpu.memory_space<vmem_shared>> -> memref<80x64xf32, #tpu.memory_space<vmem_shared>>
        %dma_start3A_174 = arith.constant 0 : i32
        %dma_start3A_175 = arith.constant 0 : i32
        %dma_start3A_176 = tpu.memref_slice %arg8[%run_scoped3A_163, %dma_start3A_174, %dma_start3A_175] : memref<9x80x64xf32, #tpu.memory_space<vmem>> -> memref<1x80x64xf32, #tpu.memory_space<vmem>>
        %dma_start3A_177 = tpu.memref_squeeze %dma_start3A_176 : memref<1x80x64xf32, #tpu.memory_space<vmem>> -> memref<80x64xf32, #tpu.memory_space<vmem>>
        tpu.enqueue_dma source(%dma_start3A_177 : memref<80x64xf32, #tpu.memory_space<vmem>>) target(%dma_start3A_173 : memref<80x64xf32, #tpu.memory_space<vmem_shared>>) target_semaphore(%run_scoped3A_165 : memref<!tpu.dma_semaphore, #tpu.memory_space<semaphore_mem>>)
        %dma_wait3A_178 = arith.constant 0 : i32
        %dma_wait3A_179 = arith.constant 0 : i32
        %dma_wait3A_180 = tpu.memref_slice %arg8[%run_scoped3A_163, %dma_wait3A_178, %dma_wait3A_179] : memref<9x80x64xf32, #tpu.memory_space<vmem>> -> memref<1x80x64xf32, #tpu.memory_space<vmem>>
        %dma_wait3A_181 = tpu.memref_squeeze %dma_wait3A_180 : memref<1x80x64xf32, #tpu.memory_space<vmem>> -> memref<80x64xf32, #tpu.memory_space<vmem>>
        %dma_wait3A_182 = arith.constant 0 : i32
        %dma_wait3A_183 = tpu.memref_slice %arg5[%add3A_162, %dma_wait3A_182] : memref<10000x64xf32, #tpu.memory_space<vmem_shared>> -> memref<80x64xf32, #tpu.memory_space<vmem_shared>>
        %dma_wait3A_184 = arith.constant 0 : i32
        %dma_wait3A_185 = tpu.memref_slice %arg5[%add3A_162, %dma_wait3A_184] : memref<10000x64xf32, #tpu.memory_space<vmem_shared>> -> memref<80x64xf32, #tpu.memory_space<vmem_shared>>
        %dma_wait3A_186 = arith.constant 0 : i32
        %dma_wait3A_187 = arith.constant 0 : i32
        %dma_wait3A_188 = tpu.memref_slice %arg8[%run_scoped3A_163, %dma_wait3A_186, %dma_wait3A_187] : memref<9x80x64xf32, #tpu.memory_space<vmem>> -> memref<1x80x64xf32, #tpu.memory_space<vmem>>
        %dma_wait3A_189 = tpu.memref_squeeze %dma_wait3A_188 : memref<1x80x64xf32, #tpu.memory_space<vmem>> -> memref<80x64xf32, #tpu.memory_space<vmem>>
        tpu.wait_dma2 semaphore(%run_scoped3A_165 : memref<!tpu.dma_semaphore, #tpu.memory_space<semaphore_mem>>) src(%dma_wait3A_189 : memref<80x64xf32, #tpu.memory_space<vmem>>) dst(%dma_wait3A_185 : memref<80x64xf32, #tpu.memory_space<vmem_shared>>)
        tpu.yield
      }) : () -> ()
      %scan3A_164 = arith.constant 0 : i32
      scf.yield %scan3A_164 : i32
    }
    %scan3A_33 = arith.constant 7 : i32
    %add3A = arith.constant 560 : i32
    %add3A_34 = arith.addi %mul3A_26, %add3A : i32
    %run_scoped3A = arith.constant 0 : i32
    "tpu.region"() ({
      %run_scoped3A_158 = tpu.sem_alloc : memref<!tpu.dma_semaphore, #tpu.memory_space<semaphore_mem>>
      %dma_start3A_159 = arith.constant 0 : i32
      %dma_start3A_160 = arith.constant 0 : i32
      %dma_start3A_161 = tpu.memref_slice %arg8[%run_scoped3A, %dma_start3A_159, %dma_start3A_160] : memref<9x80x64xf32, #tpu.memory_space<vmem>> -> memref<1x64x64xf32, #tpu.memory_space<vmem>>
      %dma_start3A_162 = tpu.memref_squeeze %dma_start3A_161 : memref<1x64x64xf32, #tpu.memory_space<vmem>> -> memref<64x64xf32, #tpu.memory_space<vmem>>
      %dma_start3A_163 = arith.constant 0 : i32
      %dma_start3A_164 = tpu.memref_slice %arg5[%add3A_34, %dma_start3A_163] : memref<10000x64xf32, #tpu.memory_space<vmem_shared>> -> memref<64x64xf32, #tpu.memory_space<vmem_shared>>
      %dma_start3A_165 = arith.constant 0 : i32
      %dma_start3A_166 = tpu.memref_slice %arg5[%add3A_34, %dma_start3A_165] : memref<10000x64xf32, #tpu.memory_space<vmem_shared>> -> memref<64x64xf32, #tpu.memory_space<vmem_shared>>
      %dma_start3A_167 = arith.constant 0 : i32
      %dma_start3A_168 = arith.constant 0 : i32
      %dma_start3A_169 = tpu.memref_slice %arg8[%run_scoped3A, %dma_start3A_167, %dma_start3A_168] : memref<9x80x64xf32, #tpu.memory_space<vmem>> -> memref<1x64x64xf32, #tpu.memory_space<vmem>>
      %dma_start3A_170 = tpu.memref_squeeze %dma_start3A_169 : memref<1x64x64xf32, #tpu.memory_space<vmem>> -> memref<64x64xf32, #tpu.memory_space<vmem>>
      tpu.enqueue_dma source(%dma_start3A_170 : memref<64x64xf32, #tpu.memory_space<vmem>>) target(%dma_start3A_166 : memref<64x64xf32, #tpu.memory_space<vmem_shared>>) target_semaphore(%run_scoped3A_158 : memref<!tpu.dma_semaphore, #tpu.memory_space<semaphore_mem>>)
      %dma_wait3A_171 = arith.constant 0 : i32
      %dma_wait3A_172 = arith.constant 0 : i32
      %dma_wait3A_173 = tpu.memref_slice %arg8[%run_scoped3A, %dma_wait3A_171, %dma_wait3A_172] : memref<9x80x64xf32, #tpu.memory_space<vmem>> -> memref<1x64x64xf32, #tpu.memory_space<vmem>>
      %dma_wait3A_174 = tpu.memref_squeeze %dma_wait3A_173 : memref<1x64x64xf32, #tpu.memory_space<vmem>> -> memref<64x64xf32, #tpu.memory_space<vmem>>
      %dma_wait3A_175 = arith.constant 0 : i32
      %dma_wait3A_176 = tpu.memref_slice %arg5[%add3A_34, %dma_wait3A_175] : memref<10000x64xf32, #tpu.memory_space<vmem_shared>> -> memref<64x64xf32, #tpu.memory_space<vmem_shared>>
      %dma_wait3A_177 = arith.constant 0 : i32
      %dma_wait3A_178 = tpu.memref_slice %arg5[%add3A_34, %dma_wait3A_177] : memref<10000x64xf32, #tpu.memory_space<vmem_shared>> -> memref<64x64xf32, #tpu.memory_space<vmem_shared>>
      %dma_wait3A_179 = arith.constant 0 : i32
      %dma_wait3A_180 = arith.constant 0 : i32
      %dma_wait3A_181 = tpu.memref_slice %arg8[%run_scoped3A, %dma_wait3A_179, %dma_wait3A_180] : memref<9x80x64xf32, #tpu.memory_space<vmem>> -> memref<1x64x64xf32, #tpu.memory_space<vmem>>
      %dma_wait3A_182 = tpu.memref_squeeze %dma_wait3A_181 : memref<1x64x64xf32, #tpu.memory_space<vmem>> -> memref<64x64xf32, #tpu.memory_space<vmem>>
      tpu.wait_dma2 semaphore(%run_scoped3A_158 : memref<!tpu.dma_semaphore, #tpu.memory_space<semaphore_mem>>) src(%dma_wait3A_182 : memref<64x64xf32, #tpu.memory_space<vmem>>) dst(%dma_wait3A_178 : memref<64x64xf32, #tpu.memory_space<vmem_shared>>)
      tpu.yield
    }) : () -> ()
    %eq3A = arith.constant 0 : i32
    %eq3A_35 = arith.cmpi eq, %arg1, %eq3A : i32
    %convert_element_type3A = arith.extui %eq3A_35 : i1 to i32
    %cond3A = arith.constant 0 : i32
    %cond3A_36 = arith.cmpi ne, %convert_element_type3A, %cond3A : i32
    scf.if %cond3A_36 {
      %run_scoped3A_158 = arith.constant 0 : i32
      "tpu.region"() ({
        %run_scoped3A_159 = tpu.sem_alloc : memref<!tpu.dma_semaphore, #tpu.memory_space<semaphore_mem>>
        %dma_start3A_160 = arith.constant 0 : i32
        %dma_start3A_161 = arith.constant 0 : i32
        %dma_start3A_162 = tpu.memref_slice %arg8[%run_scoped3A_158, %dma_start3A_160, %dma_start3A_161] : memref<9x80x64xf32, #tpu.memory_space<vmem>> -> memref<1x16x64xf32, #tpu.memory_space<vmem>>
        %dma_start3A_163 = tpu.memref_squeeze %dma_start3A_162 : memref<1x16x64xf32, #tpu.memory_space<vmem>> -> memref<16x64xf32, #tpu.memory_space<vmem>>
        %dma_start3A_164 = arith.constant 9984 : i32
        %dma_start3A_165 = arith.constant 0 : i32
        %dma_start3A_166 = tpu.memref_slice %arg5[%dma_start3A_164, %dma_start3A_165] : memref<10000x64xf32, #tpu.memory_space<vmem_shared>> -> memref<16x64xf32, #tpu.memory_space<vmem_shared>>
        %dma_start3A_167 = arith.constant 9984 : i32
        %dma_start3A_168 = arith.constant 0 : i32
        %dma_start3A_169 = tpu.memref_slice %arg5[%dma_start3A_167, %dma_start3A_168] : memref<10000x64xf32, #tpu.memory_space<vmem_shared>> -> memref<16x64xf32, #tpu.memory_space<vmem_shared>>
        %dma_start3A_170 = arith.constant 0 : i32
        %dma_start3A_171 = arith.constant 0 : i32
        %dma_start3A_172 = tpu.memref_slice %arg8[%run_scoped3A_158, %dma_start3A_170, %dma_start3A_171] : memref<9x80x64xf32, #tpu.memory_space<vmem>> -> memref<1x16x64xf32, #tpu.memory_space<vmem>>
        %dma_start3A_173 = tpu.memref_squeeze %dma_start3A_172 : memref<1x16x64xf32, #tpu.memory_space<vmem>> -> memref<16x64xf32, #tpu.memory_space<vmem>>
        tpu.enqueue_dma source(%dma_start3A_173 : memref<16x64xf32, #tpu.memory_space<vmem>>) target(%dma_start3A_169 : memref<16x64xf32, #tpu.memory_space<vmem_shared>>) target_semaphore(%run_scoped3A_159 : memref<!tpu.dma_semaphore, #tpu.memory_space<semaphore_mem>>)
        %dma_wait3A_174 = arith.constant 0 : i32
        %dma_wait3A_175 = arith.constant 0 : i32
        %dma_wait3A_176 = tpu.memref_slice %arg8[%run_scoped3A_158, %dma_wait3A_174, %dma_wait3A_175] : memref<9x80x64xf32, #tpu.memory_space<vmem>> -> memref<1x16x64xf32, #tpu.memory_space<vmem>>
        %dma_wait3A_177 = tpu.memref_squeeze %dma_wait3A_176 : memref<1x16x64xf32, #tpu.memory_space<vmem>> -> memref<16x64xf32, #tpu.memory_space<vmem>>
        %dma_wait3A_178 = arith.constant 9984 : i32
        %dma_wait3A_179 = arith.constant 0 : i32
        %dma_wait3A_180 = tpu.memref_slice %arg5[%dma_wait3A_178, %dma_wait3A_179] : memref<10000x64xf32, #tpu.memory_space<vmem_shared>> -> memref<16x64xf32, #tpu.memory_space<vmem_shared>>
        %dma_wait3A_181 = arith.constant 9984 : i32
        %dma_wait3A_182 = arith.constant 0 : i32
        %dma_wait3A_183 = tpu.memref_slice %arg5[%dma_wait3A_181, %dma_wait3A_182] : memref<10000x64xf32, #tpu.memory_space<vmem_shared>> -> memref<16x64xf32, #tpu.memory_space<vmem_shared>>
        %dma_wait3A_184 = arith.constant 0 : i32
        %dma_wait3A_185 = arith.constant 0 : i32
        %dma_wait3A_186 = tpu.memref_slice %arg8[%run_scoped3A_158, %dma_wait3A_184, %dma_wait3A_185] : memref<9x80x64xf32, #tpu.memory_space<vmem>> -> memref<1x16x64xf32, #tpu.memory_space<vmem>>
        %dma_wait3A_187 = tpu.memref_squeeze %dma_wait3A_186 : memref<1x16x64xf32, #tpu.memory_space<vmem>> -> memref<16x64xf32, #tpu.memory_space<vmem>>
        tpu.wait_dma2 semaphore(%run_scoped3A_159 : memref<!tpu.dma_semaphore, #tpu.memory_space<semaphore_mem>>) src(%dma_wait3A_187 : memref<16x64xf32, #tpu.memory_space<vmem>>) dst(%dma_wait3A_183 : memref<16x64xf32, #tpu.memory_space<vmem_shared>>)
        tpu.yield
      }) : () -> ()
    } else {
    }
    %dma_wait3A = arith.constant 0 : i32
    %dma_wait3A_37 = arith.constant 0 : i32
    %dma_wait3A_38 = arith.constant 0 : i32
    %dma_wait3A_39 = tpu.memref_slice %arg3[%dma_wait3A, %arg1, %dma_wait3A_37, %dma_wait3A_38] : memref<2x16x250x80xi32, #tpu.memory_space<hbm>> -> memref<1x1x250x80xi32, #tpu.memory_space<hbm>>
    %dma_wait3A_40 = tpu.memref_squeeze %dma_wait3A_39 : memref<1x1x250x80xi32, #tpu.memory_space<hbm>> -> memref<250x80xi32, #tpu.memory_space<hbm>>
    %dma_wait3A_41 = arith.constant 0 : i32
    %dma_wait3A_42 = arith.constant 0 : i32
    %dma_wait3A_43 = tpu.memref_slice %arg3[%dma_wait3A, %arg1, %dma_wait3A_41, %dma_wait3A_42] : memref<2x16x250x80xi32, #tpu.memory_space<hbm>> -> memref<1x1x250x80xi32, #tpu.memory_space<hbm>>
    %dma_wait3A_44 = tpu.memref_squeeze %dma_wait3A_43 : memref<1x1x250x80xi32, #tpu.memory_space<hbm>> -> memref<250x80xi32, #tpu.memory_space<hbm>>
    tpu.wait_dma2 semaphore(%arg11 : memref<!tpu.dma_semaphore, #tpu.memory_space<semaphore_mem>>) src(%dma_wait3A_44 : memref<250x80xi32, #tpu.memory_space<hbm>>) dst(%arg6 : memref<250x80xi32, #tpu.memory_space<vmem>>)
    %broadcast_in_dim3A_45 = arith.constant 2 : i32
    %broadcast_in_dim3A_46 = vector.broadcast %broadcast_in_dim3A_45 : i32 to vector<16xi32>
    %scan3A_47 = arith.constant 0 : i32
    %scan3A_48 = arith.constant 0 : i32
    %scan3A_49 = arith.constant 125 : i32
    %scan3A_50 = arith.addi %scan3A_48, %scan3A_49 : i32
    %scan3A_51 = arith.constant 1 : i32
    %scan3A_52 = scf.for %scan3A_158 = %scan3A_48 to %scan3A_50 step %scan3A_51 iter_args(%scan3A_159 = %scan3A_47) -> (i32)  : i32 {
      %add3A_160 = arith.addi %mul3A_17, %scan3A_158 : i32
      %get3A = arith.index_cast %add3A_160 : i32 to index
      %get3A_161 = arith.constant 0 : index
      %get3A_162 = tpu.vector_load %arg6[%get3A, %get3A_161] {strides = array<i32>} : memref<250x80xi32, #tpu.memory_space<vmem>>, vector<1x16xi32>,
      %get3A_163 = vector.shape_cast %get3A_162 : vector<1x16xi32> to vector<16xi32>
      %mul3A_164 = arith.muli %get3A_163, %broadcast_in_dim3A_46 : vector<16xi32>
      %add3A_165 = arith.addi %mul3A_17, %scan3A_158 : i32
      %swap3A = arith.index_cast %add3A_165 : i32 to index
      %swap3A_166 = arith.constant 0 : index
      %swap3A_167 = tpu.vector_load %arg6[%swap3A, %swap3A_166] {strides = array<i32>} : memref<250x80xi32, #tpu.memory_space<vmem>>, vector<1x16xi32>,
      %swap3A_168 = vector.shape_cast %swap3A_167 : vector<1x16xi32> to vector<16xi32>
      %swap3A_169 = vector.shape_cast %mul3A_164 : vector<16xi32> to vector<1x16xi32>
      tpu.vector_store %arg6[%swap3A, %swap3A_166], %swap3A_169 {strides = array<i32>} : memref<250x80xi32, #tpu.memory_space<vmem>>, vector<1x16xi32>,
      %add3A_170 = arith.addi %mul3A_17, %scan3A_158 : i32
      %get3A_171 = arith.index_cast %add3A_170 : i32 to index
      %get3A_172 = arith.constant 16 : index
      %get3A_173 = tpu.vector_load %arg6[%get3A_171, %get3A_172] {strides = array<i32>} : memref<250x80xi32, #tpu.memory_space<vmem>>, vector<1x16xi32>,
      %get3A_174 = vector.shape_cast %get3A_173 : vector<1x16xi32> to vector<16xi32>
      %mul3A_175 = arith.muli %get3A_174, %broadcast_in_dim3A_46 : vector<16xi32>
      %add3A_176 = arith.addi %mul3A_17, %scan3A_158 : i32
      %swap3A_177 = arith.index_cast %add3A_176 : i32 to index
      %swap3A_178 = arith.constant 16 : index
      %swap3A_179 = tpu.vector_load %arg6[%swap3A_177, %swap3A_178] {strides = array<i32>} : memref<250x80xi32, #tpu.memory_space<vmem>>, vector<1x16xi32>,
      %swap3A_180 = vector.shape_cast %swap3A_179 : vector<1x16xi32> to vector<16xi32>
      %swap3A_181 = vector.shape_cast %mul3A_175 : vector<16xi32> to vector<1x16xi32>
      tpu.vector_store %arg6[%swap3A_177, %swap3A_178], %swap3A_181 {strides = array<i32>} : memref<250x80xi32, #tpu.memory_space<vmem>>, vector<1x16xi32>,
      %add3A_182 = arith.addi %mul3A_17, %scan3A_158 : i32
      %get3A_183 = arith.index_cast %add3A_182 : i32 to index
      %get3A_184 = arith.constant 32 : index
      %get3A_185 = tpu.vector_load %arg6[%get3A_183, %get3A_184] {strides = array<i32>} : memref<250x80xi32, #tpu.memory_space<vmem>>, vector<1x16xi32>,
      %get3A_186 = vector.shape_cast %get3A_185 : vector<1x16xi32> to vector<16xi32>
      %mul3A_187 = arith.muli %get3A_186, %broadcast_in_dim3A_46 : vector<16xi32>
      %add3A_188 = arith.addi %mul3A_17, %scan3A_158 : i32
      %swap3A_189 = arith.index_cast %add3A_188 : i32 to index
      %swap3A_190 = arith.constant 32 : index
      %swap3A_191 = tpu.vector_load %arg6[%swap3A_189, %swap3A_190] {strides = array<i32>} : memref<250x80xi32, #tpu.memory_space<vmem>>, vector<1x16xi32>,
      %swap3A_192 = vector.shape_cast %swap3A_191 : vector<1x16xi32> to vector<16xi32>
      %swap3A_193 = vector.shape_cast %mul3A_187 : vector<16xi32> to vector<1x16xi32>
      tpu.vector_store %arg6[%swap3A_189, %swap3A_190], %swap3A_193 {strides = array<i32>} : memref<250x80xi32, #tpu.memory_space<vmem>>, vector<1x16xi32>,
      %add3A_194 = arith.addi %mul3A_17, %scan3A_158 : i32
      %get3A_195 = arith.index_cast %add3A_194 : i32 to index
      %get3A_196 = arith.constant 48 : index
      %get3A_197 = tpu.vector_load %arg6[%get3A_195, %get3A_196] {strides = array<i32>} : memref<250x80xi32, #tpu.memory_space<vmem>>, vector<1x16xi32>,
      %get3A_198 = vector.shape_cast %get3A_197 : vector<1x16xi32> to vector<16xi32>
      %mul3A_199 = arith.muli %get3A_198, %broadcast_in_dim3A_46 : vector<16xi32>
      %add3A_200 = arith.addi %mul3A_17, %scan3A_158 : i32
      %swap3A_201 = arith.index_cast %add3A_200 : i32 to index
      %swap3A_202 = arith.constant 48 : index
      %swap3A_203 = tpu.vector_load %arg6[%swap3A_201, %swap3A_202] {strides = array<i32>} : memref<250x80xi32, #tpu.memory_space<vmem>>, vector<1x16xi32>,
      %swap3A_204 = vector.shape_cast %swap3A_203 : vector<1x16xi32> to vector<16xi32>
      %swap3A_205 = vector.shape_cast %mul3A_199 : vector<16xi32> to vector<1x16xi32>
      tpu.vector_store %arg6[%swap3A_201, %swap3A_202], %swap3A_205 {strides = array<i32>} : memref<250x80xi32, #tpu.memory_space<vmem>>, vector<1x16xi32>,
      %add3A_206 = arith.addi %mul3A_17, %scan3A_158 : i32
      %get3A_207 = arith.index_cast %add3A_206 : i32 to index
      %get3A_208 = arith.constant 64 : index
      %get3A_209 = tpu.vector_load %arg6[%get3A_207, %get3A_208] {strides = array<i32>} : memref<250x80xi32, #tpu.memory_space<vmem>>, vector<1x16xi32>,
      %get3A_210 = vector.shape_cast %get3A_209 : vector<1x16xi32> to vector<16xi32>
      %mul3A_211 = arith.muli %get3A_210, %broadcast_in_dim3A_46 : vector<16xi32>
      %add3A_212 = arith.addi %mul3A_17, %scan3A_158 : i32
      %swap3A_213 = arith.index_cast %add3A_212 : i32 to index
      %swap3A_214 = arith.constant 64 : index
      %swap3A_215 = tpu.vector_load %arg6[%swap3A_213, %swap3A_214] {strides = array<i32>} : memref<250x80xi32, #tpu.memory_space<vmem>>, vector<1x16xi32>,
      %swap3A_216 = vector.shape_cast %swap3A_215 : vector<1x16xi32> to vector<16xi32>
      %swap3A_217 = vector.shape_cast %mul3A_211 : vector<16xi32> to vector<1x16xi32>
      tpu.vector_store %arg6[%swap3A_213, %swap3A_214], %swap3A_217 {strides = array<i32>} : memref<250x80xi32, #tpu.memory_space<vmem>>, vector<1x16xi32>,
      %scan3A_218 = arith.constant 0 : i32
      scf.yield %scan3A_218 : i32
    }
    %scan3A_53 = arith.constant 125 : i32
    %dma_wait3A_54 = arith.constant 1 : i32
    %dma_wait3A_55 = arith.constant 0 : i32
    %dma_wait3A_56 = arith.constant 0 : i32
    %dma_wait3A_57 = tpu.memref_slice %arg3[%dma_wait3A_54, %arg1, %dma_wait3A_55, %dma_wait3A_56] : memref<2x16x250x80xi32, #tpu.memory_space<hbm>> -> memref<1x1x250x80xi32, #tpu.memory_space<hbm>>
    %dma_wait3A_58 = tpu.memref_squeeze %dma_wait3A_57 : memref<1x1x250x80xi32, #tpu.memory_space<hbm>> -> memref<250x80xi32, #tpu.memory_space<hbm>>
    %dma_wait3A_59 = arith.constant 0 : i32
    %dma_wait3A_60 = arith.constant 0 : i32
    %dma_wait3A_61 = tpu.memref_slice %arg3[%dma_wait3A_54, %arg1, %dma_wait3A_59, %dma_wait3A_60] : memref<2x16x250x80xi32, #tpu.memory_space<hbm>> -> memref<1x1x250x80xi32, #tpu.memory_space<hbm>>
    %dma_wait3A_62 = tpu.memref_squeeze %dma_wait3A_61 : memref<1x1x250x80xi32, #tpu.memory_space<hbm>> -> memref<250x80xi32, #tpu.memory_space<hbm>>
    tpu.wait_dma2 semaphore(%arg12 : memref<!tpu.dma_semaphore, #tpu.memory_space<semaphore_mem>>) src(%dma_wait3A_62 : memref<250x80xi32, #tpu.memory_space<hbm>>) dst(%arg7 : memref<250x80xi32, #tpu.memory_space<vmem>>)
    %add3A_63 = arith.constant 0 : i32
    %add3A_64 = arith.addi %mul3A_17, %add3A_63 : i32
    %dma_start3A_65 = arith.constant 0 : i32
    %dma_start3A_66 = arith.constant 0 : i32
    %dma_start3A_67 = arith.constant 0 : i32
    %dma_start3A_68 = arith.constant 0 : i32
    %dma_start3A_69 = tpu.memref_slice %arg8[%dma_start3A_65, %dma_start3A_67, %dma_start3A_68] : memref<9x80x64xf32, #tpu.memory_space<vmem>> -> memref<1x80x64xf32, #tpu.memory_space<vmem>>
    %dma_start3A_70 = tpu.memref_squeeze %dma_start3A_69 : memref<1x80x64xf32, #tpu.memory_space<vmem>> -> memref<80x64xf32, #tpu.memory_space<vmem>>
    %dma_start3A_71 = arith.constant 0 : i32
    %dma_start3A_72 = tpu.memref_slice %arg6[%add3A_64, %dma_start3A_71] : memref<250x80xi32, #tpu.memory_space<vmem>> -> memref<1x80xi32, #tpu.memory_space<vmem>>
    %dma_start3A_73 = tpu.memref_squeeze %dma_start3A_72 : memref<1x80xi32, #tpu.memory_space<vmem>> -> memref<80xi32, #tpu.memory_space<vmem>>
    %dma_start3A_74 = arith.constant 0 : i32
    %dma_start3A_75 = arith.constant 0 : i32
    %dma_start3A_76 = tpu.memref_slice %arg2[%dma_start3A_74, %dma_start3A_75] : memref<20000x64xf32, #tpu.memory_space<hbm>> -> memref<20000x64xf32, #tpu.memory_space<hbm>>
    %dma_start3A_77 = tpu.memref_slice %arg9[%dma_start3A_66] : memref<9x!tpu.dma_semaphore, #tpu.memory_space<semaphore_mem>> -> memref<1x!tpu.dma_semaphore, #tpu.memory_space<semaphore_mem>>
    %dma_start3A_78 = tpu.memref_squeeze %dma_start3A_77 : memref<1x!tpu.dma_semaphore, #tpu.memory_space<semaphore_mem>> -> memref<!tpu.dma_semaphore, #tpu.memory_space<semaphore_mem>>
    tpu.enqueue_indirect_dma source(%dma_start3A_76 : memref<20000x64xf32, #tpu.memory_space<hbm>>) target(%dma_start3A_70 : memref<80x64xf32, #tpu.memory_space<vmem>>) offsets(%dma_start3A_73 : memref<80xi32, #tpu.memory_space<vmem>>) semaphore(%dma_start3A_78 : memref<!tpu.dma_semaphore, #tpu.memory_space<semaphore_mem>>)
    %add3A_79 = arith.constant 1 : i32
    %add3A_80 = arith.addi %mul3A_17, %add3A_79 : i32
    %dma_start3A_81 = arith.constant 1 : i32
    %dma_start3A_82 = arith.constant 1 : i32
    %dma_start3A_83 = arith.constant 0 : i32
    %dma_start3A_84 = arith.constant 0 : i32
    %dma_start3A_85 = tpu.memref_slice %arg8[%dma_start3A_81, %dma_start3A_83, %dma_start3A_84] : memref<9x80x64xf32, #tpu.memory_space<vmem>> -> memref<1x80x64xf32, #tpu.memory_space<vmem>>
    %dma_start3A_86 = tpu.memref_squeeze %dma_start3A_85 : memref<1x80x64xf32, #tpu.memory_space<vmem>> -> memref<80x64xf32, #tpu.memory_space<vmem>>
    %dma_start3A_87 = arith.constant 0 : i32
    %dma_start3A_88 = tpu.memref_slice %arg6[%add3A_80, %dma_start3A_87] : memref<250x80xi32, #tpu.memory_space<vmem>> -> memref<1x80xi32, #tpu.memory_space<vmem>>
    %dma_start3A_89 = tpu.memref_squeeze %dma_start3A_88 : memref<1x80xi32, #tpu.memory_space<vmem>> -> memref<80xi32, #tpu.memory_space<vmem>>
    %dma_start3A_90 = arith.constant 0 : i32
    %dma_start3A_91 = arith.constant 0 : i32
    %dma_start3A_92 = tpu.memref_slice %arg2[%dma_start3A_90, %dma_start3A_91] : memref<20000x64xf32, #tpu.memory_space<hbm>> -> memref<20000x64xf32, #tpu.memory_space<hbm>>
    %dma_start3A_93 = tpu.memref_slice %arg9[%dma_start3A_82] : memref<9x!tpu.dma_semaphore, #tpu.memory_space<semaphore_mem>> -> memref<1x!tpu.dma_semaphore, #tpu.memory_space<semaphore_mem>>
    %dma_start3A_94 = tpu.memref_squeeze %dma_start3A_93 : memref<1x!tpu.dma_semaphore, #tpu.memory_space<semaphore_mem>> -> memref<!tpu.dma_semaphore, #tpu.memory_space<semaphore_mem>>
    tpu.enqueue_indirect_dma source(%dma_start3A_92 : memref<20000x64xf32, #tpu.memory_space<hbm>>) target(%dma_start3A_86 : memref<80x64xf32, #tpu.memory_space<vmem>>) offsets(%dma_start3A_89 : memref<80xi32, #tpu.memory_space<vmem>>) semaphore(%dma_start3A_94 : memref<!tpu.dma_semaphore, #tpu.memory_space<semaphore_mem>>)
    %add3A_95 = arith.constant 2 : i32
    %add3A_96 = arith.addi %mul3A_17, %add3A_95 : i32
    %dma_start3A_97 = arith.constant 2 : i32
    %dma_start3A_98 = arith.constant 2 : i32
    %dma_start3A_99 = arith.constant 0 : i32
    %dma_start3A_100 = arith.constant 0 : i32
    %dma_start3A_101 = tpu.memref_slice %arg8[%dma_start3A_97, %dma_start3A_99, %dma_start3A_100] : memref<9x80x64xf32, #tpu.memory_space<vmem>> -> memref<1x80x64xf32, #tpu.memory_space<vmem>>
    %dma_start3A_102 = tpu.memref_squeeze %dma_start3A_101 : memref<1x80x64xf32, #tpu.memory_space<vmem>> -> memref<80x64xf32, #tpu.memory_space<vmem>>
    %dma_start3A_103 = arith.constant 0 : i32
    %dma_start3A_104 = tpu.memref_slice %arg6[%add3A_96, %dma_start3A_103] : memref<250x80xi32, #tpu.memory_space<vmem>> -> memref<1x80xi32, #tpu.memory_space<vmem>>
    %dma_start3A_105 = tpu.memref_squeeze %dma_start3A_104 : memref<1x80xi32, #tpu.memory_space<vmem>> -> memref<80xi32, #tpu.memory_space<vmem>>
    %dma_start3A_106 = arith.constant 0 : i32
    %dma_start3A_107 = arith.constant 0 : i32
    %dma_start3A_108 = tpu.memref_slice %arg2[%dma_start3A_106, %dma_start3A_107] : memref<20000x64xf32, #tpu.memory_space<hbm>> -> memref<20000x64xf32, #tpu.memory_space<hbm>>
    %dma_start3A_109 = tpu.memref_slice %arg9[%dma_start3A_98] : memref<9x!tpu.dma_semaphore, #tpu.memory_space<semaphore_mem>> -> memref<1x!tpu.dma_semaphore, #tpu.memory_space<semaphore_mem>>
    %dma_start3A_110 = tpu.memref_squeeze %dma_start3A_109 : memref<1x!tpu.dma_semaphore, #tpu.memory_space<semaphore_mem>> -> memref<!tpu.dma_semaphore, #tpu.memory_space<semaphore_mem>>
    tpu.enqueue_indirect_dma source(%dma_start3A_108 : memref<20000x64xf32, #tpu.memory_space<hbm>>) target(%dma_start3A_102 : memref<80x64xf32, #tpu.memory_space<vmem>>) offsets(%dma_start3A_105 : memref<80xi32, #tpu.memory_space<vmem>>) semaphore(%dma_start3A_110 : memref<!tpu.dma_semaphore, #tpu.memory_space<semaphore_mem>>)
    %add3A_111 = arith.constant 3 : i32
    %add3A_112 = arith.addi %mul3A_17, %add3A_111 : i32
    %dma_start3A_113 = arith.constant 3 : i32
    %dma_start3A_114 = arith.constant 3 : i32
    %dma_start3A_115 = arith.constant 0 : i32
    %dma_start3A_116 = arith.constant 0 : i32
    %dma_start3A_117 = tpu.memref_slice %arg8[%dma_start3A_113, %dma_start3A_115, %dma_start3A_116] : memref<9x80x64xf32, #tpu.memory_space<vmem>> -> memref<1x80x64xf32, #tpu.memory_space<vmem>>
    %dma_start3A_118 = tpu.memref_squeeze %dma_start3A_117 : memref<1x80x64xf32, #tpu.memory_space<vmem>> -> memref<80x64xf32, #tpu.memory_space<vmem>>
    %dma_start3A_119 = arith.constant 0 : i32
    %dma_start3A_120 = tpu.memref_slice %arg6[%add3A_112, %dma_start3A_119] : memref<250x80xi32, #tpu.memory_space<vmem>> -> memref<1x80xi32, #tpu.memory_space<vmem>>
    %dma_start3A_121 = tpu.memref_squeeze %dma_start3A_120 : memref<1x80xi32, #tpu.memory_space<vmem>> -> memref<80xi32, #tpu.memory_space<vmem>>
    %dma_start3A_122 = arith.constant 0 : i32
    %dma_start3A_123 = arith.constant 0 : i32
    %dma_start3A_124 = tpu.memref_slice %arg2[%dma_start3A_122, %dma_start3A_123] : memref<20000x64xf32, #tpu.memory_space<hbm>> -> memref<20000x64xf32, #tpu.memory_space<hbm>>
    %dma_start3A_125 = tpu.memref_slice %arg9[%dma_start3A_114] : memref<9x!tpu.dma_semaphore, #tpu.memory_space<semaphore_mem>> -> memref<1x!tpu.dma_semaphore, #tpu.memory_space<semaphore_mem>>
    %dma_start3A_126 = tpu.memref_squeeze %dma_start3A_125 : memref<1x!tpu.dma_semaphore, #tpu.memory_space<semaphore_mem>> -> memref<!tpu.dma_semaphore, #tpu.memory_space<semaphore_mem>>
    tpu.enqueue_indirect_dma source(%dma_start3A_124 : memref<20000x64xf32, #tpu.memory_space<hbm>>) target(%dma_start3A_118 : memref<80x64xf32, #tpu.memory_space<vmem>>) offsets(%dma_start3A_121 : memref<80xi32, #tpu.memory_space<vmem>>) semaphore(%dma_start3A_126 : memref<!tpu.dma_semaphore, #tpu.memory_space<semaphore_mem>>)
    %barrier3A = arith.constant 0 : index
    tpu.barrier barrier_id(%barrier3A)
    %scan3A_127 = arith.constant 0 : i32
    %scan3A_128 = arith.constant 0 : i32
    %scan3A_129 = arith.constant 125 : i32
    %scan3A_130 = arith.addi %scan3A_128, %scan3A_129 : i32
    %scan3A_131 = arith.constant 1 : i32
    %scan3A_132 = scf.for %scan3A_158 = %scan3A_128 to %scan3A_130 step %scan3A_131 iter_args(%scan3A_159 = %scan3A_127) -> (i32)  : i32 {
      %rem3A = arith.constant 9 : i32
      %rem3A_160 = arith.remsi %scan3A_158, %rem3A : i32
      %add3A_161 = arith.addi %mul3A_17, %scan3A_158 : i32
      %dma_wait3A_162 = arith.constant 0 : i32
      %dma_wait3A_163 = arith.constant 0 : i32
      %dma_wait3A_164 = tpu.memref_slice %arg8[%rem3A_160, %dma_wait3A_162, %dma_wait3A_163] : memref<9x80x64xf32, #tpu.memory_space<vmem>> -> memref<1x80x64xf32, #tpu.memory_space<vmem>>
      %dma_wait3A_165 = tpu.memref_squeeze %dma_wait3A_164 : memref<1x80x64xf32, #tpu.memory_space<vmem>> -> memref<80x64xf32, #tpu.memory_space<vmem>>
      %dma_wait3A_166 = arith.constant 0 : i32
      %dma_wait3A_167 = tpu.memref_slice %arg6[%add3A_161, %dma_wait3A_166] : memref<250x80xi32, #tpu.memory_space<vmem>> -> memref<1x80xi32, #tpu.memory_space<vmem>>
      %dma_wait3A_168 = tpu.memref_squeeze %dma_wait3A_167 : memref<1x80xi32, #tpu.memory_space<vmem>> -> memref<80xi32, #tpu.memory_space<vmem>>
      %dma_wait3A_169 = arith.constant 0 : i32
      %dma_wait3A_170 = arith.constant 0 : i32
      %dma_wait3A_171 = tpu.memref_slice %arg2[%dma_wait3A_169, %dma_wait3A_170] : memref<20000x64xf32, #tpu.memory_space<hbm>> -> memref<20000x64xf32, #tpu.memory_space<hbm>>
      %dma_wait3A_172 = tpu.memref_slice %arg9[%rem3A_160] : memref<9x!tpu.dma_semaphore, #tpu.memory_space<semaphore_mem>> -> memref<1x!tpu.dma_semaphore, #tpu.memory_space<semaphore_mem>>
      %dma_wait3A_173 = tpu.memref_squeeze %dma_wait3A_172 : memref<1x!tpu.dma_semaphore, #tpu.memory_space<semaphore_mem>> -> memref<!tpu.dma_semaphore, #tpu.memory_space<semaphore_mem>>
      tpu.wait_indirect_dma semaphore(%dma_wait3A_173 : memref<!tpu.dma_semaphore, #tpu.memory_space<semaphore_mem>>) src(%dma_wait3A_171 : memref<20000x64xf32, #tpu.memory_space<hbm>>) dst(%dma_wait3A_165 : memref<80x64xf32, #tpu.memory_space<vmem>>)
      %add3A_174 = arith.addi %mul3A_17, %scan3A_158 : i32
      %dma_start3A_175 = arith.constant 0 : i32
      %dma_start3A_176 = arith.constant 0 : i32
      %dma_start3A_177 = tpu.memref_slice %arg8[%rem3A_160, %dma_start3A_175, %dma_start3A_176] : memref<9x80x64xf32, #tpu.memory_space<vmem>> -> memref<1x80x64xf32, #tpu.memory_space<vmem>>
      %dma_start3A_178 = tpu.memref_squeeze %dma_start3A_177 : memref<1x80x64xf32, #tpu.memory_space<vmem>> -> memref<80x64xf32, #tpu.memory_space<vmem>>
      %dma_start3A_179 = arith.constant 0 : i32
      %dma_start3A_180 = tpu.memref_slice %arg7[%add3A_174, %dma_start3A_179] : memref<250x80xi32, #tpu.memory_space<vmem>> -> memref<1x80xi32, #tpu.memory_space<vmem>>
      %dma_start3A_181 = tpu.memref_squeeze %dma_start3A_180 : memref<1x80xi32, #tpu.memory_space<vmem>> -> memref<80xi32, #tpu.memory_space<vmem>>
      %dma_start3A_182 = arith.constant 0 : i32
      %dma_start3A_183 = arith.constant 0 : i32
      %dma_start3A_184 = tpu.memref_slice %arg5[%dma_start3A_182, %dma_start3A_183] : memref<10000x64xf32, #tpu.memory_space<vmem_shared>> -> memref<10000x64xf32, #tpu.memory_space<vmem_shared>>
      %dma_start3A_185 = tpu.memref_slice %arg10[%rem3A_160] : memref<9x!tpu.dma_semaphore, #tpu.memory_space<semaphore_mem>> -> memref<1x!tpu.dma_semaphore, #tpu.memory_space<semaphore_mem>>
      %dma_start3A_186 = tpu.memref_squeeze %dma_start3A_185 : memref<1x!tpu.dma_semaphore, #tpu.memory_space<semaphore_mem>> -> memref<!tpu.dma_semaphore, #tpu.memory_space<semaphore_mem>>
      tpu.enqueue_indirect_dma source(%dma_start3A_178 : memref<80x64xf32, #tpu.memory_space<vmem>>) target(%dma_start3A_184 : memref<10000x64xf32, #tpu.memory_space<vmem_shared>>) offsets(%dma_start3A_181 : memref<80xi32, #tpu.memory_space<vmem>>) semaphore(%dma_start3A_186 : memref<!tpu.dma_semaphore, #tpu.memory_space<semaphore_mem>>) {add = true}
      %add3A_187 = arith.constant 4 : i32
      %add3A_188 = arith.addi %scan3A_158, %add3A_187 : i32
      %lt3A = arith.constant 125 : i32
      %lt3A_189 = arith.cmpi slt, %add3A_188, %lt3A : i32
      %convert_element_type3A_190 = arith.extui %lt3A_189 : i1 to i32
      %cond3A_191 = arith.constant 0 : i32
      %cond3A_192 = arith.cmpi ne, %convert_element_type3A_190, %cond3A_191 : i32
      scf.if %cond3A_192 {
        %add3A_194 = arith.constant 4 : i32
        %add3A_195 = arith.addi %scan3A_158, %add3A_194 : i32
        %rem3A_196 = arith.constant 9 : i32
        %rem3A_197 = arith.remsi %add3A_195, %rem3A_196 : i32
        %ge3A = arith.constant 5 : i32
        %ge3A_198 = arith.cmpi sge, %scan3A_158, %ge3A : i32
        %convert_element_type3A_199 = arith.extui %ge3A_198 : i1 to i32
        %cond3A_200 = arith.constant 0 : i32
        %cond3A_201 = arith.cmpi ne, %convert_element_type3A_199, %cond3A_200 : i32
        scf.if %cond3A_201 {
          %sub3A = arith.constant 5 : i32
          %sub3A_217 = arith.subi %scan3A_158, %sub3A : i32
          %add3A_218 = arith.addi %mul3A_17, %sub3A_217 : i32
          %dma_wait3A_219 = arith.constant 0 : i32
          %dma_wait3A_220 = arith.constant 0 : i32
          %dma_wait3A_221 = tpu.memref_slice %arg8[%rem3A_197, %dma_wait3A_219, %dma_wait3A_220] : memref<9x80x64xf32, #tpu.memory_space<vmem>> -> memref<1x80x64xf32, #tpu.memory_space<vmem>>
          %dma_wait3A_222 = tpu.memref_squeeze %dma_wait3A_221 : memref<1x80x64xf32, #tpu.memory_space<vmem>> -> memref<80x64xf32, #tpu.memory_space<vmem>>
          %dma_wait3A_223 = arith.constant 0 : i32
          %dma_wait3A_224 = tpu.memref_slice %arg7[%add3A_218, %dma_wait3A_223] : memref<250x80xi32, #tpu.memory_space<vmem>> -> memref<1x80xi32, #tpu.memory_space<vmem>>
          %dma_wait3A_225 = tpu.memref_squeeze %dma_wait3A_224 : memref<1x80xi32, #tpu.memory_space<vmem>> -> memref<80xi32, #tpu.memory_space<vmem>>
          %dma_wait3A_226 = arith.constant 0 : i32
          %dma_wait3A_227 = arith.constant 0 : i32
          %dma_wait3A_228 = tpu.memref_slice %arg5[%dma_wait3A_226, %dma_wait3A_227] : memref<10000x64xf32, #tpu.memory_space<vmem_shared>> -> memref<10000x64xf32, #tpu.memory_space<vmem_shared>>
          %dma_wait3A_229 = tpu.memref_slice %arg10[%rem3A_197] : memref<9x!tpu.dma_semaphore, #tpu.memory_space<semaphore_mem>> -> memref<1x!tpu.dma_semaphore, #tpu.memory_space<semaphore_mem>>
          %dma_wait3A_230 = tpu.memref_squeeze %dma_wait3A_229 : memref<1x!tpu.dma_semaphore, #tpu.memory_space<semaphore_mem>> -> memref<!tpu.dma_semaphore, #tpu.memory_space<semaphore_mem>>
          tpu.wait_indirect_dma semaphore(%dma_wait3A_230 : memref<!tpu.dma_semaphore, #tpu.memory_space<semaphore_mem>>) src(%dma_wait3A_222 : memref<80x64xf32, #tpu.memory_space<vmem>>) dst(%dma_wait3A_228 : memref<10000x64xf32, #tpu.memory_space<vmem_shared>>)
        } else {
        }
        %add3A_202 = arith.constant 4 : i32
        %add3A_203 = arith.addi %scan3A_158, %add3A_202 : i32
        %add3A_204 = arith.addi %mul3A_17, %add3A_203 : i32
        %dma_start3A_205 = arith.constant 0 : i32
        %dma_start3A_206 = arith.constant 0 : i32
        %dma_start3A_207 = tpu.memref_slice %arg8[%rem3A_197, %dma_start3A_205, %dma_start3A_206] : memref<9x80x64xf32, #tpu.memory_space<vmem>> -> memref<1x80x64xf32, #tpu.memory_space<vmem>>
        %dma_start3A_208 = tpu.memref_squeeze %dma_start3A_207 : memref<1x80x64xf32, #tpu.memory_space<vmem>> -> memref<80x64xf32, #tpu.memory_space<vmem>>
        %dma_start3A_209 = arith.constant 0 : i32
        %dma_start3A_210 = tpu.memref_slice %arg6[%add3A_204, %dma_start3A_209] : memref<250x80xi32, #tpu.memory_space<vmem>> -> memref<1x80xi32, #tpu.memory_space<vmem>>
        %dma_start3A_211 = tpu.memref_squeeze %dma_start3A_210 : memref<1x80xi32, #tpu.memory_space<vmem>> -> memref<80xi32, #tpu.memory_space<vmem>>
        %dma_start3A_212 = arith.constant 0 : i32
        %dma_start3A_213 = arith.constant 0 : i32
        %dma_start3A_214 = tpu.memref_slice %arg2[%dma_start3A_212, %dma_start3A_213] : memref<20000x64xf32, #tpu.memory_space<hbm>> -> memref<20000x64xf32, #tpu.memory_space<hbm>>
        %dma_start3A_215 = tpu.memref_slice %arg9[%rem3A_197] : memref<9x!tpu.dma_semaphore, #tpu.memory_space<semaphore_mem>> -> memref<1x!tpu.dma_semaphore, #tpu.memory_space<semaphore_mem>>
        %dma_start3A_216 = tpu.memref_squeeze %dma_start3A_215 : memref<1x!tpu.dma_semaphore, #tpu.memory_space<semaphore_mem>> -> memref<!tpu.dma_semaphore, #tpu.memory_space<semaphore_mem>>
        tpu.enqueue_indirect_dma source(%dma_start3A_214 : memref<20000x64xf32, #tpu.memory_space<hbm>>) target(%dma_start3A_208 : memref<80x64xf32, #tpu.memory_space<vmem>>) offsets(%dma_start3A_211 : memref<80xi32, #tpu.memory_space<vmem>>) semaphore(%dma_start3A_216 : memref<!tpu.dma_semaphore, #tpu.memory_space<semaphore_mem>>)
      } else {
      }
      %scan3A_193 = arith.constant 0 : i32
      scf.yield %scan3A_193 : i32
    }
    %scan3A_133 = arith.constant 125 : i32
    %scan3A_134 = arith.constant 0 : i32
    %scan3A_135 = arith.constant 0 : i32
    %scan3A_136 = arith.constant 9 : i32
    %scan3A_137 = arith.addi %scan3A_135, %scan3A_136 : i32
    %scan3A_138 = arith.constant 1 : i32
    %scan3A_139 = scf.for %scan3A_158 = %scan3A_135 to %scan3A_137 step %scan3A_138 iter_args(%scan3A_159 = %scan3A_134) -> (i32)  : i32 {
      %add3A_160 = arith.constant 116 : i32
      %add3A_161 = arith.addi %add3A_160, %scan3A_158 : i32
      %rem3A = arith.constant 9 : i32
      %rem3A_162 = arith.remsi %add3A_161, %rem3A : i32
      %add3A_163 = arith.addi %mul3A_17, %add3A_161 : i32
      %dma_wait3A_164 = arith.constant 0 : i32
      %dma_wait3A_165 = arith.constant 0 : i32
      %dma_wait3A_166 = tpu.memref_slice %arg8[%rem3A_162, %dma_wait3A_164, %dma_wait3A_165] : memref<9x80x64xf32, #tpu.memory_space<vmem>> -> memref<1x80x64xf32, #tpu.memory_space<vmem>>
      %dma_wait3A_167 = tpu.memref_squeeze %dma_wait3A_166 : memref<1x80x64xf32, #tpu.memory_space<vmem>> -> memref<80x64xf32, #tpu.memory_space<vmem>>
      %dma_wait3A_168 = arith.constant 0 : i32
      %dma_wait3A_169 = tpu.memref_slice %arg7[%add3A_163, %dma_wait3A_168] : memref<250x80xi32, #tpu.memory_space<vmem>> -> memref<1x80xi32, #tpu.memory_space<vmem>>
      %dma_wait3A_170 = tpu.memref_squeeze %dma_wait3A_169 : memref<1x80xi32, #tpu.memory_space<vmem>> -> memref<80xi32, #tpu.memory_space<vmem>>
      %dma_wait3A_171 = arith.constant 0 : i32
      %dma_wait3A_172 = arith.constant 0 : i32
      %dma_wait3A_173 = tpu.memref_slice %arg5[%dma_wait3A_171, %dma_wait3A_172] : memref<10000x64xf32, #tpu.memory_space<vmem_shared>> -> memref<10000x64xf32, #tpu.memory_space<vmem_shared>>
      %dma_wait3A_174 = tpu.memref_slice %arg10[%rem3A_162] : memref<9x!tpu.dma_semaphore, #tpu.memory_space<semaphore_mem>> -> memref<1x!tpu.dma_semaphore, #tpu.memory_space<semaphore_mem>>
      %dma_wait3A_175 = tpu.memref_squeeze %dma_wait3A_174 : memref<1x!tpu.dma_semaphore, #tpu.memory_space<semaphore_mem>> -> memref<!tpu.dma_semaphore, #tpu.memory_space<semaphore_mem>>
      tpu.wait_indirect_dma semaphore(%dma_wait3A_175 : memref<!tpu.dma_semaphore, #tpu.memory_space<semaphore_mem>>) src(%dma_wait3A_167 : memref<80x64xf32, #tpu.memory_space<vmem>>) dst(%dma_wait3A_173 : memref<10000x64xf32, #tpu.memory_space<vmem_shared>>)
      %scan3A_176 = arith.constant 0 : i32
      scf.yield %scan3A_176 : i32
    }
    %scan3A_140 = arith.constant 9 : i32
    %barrier3A_141 = arith.constant 0 : index
    tpu.barrier barrier_id(%barrier3A_141)
    %scan3A_142 = arith.constant 0 : i32
    %scan3A_143 = arith.constant 0 : i32
    %scan3A_144 = arith.constant 7 : i32
    %scan3A_145 = arith.addi %scan3A_143, %scan3A_144 : i32
    %scan3A_146 = arith.constant 1 : i32
    %scan3A_147 = scf.for %scan3A_158 = %scan3A_143 to %scan3A_145 step %scan3A_146 iter_args(%scan3A_159 = %scan3A_142) -> (i32)  : i32 {
      %mul3A_160 = arith.constant 80 : i32
      %mul3A_161 = arith.muli %scan3A_158, %mul3A_160 : i32
      %add3A_162 = arith.addi %mul3A_26, %mul3A_161 : i32
      %mul3A_163 = arith.constant 64 : i32
      %mul3A_164 = arith.muli %arg0, %mul3A_163 : i32
      "tpu.region"() ({
        %run_scoped3A_166 = tpu.sem_alloc : memref<!tpu.dma_semaphore, #tpu.memory_space<semaphore_mem>>
        %dma_start3A_167 = tpu.memref_slice %arg4[%add3A_162, %mul3A_164] : memref<10000x128xf32, #tpu.memory_space<hbm>> -> memref<80x64xf32, #tpu.memory_space<hbm>>
        %dma_start3A_168 = arith.constant 0 : i32
        %dma_start3A_169 = tpu.memref_slice %arg5[%add3A_162, %dma_start3A_168] : memref<10000x64xf32, #tpu.memory_space<vmem_shared>> -> memref<80x64xf32, #tpu.memory_space<vmem_shared>>
        tpu.enqueue_dma source(%dma_start3A_169 : memref<80x64xf32, #tpu.memory_space<vmem_shared>>) target(%dma_start3A_167 : memref<80x64xf32, #tpu.memory_space<hbm>>) target_semaphore(%run_scoped3A_166 : memref<!tpu.dma_semaphore, #tpu.memory_space<semaphore_mem>>)
        %dma_wait3A_170 = tpu.memref_slice %arg4[%add3A_162, %mul3A_164] : memref<10000x128xf32, #tpu.memory_space<hbm>> -> memref<80x64xf32, #tpu.memory_space<hbm>>
        %dma_wait3A_171 = arith.constant 0 : i32
        %dma_wait3A_172 = tpu.memref_slice %arg5[%add3A_162, %dma_wait3A_171] : memref<10000x64xf32, #tpu.memory_space<vmem_shared>> -> memref<80x64xf32, #tpu.memory_space<vmem_shared>>
        tpu.wait_dma2 semaphore(%run_scoped3A_166 : memref<!tpu.dma_semaphore, #tpu.memory_space<semaphore_mem>>) src(%dma_wait3A_172 : memref<80x64xf32, #tpu.memory_space<vmem_shared>>) dst(%dma_wait3A_170 : memref<80x64xf32, #tpu.memory_space<hbm>>)
        tpu.yield
      }) : () -> ()
      %scan3A_165 = arith.constant 0 : i32
      scf.yield %scan3A_165 : i32
    }
    %scan3A_148 = arith.constant 7 : i32
    %add3A_149 = arith.constant 560 : i32
    %add3A_150 = arith.addi %mul3A_26, %add3A_149 : i32
    %mul3A_151 = arith.constant 64 : i32
    %mul3A_152 = arith.muli %arg0, %mul3A_151 : i32
    "tpu.region"() ({
      %run_scoped3A_158 = tpu.sem_alloc : memref<!tpu.dma_semaphore, #tpu.memory_space<semaphore_mem>>
      %dma_start3A_159 = tpu.memref_slice %arg4[%add3A_150, %mul3A_152] : memref<10000x128xf32, #tpu.memory_space<hbm>> -> memref<64x64xf32, #tpu.memory_space<hbm>>
      %dma_start3A_160 = arith.constant 0 : i32
      %dma_start3A_161 = tpu.memref_slice %arg5[%add3A_150, %dma_start3A_160] : memref<10000x64xf32, #tpu.memory_space<vmem_shared>> -> memref<64x64xf32, #tpu.memory_space<vmem_shared>>
      tpu.enqueue_dma source(%dma_start3A_161 : memref<64x64xf32, #tpu.memory_space<vmem_shared>>) target(%dma_start3A_159 : memref<64x64xf32, #tpu.memory_space<hbm>>) target_semaphore(%run_scoped3A_158 : memref<!tpu.dma_semaphore, #tpu.memory_space<semaphore_mem>>)
      %dma_wait3A_162 = tpu.memref_slice %arg4[%add3A_150, %mul3A_152] : memref<10000x128xf32, #tpu.memory_space<hbm>> -> memref<64x64xf32, #tpu.memory_space<hbm>>
      %dma_wait3A_163 = arith.constant 0 : i32
      %dma_wait3A_164 = tpu.memref_slice %arg5[%add3A_150, %dma_wait3A_163] : memref<10000x64xf32, #tpu.memory_space<vmem_shared>> -> memref<64x64xf32, #tpu.memory_space<vmem_shared>>
      tpu.wait_dma2 semaphore(%run_scoped3A_158 : memref<!tpu.dma_semaphore, #tpu.memory_space<semaphore_mem>>) src(%dma_wait3A_164 : memref<64x64xf32, #tpu.memory_space<vmem_shared>>) dst(%dma_wait3A_162 : memref<64x64xf32, #tpu.memory_space<hbm>>)
      tpu.yield
    }) : () -> ()
    %eq3A_153 = arith.constant 0 : i32
    %eq3A_154 = arith.cmpi eq, %arg1, %eq3A_153 : i32
    %convert_element_type3A_155 = arith.extui %eq3A_154 : i1 to i32
    %cond3A_156 = arith.constant 0 : i32
    %cond3A_157 = arith.cmpi ne, %convert_element_type3A_155, %cond3A_156 : i32
    scf.if %cond3A_157 {
      %mul3A_158 = arith.constant 64 : i32
      %mul3A_159 = arith.muli %arg0, %mul3A_158 : i32
      "tpu.region"() ({
        %run_scoped3A_160 = tpu.sem_alloc : memref<!tpu.dma_semaphore, #tpu.memory_space<semaphore_mem>>
        %dma_start3A_161 = arith.constant 9984 : i32
        %dma_start3A_162 = tpu.memref_slice %arg4[%dma_start3A_161, %mul3A_159] : memref<10000x128xf32, #tpu.memory_space<hbm>> -> memref<16x64xf32, #tpu.memory_space<hbm>>
        %dma_start3A_163 = arith.constant 9984 : i32
        %dma_start3A_164 = arith.constant 0 : i32
        %dma_start3A_165 = tpu.memref_slice %arg5[%dma_start3A_163, %dma_start3A_164] : memref<10000x64xf32, #tpu.memory_space<vmem_shared>> -> memref<16x64xf32, #tpu.memory_space<vmem_shared>>
        tpu.enqueue_dma source(%dma_start3A_165 : memref<16x64xf32, #tpu.memory_space<vmem_shared>>) target(%dma_start3A_162 : memref<16x64xf32, #tpu.memory_space<hbm>>) target_semaphore(%run_scoped3A_160 : memref<!tpu.dma_semaphore, #tpu.memory_space<semaphore_mem>>)
        %dma_wait3A_166 = arith.constant 9984 : i32
        %dma_wait3A_167 = tpu.memref_slice %arg4[%dma_wait3A_166, %mul3A_159] : memref<10000x128xf32, #tpu.memory_space<hbm>> -> memref<16x64xf32, #tpu.memory_space<hbm>>
        %dma_wait3A_168 = arith.constant 9984 : i32
        %dma_wait3A_169 = arith.constant 0 : i32
        %dma_wait3A_170 = tpu.memref_slice %arg5[%dma_wait3A_168, %dma_wait3A_169] : memref<10000x64xf32, #tpu.memory_space<vmem_shared>> -> memref<16x64xf32, #tpu.memory_space<vmem_shared>>
        tpu.wait_dma2 semaphore(%run_scoped3A_160 : memref<!tpu.dma_semaphore, #tpu.memory_space<semaphore_mem>>) src(%dma_wait3A_170 : memref<16x64xf32, #tpu.memory_space<vmem_shared>>) dst(%dma_wait3A_167 : memref<16x64xf32, #tpu.memory_space<hbm>>)
        tpu.yield
      }) : () -> ()
    } else {
    }
    return
  }
}

#map = affine_map<(d0, d1) -> (0, 0)>
#map1 = affine_map<(d0, d1) -> (0, 0, 0, 0)>
module attributes {stable_mosaic.version = 14 : i64} {
  func.func @_agg1(%arg0: i32, %arg1: i32, %arg2: memref<20000x64xf32, #tpu.memory_space<hbm>>, %arg3: memref<2x16x250x80xi32, #tpu.memory_space<hbm>>, %arg4: memref<10000x128xf32, #tpu.memory_space<hbm>>, %arg5: memref<10000x64xf32, #tpu.memory_space<vmem_shared>>, %arg6: memref<250x80xi32, #tpu.memory_space<vmem>>, %arg7: memref<250x80xi32, #tpu.memory_space<vmem>>, %arg8: memref<9x80x64xf32, #tpu.memory_space<vmem>>, %arg9: memref<9x!tpu.dma_semaphore, #tpu.memory_space<semaphore_mem>>, %arg10: memref<9x!tpu.dma_semaphore, #tpu.memory_space<semaphore_mem>>, %arg11: memref<!tpu.dma_semaphore, #tpu.memory_space<semaphore_mem>>, %arg12: memref<!tpu.dma_semaphore, #tpu.memory_space<semaphore_mem>>) attributes {dimension_semantics = [#tpu.dimension_semantics<core_parallel>, #tpu.dimension_semantics<subcore_parallel>], iteration_bounds = array<i64: 2, 16>, scalar_prefetch = 0 : i64, scratch_operands = 8 : i64, tpu.core_type = #tpu.core_type<sc_vector_subcore>, window_params = [{transform_indices = #map}, {transform_indices = #map1}, {transform_indices = #map}]} {
    %dma_start3A = arith.constant 0 : i32
    %dma_start3A_0 = arith.constant 0 : i32
    %dma_start3A_1 = arith.constant 0 : i32
    %dma_start3A_2 = tpu.memref_slice %arg3[%dma_start3A, %arg1, %dma_start3A_0, %dma_start3A_1] : memref<2x16x250x80xi32, #tpu.memory_space<hbm>> -> memref<1x1x250x80xi32, #tpu.memory_space<hbm>>
    %dma_start3A_3 = tpu.memref_squeeze %dma_start3A_2 : memref<1x1x250x80xi32, #tpu.memory_space<hbm>> -> memref<250x80xi32, #tpu.memory_space<hbm>>
    %dma_start3A_4 = arith.constant 0 : i32
    %dma_start3A_5 = arith.constant 0 : i32
    %dma_start3A_6 = tpu.memref_slice %arg3[%dma_start3A, %arg1, %dma_start3A_4, %dma_start3A_5] : memref<2x16x250x80xi32, #tpu.memory_space<hbm>> -> memref<1x1x250x80xi32, #tpu.memory_space<hbm>>
    %dma_start3A_7 = tpu.memref_squeeze %dma_start3A_6 : memref<1x1x250x80xi32, #tpu.memory_space<hbm>> -> memref<250x80xi32, #tpu.memory_space<hbm>>
    tpu.enqueue_dma source(%dma_start3A_7 : memref<250x80xi32, #tpu.memory_space<hbm>>) target(%arg6 : memref<250x80xi32, #tpu.memory_space<vmem>>) target_semaphore(%arg11 : memref<!tpu.dma_semaphore, #tpu.memory_space<semaphore_mem>>)
    %dma_start3A_8 = arith.constant 1 : i32
    %dma_start3A_9 = arith.constant 0 : i32
    %dma_start3A_10 = arith.constant 0 : i32
    %dma_start3A_11 = tpu.memref_slice %arg3[%dma_start3A_8, %arg1, %dma_start3A_9, %dma_start3A_10] : memref<2x16x250x80xi32, #tpu.memory_space<hbm>> -> memref<1x1x250x80xi32, #tpu.memory_space<hbm>>
    %dma_start3A_12 = tpu.memref_squeeze %dma_start3A_11 : memref<1x1x250x80xi32, #tpu.memory_space<hbm>> -> memref<250x80xi32, #tpu.memory_space<hbm>>
    %dma_start3A_13 = arith.constant 0 : i32
    %dma_start3A_14 = arith.constant 0 : i32
    %dma_start3A_15 = tpu.memref_slice %arg3[%dma_start3A_8, %arg1, %dma_start3A_13, %dma_start3A_14] : memref<2x16x250x80xi32, #tpu.memory_space<hbm>> -> memref<1x1x250x80xi32, #tpu.memory_space<hbm>>
    %dma_start3A_16 = tpu.memref_squeeze %dma_start3A_15 : memref<1x1x250x80xi32, #tpu.memory_space<hbm>> -> memref<250x80xi32, #tpu.memory_space<hbm>>
    tpu.enqueue_dma source(%dma_start3A_16 : memref<250x80xi32, #tpu.memory_space<hbm>>) target(%arg7 : memref<250x80xi32, #tpu.memory_space<vmem>>) target_semaphore(%arg12 : memref<!tpu.dma_semaphore, #tpu.memory_space<semaphore_mem>>)
    %broadcast_in_dim3A = arith.constant 0.000000e+00 : f32
    %broadcast_in_dim3A_17 = vector.broadcast %broadcast_in_dim3A : f32 to vector<16xf32>
    %scan3A = arith.constant 0 : i32
    %scan3A_18 = arith.constant 0 : i32
    %scan3A_19 = arith.constant 80 : i32
    %scan3A_20 = arith.addi %scan3A_18, %scan3A_19 : i32
    %scan3A_21 = arith.constant 1 : i32
    %scan3A_22 = scf.for %scan3A_151 = %scan3A_18 to %scan3A_20 step %scan3A_21 iter_args(%scan3A_152 = %scan3A) -> (i32)  : i32 {
      %swap3A = arith.constant 0 : i32
      %swap3A_153 = arith.index_cast %swap3A : i32 to index
      %swap3A_154 = arith.index_cast %scan3A_151 : i32 to index
      %swap3A_155 = arith.constant 0 : index
      %swap3A_156 = tpu.vector_load %arg8[%swap3A_153, %swap3A_154, %swap3A_155] {strides = array<i32>} : memref<9x80x64xf32, #tpu.memory_space<vmem>>, vector<1x1x16xf32>,
      %swap3A_157 = vector.shape_cast %swap3A_156 : vector<1x1x16xf32> to vector<16xf32>
      %swap3A_158 = vector.shape_cast %broadcast_in_dim3A_17 : vector<16xf32> to vector<1x1x16xf32>
      tpu.vector_store %arg8[%swap3A_153, %swap3A_154, %swap3A_155], %swap3A_158 {strides = array<i32>} : memref<9x80x64xf32, #tpu.memory_space<vmem>>, vector<1x1x16xf32>,
      %swap3A_159 = arith.constant 0 : i32
      %swap3A_160 = arith.index_cast %swap3A_159 : i32 to index
      %swap3A_161 = arith.index_cast %scan3A_151 : i32 to index
      %swap3A_162 = arith.constant 16 : index
      %swap3A_163 = tpu.vector_load %arg8[%swap3A_160, %swap3A_161, %swap3A_162] {strides = array<i32>} : memref<9x80x64xf32, #tpu.memory_space<vmem>>, vector<1x1x16xf32>,
      %swap3A_164 = vector.shape_cast %swap3A_163 : vector<1x1x16xf32> to vector<16xf32>
      %swap3A_165 = vector.shape_cast %broadcast_in_dim3A_17 : vector<16xf32> to vector<1x1x16xf32>
      tpu.vector_store %arg8[%swap3A_160, %swap3A_161, %swap3A_162], %swap3A_165 {strides = array<i32>} : memref<9x80x64xf32, #tpu.memory_space<vmem>>, vector<1x1x16xf32>,
      %swap3A_166 = arith.constant 0 : i32
      %swap3A_167 = arith.index_cast %swap3A_166 : i32 to index
      %swap3A_168 = arith.index_cast %scan3A_151 : i32 to index
      %swap3A_169 = arith.constant 32 : index
      %swap3A_170 = tpu.vector_load %arg8[%swap3A_167, %swap3A_168, %swap3A_169] {strides = array<i32>} : memref<9x80x64xf32, #tpu.memory_space<vmem>>, vector<1x1x16xf32>,
      %swap3A_171 = vector.shape_cast %swap3A_170 : vector<1x1x16xf32> to vector<16xf32>
      %swap3A_172 = vector.shape_cast %broadcast_in_dim3A_17 : vector<16xf32> to vector<1x1x16xf32>
      tpu.vector_store %arg8[%swap3A_167, %swap3A_168, %swap3A_169], %swap3A_172 {strides = array<i32>} : memref<9x80x64xf32, #tpu.memory_space<vmem>>, vector<1x1x16xf32>,
      %swap3A_173 = arith.constant 0 : i32
      %swap3A_174 = arith.index_cast %swap3A_173 : i32 to index
      %swap3A_175 = arith.index_cast %scan3A_151 : i32 to index
      %swap3A_176 = arith.constant 48 : index
      %swap3A_177 = tpu.vector_load %arg8[%swap3A_174, %swap3A_175, %swap3A_176] {strides = array<i32>} : memref<9x80x64xf32, #tpu.memory_space<vmem>>, vector<1x1x16xf32>,
      %swap3A_178 = vector.shape_cast %swap3A_177 : vector<1x1x16xf32> to vector<16xf32>
      %swap3A_179 = vector.shape_cast %broadcast_in_dim3A_17 : vector<16xf32> to vector<1x1x16xf32>
      tpu.vector_store %arg8[%swap3A_174, %swap3A_175, %swap3A_176], %swap3A_179 {strides = array<i32>} : memref<9x80x64xf32, #tpu.memory_space<vmem>>, vector<1x1x16xf32>,
      %scan3A_180 = arith.constant 0 : i32
      scf.yield %scan3A_180 : i32
    }
    %scan3A_23 = arith.constant 80 : i32
    %mul3A = arith.constant 624 : i32
    %mul3A_24 = arith.muli %arg1, %mul3A : i32
    %scan3A_25 = arith.constant 0 : i32
    %scan3A_26 = arith.constant 0 : i32
    %scan3A_27 = arith.constant 7 : i32
    %scan3A_28 = arith.addi %scan3A_26, %scan3A_27 : i32
    %scan3A_29 = arith.constant 1 : i32
    %scan3A_30 = scf.for %scan3A_151 = %scan3A_26 to %scan3A_28 step %scan3A_29 iter_args(%scan3A_152 = %scan3A_25) -> (i32)  : i32 {
      %mul3A_153 = arith.constant 80 : i32
      %mul3A_154 = arith.muli %scan3A_151, %mul3A_153 : i32
      %add3A_155 = arith.addi %mul3A_24, %mul3A_154 : i32
      %run_scoped3A_156 = arith.constant 0 : i32
      "tpu.region"() ({
        %run_scoped3A_158 = tpu.sem_alloc : memref<!tpu.dma_semaphore, #tpu.memory_space<semaphore_mem>>
        %dma_start3A_159 = arith.constant 0 : i32
        %dma_start3A_160 = arith.constant 0 : i32
        %dma_start3A_161 = tpu.memref_slice %arg8[%run_scoped3A_156, %dma_start3A_159, %dma_start3A_160] : memref<9x80x64xf32, #tpu.memory_space<vmem>> -> memref<1x80x64xf32, #tpu.memory_space<vmem>>
        %dma_start3A_162 = tpu.memref_squeeze %dma_start3A_161 : memref<1x80x64xf32, #tpu.memory_space<vmem>> -> memref<80x64xf32, #tpu.memory_space<vmem>>
        %dma_start3A_163 = arith.constant 0 : i32
        %dma_start3A_164 = tpu.memref_slice %arg5[%add3A_155, %dma_start3A_163] : memref<10000x64xf32, #tpu.memory_space<vmem_shared>> -> memref<80x64xf32, #tpu.memory_space<vmem_shared>>
        %dma_start3A_165 = arith.constant 0 : i32
        %dma_start3A_166 = tpu.memref_slice %arg5[%add3A_155, %dma_start3A_165] : memref<10000x64xf32, #tpu.memory_space<vmem_shared>> -> memref<80x64xf32, #tpu.memory_space<vmem_shared>>
        %dma_start3A_167 = arith.constant 0 : i32
        %dma_start3A_168 = arith.constant 0 : i32
        %dma_start3A_169 = tpu.memref_slice %arg8[%run_scoped3A_156, %dma_start3A_167, %dma_start3A_168] : memref<9x80x64xf32, #tpu.memory_space<vmem>> -> memref<1x80x64xf32, #tpu.memory_space<vmem>>
        %dma_start3A_170 = tpu.memref_squeeze %dma_start3A_169 : memref<1x80x64xf32, #tpu.memory_space<vmem>> -> memref<80x64xf32, #tpu.memory_space<vmem>>
        tpu.enqueue_dma source(%dma_start3A_170 : memref<80x64xf32, #tpu.memory_space<vmem>>) target(%dma_start3A_166 : memref<80x64xf32, #tpu.memory_space<vmem_shared>>) target_semaphore(%run_scoped3A_158 : memref<!tpu.dma_semaphore, #tpu.memory_space<semaphore_mem>>)
        %dma_wait3A_171 = arith.constant 0 : i32
        %dma_wait3A_172 = arith.constant 0 : i32
        %dma_wait3A_173 = tpu.memref_slice %arg8[%run_scoped3A_156, %dma_wait3A_171, %dma_wait3A_172] : memref<9x80x64xf32, #tpu.memory_space<vmem>> -> memref<1x80x64xf32, #tpu.memory_space<vmem>>
        %dma_wait3A_174 = tpu.memref_squeeze %dma_wait3A_173 : memref<1x80x64xf32, #tpu.memory_space<vmem>> -> memref<80x64xf32, #tpu.memory_space<vmem>>
        %dma_wait3A_175 = arith.constant 0 : i32
        %dma_wait3A_176 = tpu.memref_slice %arg5[%add3A_155, %dma_wait3A_175] : memref<10000x64xf32, #tpu.memory_space<vmem_shared>> -> memref<80x64xf32, #tpu.memory_space<vmem_shared>>
        %dma_wait3A_177 = arith.constant 0 : i32
        %dma_wait3A_178 = tpu.memref_slice %arg5[%add3A_155, %dma_wait3A_177] : memref<10000x64xf32, #tpu.memory_space<vmem_shared>> -> memref<80x64xf32, #tpu.memory_space<vmem_shared>>
        %dma_wait3A_179 = arith.constant 0 : i32
        %dma_wait3A_180 = arith.constant 0 : i32
        %dma_wait3A_181 = tpu.memref_slice %arg8[%run_scoped3A_156, %dma_wait3A_179, %dma_wait3A_180] : memref<9x80x64xf32, #tpu.memory_space<vmem>> -> memref<1x80x64xf32, #tpu.memory_space<vmem>>
        %dma_wait3A_182 = tpu.memref_squeeze %dma_wait3A_181 : memref<1x80x64xf32, #tpu.memory_space<vmem>> -> memref<80x64xf32, #tpu.memory_space<vmem>>
        tpu.wait_dma2 semaphore(%run_scoped3A_158 : memref<!tpu.dma_semaphore, #tpu.memory_space<semaphore_mem>>) src(%dma_wait3A_182 : memref<80x64xf32, #tpu.memory_space<vmem>>) dst(%dma_wait3A_178 : memref<80x64xf32, #tpu.memory_space<vmem_shared>>)
        tpu.yield
      }) : () -> ()
      %scan3A_157 = arith.constant 0 : i32
      scf.yield %scan3A_157 : i32
    }
    %scan3A_31 = arith.constant 7 : i32
    %add3A = arith.constant 560 : i32
    %add3A_32 = arith.addi %mul3A_24, %add3A : i32
    %run_scoped3A = arith.constant 0 : i32
    "tpu.region"() ({
      %run_scoped3A_151 = tpu.sem_alloc : memref<!tpu.dma_semaphore, #tpu.memory_space<semaphore_mem>>
      %dma_start3A_152 = arith.constant 0 : i32
      %dma_start3A_153 = arith.constant 0 : i32
      %dma_start3A_154 = tpu.memref_slice %arg8[%run_scoped3A, %dma_start3A_152, %dma_start3A_153] : memref<9x80x64xf32, #tpu.memory_space<vmem>> -> memref<1x64x64xf32, #tpu.memory_space<vmem>>
      %dma_start3A_155 = tpu.memref_squeeze %dma_start3A_154 : memref<1x64x64xf32, #tpu.memory_space<vmem>> -> memref<64x64xf32, #tpu.memory_space<vmem>>
      %dma_start3A_156 = arith.constant 0 : i32
      %dma_start3A_157 = tpu.memref_slice %arg5[%add3A_32, %dma_start3A_156] : memref<10000x64xf32, #tpu.memory_space<vmem_shared>> -> memref<64x64xf32, #tpu.memory_space<vmem_shared>>
      %dma_start3A_158 = arith.constant 0 : i32
      %dma_start3A_159 = tpu.memref_slice %arg5[%add3A_32, %dma_start3A_158] : memref<10000x64xf32, #tpu.memory_space<vmem_shared>> -> memref<64x64xf32, #tpu.memory_space<vmem_shared>>
      %dma_start3A_160 = arith.constant 0 : i32
      %dma_start3A_161 = arith.constant 0 : i32
      %dma_start3A_162 = tpu.memref_slice %arg8[%run_scoped3A, %dma_start3A_160, %dma_start3A_161] : memref<9x80x64xf32, #tpu.memory_space<vmem>> -> memref<1x64x64xf32, #tpu.memory_space<vmem>>
      %dma_start3A_163 = tpu.memref_squeeze %dma_start3A_162 : memref<1x64x64xf32, #tpu.memory_space<vmem>> -> memref<64x64xf32, #tpu.memory_space<vmem>>
      tpu.enqueue_dma source(%dma_start3A_163 : memref<64x64xf32, #tpu.memory_space<vmem>>) target(%dma_start3A_159 : memref<64x64xf32, #tpu.memory_space<vmem_shared>>) target_semaphore(%run_scoped3A_151 : memref<!tpu.dma_semaphore, #tpu.memory_space<semaphore_mem>>)
      %dma_wait3A_164 = arith.constant 0 : i32
      %dma_wait3A_165 = arith.constant 0 : i32
      %dma_wait3A_166 = tpu.memref_slice %arg8[%run_scoped3A, %dma_wait3A_164, %dma_wait3A_165] : memref<9x80x64xf32, #tpu.memory_space<vmem>> -> memref<1x64x64xf32, #tpu.memory_space<vmem>>
      %dma_wait3A_167 = tpu.memref_squeeze %dma_wait3A_166 : memref<1x64x64xf32, #tpu.memory_space<vmem>> -> memref<64x64xf32, #tpu.memory_space<vmem>>
      %dma_wait3A_168 = arith.constant 0 : i32
      %dma_wait3A_169 = tpu.memref_slice %arg5[%add3A_32, %dma_wait3A_168] : memref<10000x64xf32, #tpu.memory_space<vmem_shared>> -> memref<64x64xf32, #tpu.memory_space<vmem_shared>>
      %dma_wait3A_170 = arith.constant 0 : i32
      %dma_wait3A_171 = tpu.memref_slice %arg5[%add3A_32, %dma_wait3A_170] : memref<10000x64xf32, #tpu.memory_space<vmem_shared>> -> memref<64x64xf32, #tpu.memory_space<vmem_shared>>
      %dma_wait3A_172 = arith.constant 0 : i32
      %dma_wait3A_173 = arith.constant 0 : i32
      %dma_wait3A_174 = tpu.memref_slice %arg8[%run_scoped3A, %dma_wait3A_172, %dma_wait3A_173] : memref<9x80x64xf32, #tpu.memory_space<vmem>> -> memref<1x64x64xf32, #tpu.memory_space<vmem>>
      %dma_wait3A_175 = tpu.memref_squeeze %dma_wait3A_174 : memref<1x64x64xf32, #tpu.memory_space<vmem>> -> memref<64x64xf32, #tpu.memory_space<vmem>>
      tpu.wait_dma2 semaphore(%run_scoped3A_151 : memref<!tpu.dma_semaphore, #tpu.memory_space<semaphore_mem>>) src(%dma_wait3A_175 : memref<64x64xf32, #tpu.memory_space<vmem>>) dst(%dma_wait3A_171 : memref<64x64xf32, #tpu.memory_space<vmem_shared>>)
      tpu.yield
    }) : () -> ()
    %eq3A = arith.constant 0 : i32
    %eq3A_33 = arith.cmpi eq, %arg1, %eq3A : i32
    %convert_element_type3A = arith.extui %eq3A_33 : i1 to i32
    %cond3A = arith.constant 0 : i32
    %cond3A_34 = arith.cmpi ne, %convert_element_type3A, %cond3A : i32
    scf.if %cond3A_34 {
      %run_scoped3A_151 = arith.constant 0 : i32
      "tpu.region"() ({
        %run_scoped3A_152 = tpu.sem_alloc : memref<!tpu.dma_semaphore, #tpu.memory_space<semaphore_mem>>
        %dma_start3A_153 = arith.constant 0 : i32
        %dma_start3A_154 = arith.constant 0 : i32
        %dma_start3A_155 = tpu.memref_slice %arg8[%run_scoped3A_151, %dma_start3A_153, %dma_start3A_154] : memref<9x80x64xf32, #tpu.memory_space<vmem>> -> memref<1x16x64xf32, #tpu.memory_space<vmem>>
        %dma_start3A_156 = tpu.memref_squeeze %dma_start3A_155 : memref<1x16x64xf32, #tpu.memory_space<vmem>> -> memref<16x64xf32, #tpu.memory_space<vmem>>
        %dma_start3A_157 = arith.constant 9984 : i32
        %dma_start3A_158 = arith.constant 0 : i32
        %dma_start3A_159 = tpu.memref_slice %arg5[%dma_start3A_157, %dma_start3A_158] : memref<10000x64xf32, #tpu.memory_space<vmem_shared>> -> memref<16x64xf32, #tpu.memory_space<vmem_shared>>
        %dma_start3A_160 = arith.constant 9984 : i32
        %dma_start3A_161 = arith.constant 0 : i32
        %dma_start3A_162 = tpu.memref_slice %arg5[%dma_start3A_160, %dma_start3A_161] : memref<10000x64xf32, #tpu.memory_space<vmem_shared>> -> memref<16x64xf32, #tpu.memory_space<vmem_shared>>
        %dma_start3A_163 = arith.constant 0 : i32
        %dma_start3A_164 = arith.constant 0 : i32
        %dma_start3A_165 = tpu.memref_slice %arg8[%run_scoped3A_151, %dma_start3A_163, %dma_start3A_164] : memref<9x80x64xf32, #tpu.memory_space<vmem>> -> memref<1x16x64xf32, #tpu.memory_space<vmem>>
        %dma_start3A_166 = tpu.memref_squeeze %dma_start3A_165 : memref<1x16x64xf32, #tpu.memory_space<vmem>> -> memref<16x64xf32, #tpu.memory_space<vmem>>
        tpu.enqueue_dma source(%dma_start3A_166 : memref<16x64xf32, #tpu.memory_space<vmem>>) target(%dma_start3A_162 : memref<16x64xf32, #tpu.memory_space<vmem_shared>>) target_semaphore(%run_scoped3A_152 : memref<!tpu.dma_semaphore, #tpu.memory_space<semaphore_mem>>)
        %dma_wait3A_167 = arith.constant 0 : i32
        %dma_wait3A_168 = arith.constant 0 : i32
        %dma_wait3A_169 = tpu.memref_slice %arg8[%run_scoped3A_151, %dma_wait3A_167, %dma_wait3A_168] : memref<9x80x64xf32, #tpu.memory_space<vmem>> -> memref<1x16x64xf32, #tpu.memory_space<vmem>>
        %dma_wait3A_170 = tpu.memref_squeeze %dma_wait3A_169 : memref<1x16x64xf32, #tpu.memory_space<vmem>> -> memref<16x64xf32, #tpu.memory_space<vmem>>
        %dma_wait3A_171 = arith.constant 9984 : i32
        %dma_wait3A_172 = arith.constant 0 : i32
        %dma_wait3A_173 = tpu.memref_slice %arg5[%dma_wait3A_171, %dma_wait3A_172] : memref<10000x64xf32, #tpu.memory_space<vmem_shared>> -> memref<16x64xf32, #tpu.memory_space<vmem_shared>>
        %dma_wait3A_174 = arith.constant 9984 : i32
        %dma_wait3A_175 = arith.constant 0 : i32
        %dma_wait3A_176 = tpu.memref_slice %arg5[%dma_wait3A_174, %dma_wait3A_175] : memref<10000x64xf32, #tpu.memory_space<vmem_shared>> -> memref<16x64xf32, #tpu.memory_space<vmem_shared>>
        %dma_wait3A_177 = arith.constant 0 : i32
        %dma_wait3A_178 = arith.constant 0 : i32
        %dma_wait3A_179 = tpu.memref_slice %arg8[%run_scoped3A_151, %dma_wait3A_177, %dma_wait3A_178] : memref<9x80x64xf32, #tpu.memory_space<vmem>> -> memref<1x16x64xf32, #tpu.memory_space<vmem>>
        %dma_wait3A_180 = tpu.memref_squeeze %dma_wait3A_179 : memref<1x16x64xf32, #tpu.memory_space<vmem>> -> memref<16x64xf32, #tpu.memory_space<vmem>>
        tpu.wait_dma2 semaphore(%run_scoped3A_152 : memref<!tpu.dma_semaphore, #tpu.memory_space<semaphore_mem>>) src(%dma_wait3A_180 : memref<16x64xf32, #tpu.memory_space<vmem>>) dst(%dma_wait3A_176 : memref<16x64xf32, #tpu.memory_space<vmem_shared>>)
        tpu.yield
      }) : () -> ()
    } else {
    }
    %dma_wait3A = arith.constant 0 : i32
    %dma_wait3A_35 = arith.constant 0 : i32
    %dma_wait3A_36 = arith.constant 0 : i32
    %dma_wait3A_37 = tpu.memref_slice %arg3[%dma_wait3A, %arg1, %dma_wait3A_35, %dma_wait3A_36] : memref<2x16x250x80xi32, #tpu.memory_space<hbm>> -> memref<1x1x250x80xi32, #tpu.memory_space<hbm>>
    %dma_wait3A_38 = tpu.memref_squeeze %dma_wait3A_37 : memref<1x1x250x80xi32, #tpu.memory_space<hbm>> -> memref<250x80xi32, #tpu.memory_space<hbm>>
    %dma_wait3A_39 = arith.constant 0 : i32
    %dma_wait3A_40 = arith.constant 0 : i32
    %dma_wait3A_41 = tpu.memref_slice %arg3[%dma_wait3A, %arg1, %dma_wait3A_39, %dma_wait3A_40] : memref<2x16x250x80xi32, #tpu.memory_space<hbm>> -> memref<1x1x250x80xi32, #tpu.memory_space<hbm>>
    %dma_wait3A_42 = tpu.memref_squeeze %dma_wait3A_41 : memref<1x1x250x80xi32, #tpu.memory_space<hbm>> -> memref<250x80xi32, #tpu.memory_space<hbm>>
    tpu.wait_dma2 semaphore(%arg11 : memref<!tpu.dma_semaphore, #tpu.memory_space<semaphore_mem>>) src(%dma_wait3A_42 : memref<250x80xi32, #tpu.memory_space<hbm>>) dst(%arg6 : memref<250x80xi32, #tpu.memory_space<vmem>>)
    %broadcast_in_dim3A_43 = vector.broadcast %arg0 : i32 to vector<16xi32>
    %scan3A_44 = arith.constant 0 : i32
    %scan3A_45 = arith.constant 0 : i32
    %scan3A_46 = arith.constant 250 : i32
    %scan3A_47 = arith.addi %scan3A_45, %scan3A_46 : i32
    %scan3A_48 = arith.constant 1 : i32
    %scan3A_49 = scf.for %scan3A_151 = %scan3A_45 to %scan3A_47 step %scan3A_48 iter_args(%scan3A_152 = %scan3A_44) -> (i32)  : i32 {
      %get3A = arith.index_cast %scan3A_151 : i32 to index
      %get3A_153 = arith.constant 0 : index
      %get3A_154 = tpu.vector_load %arg6[%get3A, %get3A_153] {strides = array<i32>} : memref<250x80xi32, #tpu.memory_space<vmem>>, vector<1x16xi32>,
      %get3A_155 = vector.shape_cast %get3A_154 : vector<1x16xi32> to vector<16xi32>
      %mul3A_156 = arith.constant 2 : i32
      %mul3A_157 = vector.broadcast %mul3A_156 : i32 to vector<16xi32>
      %mul3A_158 = arith.muli %get3A_155, %mul3A_157 : vector<16xi32>
      %add3A_159 = arith.addi %mul3A_158, %broadcast_in_dim3A_43 : vector<16xi32>
      %swap3A = arith.index_cast %scan3A_151 : i32 to index
      %swap3A_160 = arith.constant 0 : index
      %swap3A_161 = tpu.vector_load %arg6[%swap3A, %swap3A_160] {strides = array<i32>} : memref<250x80xi32, #tpu.memory_space<vmem>>, vector<1x16xi32>,
      %swap3A_162 = vector.shape_cast %swap3A_161 : vector<1x16xi32> to vector<16xi32>
      %swap3A_163 = vector.shape_cast %add3A_159 : vector<16xi32> to vector<1x16xi32>
      tpu.vector_store %arg6[%swap3A, %swap3A_160], %swap3A_163 {strides = array<i32>} : memref<250x80xi32, #tpu.memory_space<vmem>>, vector<1x16xi32>,
      %get3A_164 = arith.index_cast %scan3A_151 : i32 to index
      %get3A_165 = arith.constant 16 : index
      %get3A_166 = tpu.vector_load %arg6[%get3A_164, %get3A_165] {strides = array<i32>} : memref<250x80xi32, #tpu.memory_space<vmem>>, vector<1x16xi32>,
      %get3A_167 = vector.shape_cast %get3A_166 : vector<1x16xi32> to vector<16xi32>
      %mul3A_168 = arith.constant 2 : i32
      %mul3A_169 = vector.broadcast %mul3A_168 : i32 to vector<16xi32>
      %mul3A_170 = arith.muli %get3A_167, %mul3A_169 : vector<16xi32>
      %add3A_171 = arith.addi %mul3A_170, %broadcast_in_dim3A_43 : vector<16xi32>
      %swap3A_172 = arith.index_cast %scan3A_151 : i32 to index
      %swap3A_173 = arith.constant 16 : index
      %swap3A_174 = tpu.vector_load %arg6[%swap3A_172, %swap3A_173] {strides = array<i32>} : memref<250x80xi32, #tpu.memory_space<vmem>>, vector<1x16xi32>,
      %swap3A_175 = vector.shape_cast %swap3A_174 : vector<1x16xi32> to vector<16xi32>
      %swap3A_176 = vector.shape_cast %add3A_171 : vector<16xi32> to vector<1x16xi32>
      tpu.vector_store %arg6[%swap3A_172, %swap3A_173], %swap3A_176 {strides = array<i32>} : memref<250x80xi32, #tpu.memory_space<vmem>>, vector<1x16xi32>,
      %get3A_177 = arith.index_cast %scan3A_151 : i32 to index
      %get3A_178 = arith.constant 32 : index
      %get3A_179 = tpu.vector_load %arg6[%get3A_177, %get3A_178] {strides = array<i32>} : memref<250x80xi32, #tpu.memory_space<vmem>>, vector<1x16xi32>,
      %get3A_180 = vector.shape_cast %get3A_179 : vector<1x16xi32> to vector<16xi32>
      %mul3A_181 = arith.constant 2 : i32
      %mul3A_182 = vector.broadcast %mul3A_181 : i32 to vector<16xi32>
      %mul3A_183 = arith.muli %get3A_180, %mul3A_182 : vector<16xi32>
      %add3A_184 = arith.addi %mul3A_183, %broadcast_in_dim3A_43 : vector<16xi32>
      %swap3A_185 = arith.index_cast %scan3A_151 : i32 to index
      %swap3A_186 = arith.constant 32 : index
      %swap3A_187 = tpu.vector_load %arg6[%swap3A_185, %swap3A_186] {strides = array<i32>} : memref<250x80xi32, #tpu.memory_space<vmem>>, vector<1x16xi32>,
      %swap3A_188 = vector.shape_cast %swap3A_187 : vector<1x16xi32> to vector<16xi32>
      %swap3A_189 = vector.shape_cast %add3A_184 : vector<16xi32> to vector<1x16xi32>
      tpu.vector_store %arg6[%swap3A_185, %swap3A_186], %swap3A_189 {strides = array<i32>} : memref<250x80xi32, #tpu.memory_space<vmem>>, vector<1x16xi32>,
      %get3A_190 = arith.index_cast %scan3A_151 : i32 to index
      %get3A_191 = arith.constant 48 : index
      %get3A_192 = tpu.vector_load %arg6[%get3A_190, %get3A_191] {strides = array<i32>} : memref<250x80xi32, #tpu.memory_space<vmem>>, vector<1x16xi32>,
      %get3A_193 = vector.shape_cast %get3A_192 : vector<1x16xi32> to vector<16xi32>
      %mul3A_194 = arith.constant 2 : i32
      %mul3A_195 = vector.broadcast %mul3A_194 : i32 to vector<16xi32>
      %mul3A_196 = arith.muli %get3A_193, %mul3A_195 : vector<16xi32>
      %add3A_197 = arith.addi %mul3A_196, %broadcast_in_dim3A_43 : vector<16xi32>
      %swap3A_198 = arith.index_cast %scan3A_151 : i32 to index
      %swap3A_199 = arith.constant 48 : index
      %swap3A_200 = tpu.vector_load %arg6[%swap3A_198, %swap3A_199] {strides = array<i32>} : memref<250x80xi32, #tpu.memory_space<vmem>>, vector<1x16xi32>,
      %swap3A_201 = vector.shape_cast %swap3A_200 : vector<1x16xi32> to vector<16xi32>
      %swap3A_202 = vector.shape_cast %add3A_197 : vector<16xi32> to vector<1x16xi32>
      tpu.vector_store %arg6[%swap3A_198, %swap3A_199], %swap3A_202 {strides = array<i32>} : memref<250x80xi32, #tpu.memory_space<vmem>>, vector<1x16xi32>,
      %get3A_203 = arith.index_cast %scan3A_151 : i32 to index
      %get3A_204 = arith.constant 64 : index
      %get3A_205 = tpu.vector_load %arg6[%get3A_203, %get3A_204] {strides = array<i32>} : memref<250x80xi32, #tpu.memory_space<vmem>>, vector<1x16xi32>,
      %get3A_206 = vector.shape_cast %get3A_205 : vector<1x16xi32> to vector<16xi32>
      %mul3A_207 = arith.constant 2 : i32
      %mul3A_208 = vector.broadcast %mul3A_207 : i32 to vector<16xi32>
      %mul3A_209 = arith.muli %get3A_206, %mul3A_208 : vector<16xi32>
      %add3A_210 = arith.addi %mul3A_209, %broadcast_in_dim3A_43 : vector<16xi32>
      %swap3A_211 = arith.index_cast %scan3A_151 : i32 to index
      %swap3A_212 = arith.constant 64 : index
      %swap3A_213 = tpu.vector_load %arg6[%swap3A_211, %swap3A_212] {strides = array<i32>} : memref<250x80xi32, #tpu.memory_space<vmem>>, vector<1x16xi32>,
      %swap3A_214 = vector.shape_cast %swap3A_213 : vector<1x16xi32> to vector<16xi32>
      %swap3A_215 = vector.shape_cast %add3A_210 : vector<16xi32> to vector<1x16xi32>
      tpu.vector_store %arg6[%swap3A_211, %swap3A_212], %swap3A_215 {strides = array<i32>} : memref<250x80xi32, #tpu.memory_space<vmem>>, vector<1x16xi32>,
      %scan3A_216 = arith.constant 0 : i32
      scf.yield %scan3A_216 : i32
    }
    %scan3A_50 = arith.constant 250 : i32
    %dma_wait3A_51 = arith.constant 1 : i32
    %dma_wait3A_52 = arith.constant 0 : i32
    %dma_wait3A_53 = arith.constant 0 : i32
    %dma_wait3A_54 = tpu.memref_slice %arg3[%dma_wait3A_51, %arg1, %dma_wait3A_52, %dma_wait3A_53] : memref<2x16x250x80xi32, #tpu.memory_space<hbm>> -> memref<1x1x250x80xi32, #tpu.memory_space<hbm>>
    %dma_wait3A_55 = tpu.memref_squeeze %dma_wait3A_54 : memref<1x1x250x80xi32, #tpu.memory_space<hbm>> -> memref<250x80xi32, #tpu.memory_space<hbm>>
    %dma_wait3A_56 = arith.constant 0 : i32
    %dma_wait3A_57 = arith.constant 0 : i32
    %dma_wait3A_58 = tpu.memref_slice %arg3[%dma_wait3A_51, %arg1, %dma_wait3A_56, %dma_wait3A_57] : memref<2x16x250x80xi32, #tpu.memory_space<hbm>> -> memref<1x1x250x80xi32, #tpu.memory_space<hbm>>
    %dma_wait3A_59 = tpu.memref_squeeze %dma_wait3A_58 : memref<1x1x250x80xi32, #tpu.memory_space<hbm>> -> memref<250x80xi32, #tpu.memory_space<hbm>>
    tpu.wait_dma2 semaphore(%arg12 : memref<!tpu.dma_semaphore, #tpu.memory_space<semaphore_mem>>) src(%dma_wait3A_59 : memref<250x80xi32, #tpu.memory_space<hbm>>) dst(%arg7 : memref<250x80xi32, #tpu.memory_space<vmem>>)
    %dma_start3A_60 = arith.constant 0 : i32
    %dma_start3A_61 = arith.constant 0 : i32
    %dma_start3A_62 = arith.constant 0 : i32
    %dma_start3A_63 = arith.constant 0 : i32
    %dma_start3A_64 = arith.constant 0 : i32
    %dma_start3A_65 = tpu.memref_slice %arg8[%dma_start3A_61, %dma_start3A_63, %dma_start3A_64] : memref<9x80x64xf32, #tpu.memory_space<vmem>> -> memref<1x80x64xf32, #tpu.memory_space<vmem>>
    %dma_start3A_66 = tpu.memref_squeeze %dma_start3A_65 : memref<1x80x64xf32, #tpu.memory_space<vmem>> -> memref<80x64xf32, #tpu.memory_space<vmem>>
    %dma_start3A_67 = arith.constant 0 : i32
    %dma_start3A_68 = tpu.memref_slice %arg6[%dma_start3A_60, %dma_start3A_67] : memref<250x80xi32, #tpu.memory_space<vmem>> -> memref<1x80xi32, #tpu.memory_space<vmem>>
    %dma_start3A_69 = tpu.memref_squeeze %dma_start3A_68 : memref<1x80xi32, #tpu.memory_space<vmem>> -> memref<80xi32, #tpu.memory_space<vmem>>
    %dma_start3A_70 = arith.constant 0 : i32
    %dma_start3A_71 = arith.constant 0 : i32
    %dma_start3A_72 = tpu.memref_slice %arg2[%dma_start3A_70, %dma_start3A_71] : memref<20000x64xf32, #tpu.memory_space<hbm>> -> memref<20000x64xf32, #tpu.memory_space<hbm>>
    %dma_start3A_73 = tpu.memref_slice %arg9[%dma_start3A_62] : memref<9x!tpu.dma_semaphore, #tpu.memory_space<semaphore_mem>> -> memref<1x!tpu.dma_semaphore, #tpu.memory_space<semaphore_mem>>
    %dma_start3A_74 = tpu.memref_squeeze %dma_start3A_73 : memref<1x!tpu.dma_semaphore, #tpu.memory_space<semaphore_mem>> -> memref<!tpu.dma_semaphore, #tpu.memory_space<semaphore_mem>>
    tpu.enqueue_indirect_dma source(%dma_start3A_72 : memref<20000x64xf32, #tpu.memory_space<hbm>>) target(%dma_start3A_66 : memref<80x64xf32, #tpu.memory_space<vmem>>) offsets(%dma_start3A_69 : memref<80xi32, #tpu.memory_space<vmem>>) semaphore(%dma_start3A_74 : memref<!tpu.dma_semaphore, #tpu.memory_space<semaphore_mem>>)
    %dma_start3A_75 = arith.constant 1 : i32
    %dma_start3A_76 = arith.constant 1 : i32
    %dma_start3A_77 = arith.constant 1 : i32
    %dma_start3A_78 = arith.constant 0 : i32
    %dma_start3A_79 = arith.constant 0 : i32
    %dma_start3A_80 = tpu.memref_slice %arg8[%dma_start3A_76, %dma_start3A_78, %dma_start3A_79] : memref<9x80x64xf32, #tpu.memory_space<vmem>> -> memref<1x80x64xf32, #tpu.memory_space<vmem>>
    %dma_start3A_81 = tpu.memref_squeeze %dma_start3A_80 : memref<1x80x64xf32, #tpu.memory_space<vmem>> -> memref<80x64xf32, #tpu.memory_space<vmem>>
    %dma_start3A_82 = arith.constant 0 : i32
    %dma_start3A_83 = tpu.memref_slice %arg6[%dma_start3A_75, %dma_start3A_82] : memref<250x80xi32, #tpu.memory_space<vmem>> -> memref<1x80xi32, #tpu.memory_space<vmem>>
    %dma_start3A_84 = tpu.memref_squeeze %dma_start3A_83 : memref<1x80xi32, #tpu.memory_space<vmem>> -> memref<80xi32, #tpu.memory_space<vmem>>
    %dma_start3A_85 = arith.constant 0 : i32
    %dma_start3A_86 = arith.constant 0 : i32
    %dma_start3A_87 = tpu.memref_slice %arg2[%dma_start3A_85, %dma_start3A_86] : memref<20000x64xf32, #tpu.memory_space<hbm>> -> memref<20000x64xf32, #tpu.memory_space<hbm>>
    %dma_start3A_88 = tpu.memref_slice %arg9[%dma_start3A_77] : memref<9x!tpu.dma_semaphore, #tpu.memory_space<semaphore_mem>> -> memref<1x!tpu.dma_semaphore, #tpu.memory_space<semaphore_mem>>
    %dma_start3A_89 = tpu.memref_squeeze %dma_start3A_88 : memref<1x!tpu.dma_semaphore, #tpu.memory_space<semaphore_mem>> -> memref<!tpu.dma_semaphore, #tpu.memory_space<semaphore_mem>>
    tpu.enqueue_indirect_dma source(%dma_start3A_87 : memref<20000x64xf32, #tpu.memory_space<hbm>>) target(%dma_start3A_81 : memref<80x64xf32, #tpu.memory_space<vmem>>) offsets(%dma_start3A_84 : memref<80xi32, #tpu.memory_space<vmem>>) semaphore(%dma_start3A_89 : memref<!tpu.dma_semaphore, #tpu.memory_space<semaphore_mem>>)
    %dma_start3A_90 = arith.constant 2 : i32
    %dma_start3A_91 = arith.constant 2 : i32
    %dma_start3A_92 = arith.constant 2 : i32
    %dma_start3A_93 = arith.constant 0 : i32
    %dma_start3A_94 = arith.constant 0 : i32
    %dma_start3A_95 = tpu.memref_slice %arg8[%dma_start3A_91, %dma_start3A_93, %dma_start3A_94] : memref<9x80x64xf32, #tpu.memory_space<vmem>> -> memref<1x80x64xf32, #tpu.memory_space<vmem>>
    %dma_start3A_96 = tpu.memref_squeeze %dma_start3A_95 : memref<1x80x64xf32, #tpu.memory_space<vmem>> -> memref<80x64xf32, #tpu.memory_space<vmem>>
    %dma_start3A_97 = arith.constant 0 : i32
    %dma_start3A_98 = tpu.memref_slice %arg6[%dma_start3A_90, %dma_start3A_97] : memref<250x80xi32, #tpu.memory_space<vmem>> -> memref<1x80xi32, #tpu.memory_space<vmem>>
    %dma_start3A_99 = tpu.memref_squeeze %dma_start3A_98 : memref<1x80xi32, #tpu.memory_space<vmem>> -> memref<80xi32, #tpu.memory_space<vmem>>
    %dma_start3A_100 = arith.constant 0 : i32
    %dma_start3A_101 = arith.constant 0 : i32
    %dma_start3A_102 = tpu.memref_slice %arg2[%dma_start3A_100, %dma_start3A_101] : memref<20000x64xf32, #tpu.memory_space<hbm>> -> memref<20000x64xf32, #tpu.memory_space<hbm>>
    %dma_start3A_103 = tpu.memref_slice %arg9[%dma_start3A_92] : memref<9x!tpu.dma_semaphore, #tpu.memory_space<semaphore_mem>> -> memref<1x!tpu.dma_semaphore, #tpu.memory_space<semaphore_mem>>
    %dma_start3A_104 = tpu.memref_squeeze %dma_start3A_103 : memref<1x!tpu.dma_semaphore, #tpu.memory_space<semaphore_mem>> -> memref<!tpu.dma_semaphore, #tpu.memory_space<semaphore_mem>>
    tpu.enqueue_indirect_dma source(%dma_start3A_102 : memref<20000x64xf32, #tpu.memory_space<hbm>>) target(%dma_start3A_96 : memref<80x64xf32, #tpu.memory_space<vmem>>) offsets(%dma_start3A_99 : memref<80xi32, #tpu.memory_space<vmem>>) semaphore(%dma_start3A_104 : memref<!tpu.dma_semaphore, #tpu.memory_space<semaphore_mem>>)
    %dma_start3A_105 = arith.constant 3 : i32
    %dma_start3A_106 = arith.constant 3 : i32
    %dma_start3A_107 = arith.constant 3 : i32
    %dma_start3A_108 = arith.constant 0 : i32
    %dma_start3A_109 = arith.constant 0 : i32
    %dma_start3A_110 = tpu.memref_slice %arg8[%dma_start3A_106, %dma_start3A_108, %dma_start3A_109] : memref<9x80x64xf32, #tpu.memory_space<vmem>> -> memref<1x80x64xf32, #tpu.memory_space<vmem>>
    %dma_start3A_111 = tpu.memref_squeeze %dma_start3A_110 : memref<1x80x64xf32, #tpu.memory_space<vmem>> -> memref<80x64xf32, #tpu.memory_space<vmem>>
    %dma_start3A_112 = arith.constant 0 : i32
    %dma_start3A_113 = tpu.memref_slice %arg6[%dma_start3A_105, %dma_start3A_112] : memref<250x80xi32, #tpu.memory_space<vmem>> -> memref<1x80xi32, #tpu.memory_space<vmem>>
    %dma_start3A_114 = tpu.memref_squeeze %dma_start3A_113 : memref<1x80xi32, #tpu.memory_space<vmem>> -> memref<80xi32, #tpu.memory_space<vmem>>
    %dma_start3A_115 = arith.constant 0 : i32
    %dma_start3A_116 = arith.constant 0 : i32
    %dma_start3A_117 = tpu.memref_slice %arg2[%dma_start3A_115, %dma_start3A_116] : memref<20000x64xf32, #tpu.memory_space<hbm>> -> memref<20000x64xf32, #tpu.memory_space<hbm>>
    %dma_start3A_118 = tpu.memref_slice %arg9[%dma_start3A_107] : memref<9x!tpu.dma_semaphore, #tpu.memory_space<semaphore_mem>> -> memref<1x!tpu.dma_semaphore, #tpu.memory_space<semaphore_mem>>
    %dma_start3A_119 = tpu.memref_squeeze %dma_start3A_118 : memref<1x!tpu.dma_semaphore, #tpu.memory_space<semaphore_mem>> -> memref<!tpu.dma_semaphore, #tpu.memory_space<semaphore_mem>>
    tpu.enqueue_indirect_dma source(%dma_start3A_117 : memref<20000x64xf32, #tpu.memory_space<hbm>>) target(%dma_start3A_111 : memref<80x64xf32, #tpu.memory_space<vmem>>) offsets(%dma_start3A_114 : memref<80xi32, #tpu.memory_space<vmem>>) semaphore(%dma_start3A_119 : memref<!tpu.dma_semaphore, #tpu.memory_space<semaphore_mem>>)
    %barrier3A = arith.constant 0 : index
    tpu.barrier barrier_id(%barrier3A)
    %scan3A_120 = arith.constant 0 : i32
    %scan3A_121 = arith.constant 0 : i32
    %scan3A_122 = arith.constant 250 : i32
    %scan3A_123 = arith.addi %scan3A_121, %scan3A_122 : i32
    %scan3A_124 = arith.constant 1 : i32
    %scan3A_125 = scf.for %scan3A_151 = %scan3A_121 to %scan3A_123 step %scan3A_124 iter_args(%scan3A_152 = %scan3A_120) -> (i32)  : i32 {
      %rem3A = arith.constant 9 : i32
      %rem3A_153 = arith.remsi %scan3A_151, %rem3A : i32
      %dma_wait3A_154 = arith.constant 0 : i32
      %dma_wait3A_155 = arith.constant 0 : i32
      %dma_wait3A_156 = tpu.memref_slice %arg8[%rem3A_153, %dma_wait3A_154, %dma_wait3A_155] : memref<9x80x64xf32, #tpu.memory_space<vmem>> -> memref<1x80x64xf32, #tpu.memory_space<vmem>>
      %dma_wait3A_157 = tpu.memref_squeeze %dma_wait3A_156 : memref<1x80x64xf32, #tpu.memory_space<vmem>> -> memref<80x64xf32, #tpu.memory_space<vmem>>
      %dma_wait3A_158 = arith.constant 0 : i32
      %dma_wait3A_159 = tpu.memref_slice %arg6[%scan3A_151, %dma_wait3A_158] : memref<250x80xi32, #tpu.memory_space<vmem>> -> memref<1x80xi32, #tpu.memory_space<vmem>>
      %dma_wait3A_160 = tpu.memref_squeeze %dma_wait3A_159 : memref<1x80xi32, #tpu.memory_space<vmem>> -> memref<80xi32, #tpu.memory_space<vmem>>
      %dma_wait3A_161 = arith.constant 0 : i32
      %dma_wait3A_162 = arith.constant 0 : i32
      %dma_wait3A_163 = tpu.memref_slice %arg2[%dma_wait3A_161, %dma_wait3A_162] : memref<20000x64xf32, #tpu.memory_space<hbm>> -> memref<20000x64xf32, #tpu.memory_space<hbm>>
      %dma_wait3A_164 = tpu.memref_slice %arg9[%rem3A_153] : memref<9x!tpu.dma_semaphore, #tpu.memory_space<semaphore_mem>> -> memref<1x!tpu.dma_semaphore, #tpu.memory_space<semaphore_mem>>
      %dma_wait3A_165 = tpu.memref_squeeze %dma_wait3A_164 : memref<1x!tpu.dma_semaphore, #tpu.memory_space<semaphore_mem>> -> memref<!tpu.dma_semaphore, #tpu.memory_space<semaphore_mem>>
      tpu.wait_indirect_dma semaphore(%dma_wait3A_165 : memref<!tpu.dma_semaphore, #tpu.memory_space<semaphore_mem>>) src(%dma_wait3A_163 : memref<20000x64xf32, #tpu.memory_space<hbm>>) dst(%dma_wait3A_157 : memref<80x64xf32, #tpu.memory_space<vmem>>)
      %dma_start3A_166 = arith.constant 0 : i32
      %dma_start3A_167 = arith.constant 0 : i32
      %dma_start3A_168 = tpu.memref_slice %arg8[%rem3A_153, %dma_start3A_166, %dma_start3A_167] : memref<9x80x64xf32, #tpu.memory_space<vmem>> -> memref<1x80x64xf32, #tpu.memory_space<vmem>>
      %dma_start3A_169 = tpu.memref_squeeze %dma_start3A_168 : memref<1x80x64xf32, #tpu.memory_space<vmem>> -> memref<80x64xf32, #tpu.memory_space<vmem>>
      %dma_start3A_170 = arith.constant 0 : i32
      %dma_start3A_171 = tpu.memref_slice %arg7[%scan3A_151, %dma_start3A_170] : memref<250x80xi32, #tpu.memory_space<vmem>> -> memref<1x80xi32, #tpu.memory_space<vmem>>
      %dma_start3A_172 = tpu.memref_squeeze %dma_start3A_171 : memref<1x80xi32, #tpu.memory_space<vmem>> -> memref<80xi32, #tpu.memory_space<vmem>>
      %dma_start3A_173 = arith.constant 0 : i32
      %dma_start3A_174 = arith.constant 0 : i32
      %dma_start3A_175 = tpu.memref_slice %arg5[%dma_start3A_173, %dma_start3A_174] : memref<10000x64xf32, #tpu.memory_space<vmem_shared>> -> memref<10000x64xf32, #tpu.memory_space<vmem_shared>>
      %dma_start3A_176 = tpu.memref_slice %arg10[%rem3A_153] : memref<9x!tpu.dma_semaphore, #tpu.memory_space<semaphore_mem>> -> memref<1x!tpu.dma_semaphore, #tpu.memory_space<semaphore_mem>>
      %dma_start3A_177 = tpu.memref_squeeze %dma_start3A_176 : memref<1x!tpu.dma_semaphore, #tpu.memory_space<semaphore_mem>> -> memref<!tpu.dma_semaphore, #tpu.memory_space<semaphore_mem>>
      tpu.enqueue_indirect_dma source(%dma_start3A_169 : memref<80x64xf32, #tpu.memory_space<vmem>>) target(%dma_start3A_175 : memref<10000x64xf32, #tpu.memory_space<vmem_shared>>) offsets(%dma_start3A_172 : memref<80xi32, #tpu.memory_space<vmem>>) semaphore(%dma_start3A_177 : memref<!tpu.dma_semaphore, #tpu.memory_space<semaphore_mem>>) {add = true}
      %add3A_178 = arith.constant 4 : i32
      %add3A_179 = arith.addi %scan3A_151, %add3A_178 : i32
      %lt3A = arith.constant 250 : i32
      %lt3A_180 = arith.cmpi slt, %add3A_179, %lt3A : i32
      %convert_element_type3A_181 = arith.extui %lt3A_180 : i1 to i32
      %cond3A_182 = arith.constant 0 : i32
      %cond3A_183 = arith.cmpi ne, %convert_element_type3A_181, %cond3A_182 : i32
      scf.if %cond3A_183 {
        %add3A_185 = arith.constant 4 : i32
        %add3A_186 = arith.addi %scan3A_151, %add3A_185 : i32
        %rem3A_187 = arith.constant 9 : i32
        %rem3A_188 = arith.remsi %add3A_186, %rem3A_187 : i32
        %ge3A = arith.constant 5 : i32
        %ge3A_189 = arith.cmpi sge, %scan3A_151, %ge3A : i32
        %convert_element_type3A_190 = arith.extui %ge3A_189 : i1 to i32
        %cond3A_191 = arith.constant 0 : i32
        %cond3A_192 = arith.cmpi ne, %convert_element_type3A_190, %cond3A_191 : i32
        scf.if %cond3A_192 {
          %sub3A = arith.constant 5 : i32
          %sub3A_207 = arith.subi %scan3A_151, %sub3A : i32
          %dma_wait3A_208 = arith.constant 0 : i32
          %dma_wait3A_209 = arith.constant 0 : i32
          %dma_wait3A_210 = tpu.memref_slice %arg8[%rem3A_188, %dma_wait3A_208, %dma_wait3A_209] : memref<9x80x64xf32, #tpu.memory_space<vmem>> -> memref<1x80x64xf32, #tpu.memory_space<vmem>>
          %dma_wait3A_211 = tpu.memref_squeeze %dma_wait3A_210 : memref<1x80x64xf32, #tpu.memory_space<vmem>> -> memref<80x64xf32, #tpu.memory_space<vmem>>
          %dma_wait3A_212 = arith.constant 0 : i32
          %dma_wait3A_213 = tpu.memref_slice %arg7[%sub3A_207, %dma_wait3A_212] : memref<250x80xi32, #tpu.memory_space<vmem>> -> memref<1x80xi32, #tpu.memory_space<vmem>>
          %dma_wait3A_214 = tpu.memref_squeeze %dma_wait3A_213 : memref<1x80xi32, #tpu.memory_space<vmem>> -> memref<80xi32, #tpu.memory_space<vmem>>
          %dma_wait3A_215 = arith.constant 0 : i32
          %dma_wait3A_216 = arith.constant 0 : i32
          %dma_wait3A_217 = tpu.memref_slice %arg5[%dma_wait3A_215, %dma_wait3A_216] : memref<10000x64xf32, #tpu.memory_space<vmem_shared>> -> memref<10000x64xf32, #tpu.memory_space<vmem_shared>>
          %dma_wait3A_218 = tpu.memref_slice %arg10[%rem3A_188] : memref<9x!tpu.dma_semaphore, #tpu.memory_space<semaphore_mem>> -> memref<1x!tpu.dma_semaphore, #tpu.memory_space<semaphore_mem>>
          %dma_wait3A_219 = tpu.memref_squeeze %dma_wait3A_218 : memref<1x!tpu.dma_semaphore, #tpu.memory_space<semaphore_mem>> -> memref<!tpu.dma_semaphore, #tpu.memory_space<semaphore_mem>>
          tpu.wait_indirect_dma semaphore(%dma_wait3A_219 : memref<!tpu.dma_semaphore, #tpu.memory_space<semaphore_mem>>) src(%dma_wait3A_211 : memref<80x64xf32, #tpu.memory_space<vmem>>) dst(%dma_wait3A_217 : memref<10000x64xf32, #tpu.memory_space<vmem_shared>>)
        } else {
        }
        %add3A_193 = arith.constant 4 : i32
        %add3A_194 = arith.addi %scan3A_151, %add3A_193 : i32
        %dma_start3A_195 = arith.constant 0 : i32
        %dma_start3A_196 = arith.constant 0 : i32
        %dma_start3A_197 = tpu.memref_slice %arg8[%rem3A_188, %dma_start3A_195, %dma_start3A_196] : memref<9x80x64xf32, #tpu.memory_space<vmem>> -> memref<1x80x64xf32, #tpu.memory_space<vmem>>
        %dma_start3A_198 = tpu.memref_squeeze %dma_start3A_197 : memref<1x80x64xf32, #tpu.memory_space<vmem>> -> memref<80x64xf32, #tpu.memory_space<vmem>>
        %dma_start3A_199 = arith.constant 0 : i32
        %dma_start3A_200 = tpu.memref_slice %arg6[%add3A_194, %dma_start3A_199] : memref<250x80xi32, #tpu.memory_space<vmem>> -> memref<1x80xi32, #tpu.memory_space<vmem>>
        %dma_start3A_201 = tpu.memref_squeeze %dma_start3A_200 : memref<1x80xi32, #tpu.memory_space<vmem>> -> memref<80xi32, #tpu.memory_space<vmem>>
        %dma_start3A_202 = arith.constant 0 : i32
        %dma_start3A_203 = arith.constant 0 : i32
        %dma_start3A_204 = tpu.memref_slice %arg2[%dma_start3A_202, %dma_start3A_203] : memref<20000x64xf32, #tpu.memory_space<hbm>> -> memref<20000x64xf32, #tpu.memory_space<hbm>>
        %dma_start3A_205 = tpu.memref_slice %arg9[%rem3A_188] : memref<9x!tpu.dma_semaphore, #tpu.memory_space<semaphore_mem>> -> memref<1x!tpu.dma_semaphore, #tpu.memory_space<semaphore_mem>>
        %dma_start3A_206 = tpu.memref_squeeze %dma_start3A_205 : memref<1x!tpu.dma_semaphore, #tpu.memory_space<semaphore_mem>> -> memref<!tpu.dma_semaphore, #tpu.memory_space<semaphore_mem>>
        tpu.enqueue_indirect_dma source(%dma_start3A_204 : memref<20000x64xf32, #tpu.memory_space<hbm>>) target(%dma_start3A_198 : memref<80x64xf32, #tpu.memory_space<vmem>>) offsets(%dma_start3A_201 : memref<80xi32, #tpu.memory_space<vmem>>) semaphore(%dma_start3A_206 : memref<!tpu.dma_semaphore, #tpu.memory_space<semaphore_mem>>)
      } else {
      }
      %scan3A_184 = arith.constant 0 : i32
      scf.yield %scan3A_184 : i32
    }
    %scan3A_126 = arith.constant 250 : i32
    %scan3A_127 = arith.constant 0 : i32
    %scan3A_128 = arith.constant 0 : i32
    %scan3A_129 = arith.constant 9 : i32
    %scan3A_130 = arith.addi %scan3A_128, %scan3A_129 : i32
    %scan3A_131 = arith.constant 1 : i32
    %scan3A_132 = scf.for %scan3A_151 = %scan3A_128 to %scan3A_130 step %scan3A_131 iter_args(%scan3A_152 = %scan3A_127) -> (i32)  : i32 {
      %add3A_153 = arith.constant 241 : i32
      %add3A_154 = arith.addi %add3A_153, %scan3A_151 : i32
      %rem3A = arith.constant 9 : i32
      %rem3A_155 = arith.remsi %add3A_154, %rem3A : i32
      %dma_wait3A_156 = arith.constant 0 : i32
      %dma_wait3A_157 = arith.constant 0 : i32
      %dma_wait3A_158 = tpu.memref_slice %arg8[%rem3A_155, %dma_wait3A_156, %dma_wait3A_157] : memref<9x80x64xf32, #tpu.memory_space<vmem>> -> memref<1x80x64xf32, #tpu.memory_space<vmem>>
      %dma_wait3A_159 = tpu.memref_squeeze %dma_wait3A_158 : memref<1x80x64xf32, #tpu.memory_space<vmem>> -> memref<80x64xf32, #tpu.memory_space<vmem>>
      %dma_wait3A_160 = arith.constant 0 : i32
      %dma_wait3A_161 = tpu.memref_slice %arg7[%add3A_154, %dma_wait3A_160] : memref<250x80xi32, #tpu.memory_space<vmem>> -> memref<1x80xi32, #tpu.memory_space<vmem>>
      %dma_wait3A_162 = tpu.memref_squeeze %dma_wait3A_161 : memref<1x80xi32, #tpu.memory_space<vmem>> -> memref<80xi32, #tpu.memory_space<vmem>>
      %dma_wait3A_163 = arith.constant 0 : i32
      %dma_wait3A_164 = arith.constant 0 : i32
      %dma_wait3A_165 = tpu.memref_slice %arg5[%dma_wait3A_163, %dma_wait3A_164] : memref<10000x64xf32, #tpu.memory_space<vmem_shared>> -> memref<10000x64xf32, #tpu.memory_space<vmem_shared>>
      %dma_wait3A_166 = tpu.memref_slice %arg10[%rem3A_155] : memref<9x!tpu.dma_semaphore, #tpu.memory_space<semaphore_mem>> -> memref<1x!tpu.dma_semaphore, #tpu.memory_space<semaphore_mem>>
      %dma_wait3A_167 = tpu.memref_squeeze %dma_wait3A_166 : memref<1x!tpu.dma_semaphore, #tpu.memory_space<semaphore_mem>> -> memref<!tpu.dma_semaphore, #tpu.memory_space<semaphore_mem>>
      tpu.wait_indirect_dma semaphore(%dma_wait3A_167 : memref<!tpu.dma_semaphore, #tpu.memory_space<semaphore_mem>>) src(%dma_wait3A_159 : memref<80x64xf32, #tpu.memory_space<vmem>>) dst(%dma_wait3A_165 : memref<10000x64xf32, #tpu.memory_space<vmem_shared>>)
      %scan3A_168 = arith.constant 0 : i32
      scf.yield %scan3A_168 : i32
    }
    %scan3A_133 = arith.constant 9 : i32
    %barrier3A_134 = arith.constant 0 : index
    tpu.barrier barrier_id(%barrier3A_134)
    %scan3A_135 = arith.constant 0 : i32
    %scan3A_136 = arith.constant 0 : i32
    %scan3A_137 = arith.constant 7 : i32
    %scan3A_138 = arith.addi %scan3A_136, %scan3A_137 : i32
    %scan3A_139 = arith.constant 1 : i32
    %scan3A_140 = scf.for %scan3A_151 = %scan3A_136 to %scan3A_138 step %scan3A_139 iter_args(%scan3A_152 = %scan3A_135) -> (i32)  : i32 {
      %mul3A_153 = arith.constant 80 : i32
      %mul3A_154 = arith.muli %scan3A_151, %mul3A_153 : i32
      %add3A_155 = arith.addi %mul3A_24, %mul3A_154 : i32
      %mul3A_156 = arith.constant 64 : i32
      %mul3A_157 = arith.muli %arg0, %mul3A_156 : i32
      "tpu.region"() ({
        %run_scoped3A_159 = tpu.sem_alloc : memref<!tpu.dma_semaphore, #tpu.memory_space<semaphore_mem>>
        %dma_start3A_160 = tpu.memref_slice %arg4[%add3A_155, %mul3A_157] : memref<10000x128xf32, #tpu.memory_space<hbm>> -> memref<80x64xf32, #tpu.memory_space<hbm>>
        %dma_start3A_161 = arith.constant 0 : i32
        %dma_start3A_162 = tpu.memref_slice %arg5[%add3A_155, %dma_start3A_161] : memref<10000x64xf32, #tpu.memory_space<vmem_shared>> -> memref<80x64xf32, #tpu.memory_space<vmem_shared>>
        tpu.enqueue_dma source(%dma_start3A_162 : memref<80x64xf32, #tpu.memory_space<vmem_shared>>) target(%dma_start3A_160 : memref<80x64xf32, #tpu.memory_space<hbm>>) target_semaphore(%run_scoped3A_159 : memref<!tpu.dma_semaphore, #tpu.memory_space<semaphore_mem>>)
        %dma_wait3A_163 = tpu.memref_slice %arg4[%add3A_155, %mul3A_157] : memref<10000x128xf32, #tpu.memory_space<hbm>> -> memref<80x64xf32, #tpu.memory_space<hbm>>
        %dma_wait3A_164 = arith.constant 0 : i32
        %dma_wait3A_165 = tpu.memref_slice %arg5[%add3A_155, %dma_wait3A_164] : memref<10000x64xf32, #tpu.memory_space<vmem_shared>> -> memref<80x64xf32, #tpu.memory_space<vmem_shared>>
        tpu.wait_dma2 semaphore(%run_scoped3A_159 : memref<!tpu.dma_semaphore, #tpu.memory_space<semaphore_mem>>) src(%dma_wait3A_165 : memref<80x64xf32, #tpu.memory_space<vmem_shared>>) dst(%dma_wait3A_163 : memref<80x64xf32, #tpu.memory_space<hbm>>)
        tpu.yield
      }) : () -> ()
      %scan3A_158 = arith.constant 0 : i32
      scf.yield %scan3A_158 : i32
    }
    %scan3A_141 = arith.constant 7 : i32
    %add3A_142 = arith.constant 560 : i32
    %add3A_143 = arith.addi %mul3A_24, %add3A_142 : i32
    %mul3A_144 = arith.constant 64 : i32
    %mul3A_145 = arith.muli %arg0, %mul3A_144 : i32
    "tpu.region"() ({
      %run_scoped3A_151 = tpu.sem_alloc : memref<!tpu.dma_semaphore, #tpu.memory_space<semaphore_mem>>
      %dma_start3A_152 = tpu.memref_slice %arg4[%add3A_143, %mul3A_145] : memref<10000x128xf32, #tpu.memory_space<hbm>> -> memref<64x64xf32, #tpu.memory_space<hbm>>
      %dma_start3A_153 = arith.constant 0 : i32
      %dma_start3A_154 = tpu.memref_slice %arg5[%add3A_143, %dma_start3A_153] : memref<10000x64xf32, #tpu.memory_space<vmem_shared>> -> memref<64x64xf32, #tpu.memory_space<vmem_shared>>
      tpu.enqueue_dma source(%dma_start3A_154 : memref<64x64xf32, #tpu.memory_space<vmem_shared>>) target(%dma_start3A_152 : memref<64x64xf32, #tpu.memory_space<hbm>>) target_semaphore(%run_scoped3A_151 : memref<!tpu.dma_semaphore, #tpu.memory_space<semaphore_mem>>)
      %dma_wait3A_155 = tpu.memref_slice %arg4[%add3A_143, %mul3A_145] : memref<10000x128xf32, #tpu.memory_space<hbm>> -> memref<64x64xf32, #tpu.memory_space<hbm>>
      %dma_wait3A_156 = arith.constant 0 : i32
      %dma_wait3A_157 = tpu.memref_slice %arg5[%add3A_143, %dma_wait3A_156] : memref<10000x64xf32, #tpu.memory_space<vmem_shared>> -> memref<64x64xf32, #tpu.memory_space<vmem_shared>>
      tpu.wait_dma2 semaphore(%run_scoped3A_151 : memref<!tpu.dma_semaphore, #tpu.memory_space<semaphore_mem>>) src(%dma_wait3A_157 : memref<64x64xf32, #tpu.memory_space<vmem_shared>>) dst(%dma_wait3A_155 : memref<64x64xf32, #tpu.memory_space<hbm>>)
      tpu.yield
    }) : () -> ()
    %eq3A_146 = arith.constant 0 : i32
    %eq3A_147 = arith.cmpi eq, %arg1, %eq3A_146 : i32
    %convert_element_type3A_148 = arith.extui %eq3A_147 : i1 to i32
    %cond3A_149 = arith.constant 0 : i32
    %cond3A_150 = arith.cmpi ne, %convert_element_type3A_148, %cond3A_149 : i32
    scf.if %cond3A_150 {
      %mul3A_151 = arith.constant 64 : i32
      %mul3A_152 = arith.muli %arg0, %mul3A_151 : i32
      "tpu.region"() ({
        %run_scoped3A_153 = tpu.sem_alloc : memref<!tpu.dma_semaphore, #tpu.memory_space<semaphore_mem>>
        %dma_start3A_154 = arith.constant 9984 : i32
        %dma_start3A_155 = tpu.memref_slice %arg4[%dma_start3A_154, %mul3A_152] : memref<10000x128xf32, #tpu.memory_space<hbm>> -> memref<16x64xf32, #tpu.memory_space<hbm>>
        %dma_start3A_156 = arith.constant 9984 : i32
        %dma_start3A_157 = arith.constant 0 : i32
        %dma_start3A_158 = tpu.memref_slice %arg5[%dma_start3A_156, %dma_start3A_157] : memref<10000x64xf32, #tpu.memory_space<vmem_shared>> -> memref<16x64xf32, #tpu.memory_space<vmem_shared>>
        tpu.enqueue_dma source(%dma_start3A_158 : memref<16x64xf32, #tpu.memory_space<vmem_shared>>) target(%dma_start3A_155 : memref<16x64xf32, #tpu.memory_space<hbm>>) target_semaphore(%run_scoped3A_153 : memref<!tpu.dma_semaphore, #tpu.memory_space<semaphore_mem>>)
        %dma_wait3A_159 = arith.constant 9984 : i32
        %dma_wait3A_160 = tpu.memref_slice %arg4[%dma_wait3A_159, %mul3A_152] : memref<10000x128xf32, #tpu.memory_space<hbm>> -> memref<16x64xf32, #tpu.memory_space<hbm>>
        %dma_wait3A_161 = arith.constant 9984 : i32
        %dma_wait3A_162 = arith.constant 0 : i32
        %dma_wait3A_163 = tpu.memref_slice %arg5[%dma_wait3A_161, %dma_wait3A_162] : memref<10000x64xf32, #tpu.memory_space<vmem_shared>> -> memref<16x64xf32, #tpu.memory_space<vmem_shared>>
        tpu.wait_dma2 semaphore(%run_scoped3A_153 : memref<!tpu.dma_semaphore, #tpu.memory_space<semaphore_mem>>) src(%dma_wait3A_163 : memref<16x64xf32, #tpu.memory_space<vmem_shared>>) dst(%dma_wait3A_160 : memref<16x64xf32, #tpu.memory_space<hbm>>)
        tpu.yield
      }) : () -> ()
    } else {
    }
    return
  }
}

module attributes {stable_mosaic.version = 14 : i64} {
  func.func @_dense1_body(%arg0: memref<10000x128xf32, #tpu.memory_space<vmem>>, %arg1: memref<128x128xf32, #tpu.memory_space<vmem>>, %arg2: memref<32x10000xf32, #tpu.memory_space<vmem>>, %arg3: memref<10000x128xf32, #tpu.memory_space<vmem>>, %arg4: memref<10000x1xf32, #tpu.memory_space<vmem>>) attributes {dimension_semantics = [], scalar_prefetch = 0 : i64, scratch_operands = 0 : i64, tpu.core_type = #tpu.core_type<tc>} {
    %get3A = arith.constant 0 : index
    %get3A_0 = arith.constant 0 : index
    %get3A_1 = vector.load %arg2[%get3A, %get3A_0] : memref<32x10000xf32, #tpu.memory_space<vmem>>, vector<32x10000xf32>
    %reduce_sum3A = arith.constant dense<0.000000e+00> : vector<10000xf32>
    %reduce_sum3A_2 = vector.multi_reduction <add>, %get3A_1, %reduce_sum3A [0] : vector<32x10000xf32> to vector<10000xf32>
    %gt3A = arith.constant 0.000000e+00 : f32
    %gt3A_3 = vector.broadcast %gt3A : f32 to vector<10000xf32>
    %gt3A_4 = arith.cmpf ogt, %reduce_sum3A_2, %gt3A_3 : vector<10000xf32>
    %sqrt3A = math.sqrt %reduce_sum3A_2 : vector<10000xf32>
    %div3A = arith.constant 1.000000e+00 : f32
    %div3A_5 = vector.broadcast %div3A : f32 to vector<10000xf32>
    %div3A_6 = arith.divf %div3A_5, %sqrt3A : vector<10000xf32>
    %jit3A = arith.constant 0.000000e+00 : f32
    %broadcast_in_dim3A = vector.broadcast %jit3A : f32 to vector<10000xf32>
    %select_n3A = arith.select %gt3A_4, %div3A_6, %broadcast_in_dim3A : vector<10000xi1>, vector<10000xf32>
    %broadcast_in_dim3A_7 = vector.shape_cast %select_n3A : vector<10000xf32> to vector<10000x1xf32>
    %get3A_8 = arith.constant 0 : index
    %get3A_9 = arith.constant 0 : index
    %get3A_10 = vector.load %arg0[%get3A_8, %get3A_9] : memref<10000x128xf32, #tpu.memory_space<vmem>>, vector<10000x128xf32>
    %get3A_11 = arith.constant 0 : index
    %get3A_12 = arith.constant 0 : index
    %get3A_13 = vector.load %arg1[%get3A_11, %get3A_12] : memref<128x128xf32, #tpu.memory_space<vmem>>, vector<128x128xf32>
    %dot_general3A = arith.constant dense<0.000000e+00> : vector<10000x128xf32>
    %dot_general3A_14 = tpu.matmul %get3A_10, %get3A_13, %dot_general3A {dimension_numbers = #tpu.dot_dimension_numbers<[1], [0], [0], [1], [0, 0, 1, 1], [], []>, transpose_lhs_hint = false} : vector<10000x128xf32>, vector<128x128xf32>, vector<10000x128xf32> -> vector<10000x128xf32>
    %mul3A = vector.broadcast %broadcast_in_dim3A_7 : vector<10000x1xf32> to vector<10000x128xf32>
    %mul3A_15 = arith.mulf %dot_general3A_14, %mul3A : vector<10000x128xf32>
    %swap3A = arith.constant 0 : index
    %swap3A_16 = arith.constant 0 : index
    %swap3A_17 = vector.load %arg3[%swap3A, %swap3A_16] : memref<10000x128xf32, #tpu.memory_space<vmem>>, vector<10000x128xf32>
    tpu.vector_store %arg3[%swap3A, %swap3A_16], %mul3A_15 {strides = array<i32>} : memref<10000x128xf32, #tpu.memory_space<vmem>>, vector<10000x128xf32>,
    %swap3A_18 = arith.constant 0 : index
    %swap3A_19 = arith.constant 0 : index
    %swap3A_20 = vector.load %arg4[%swap3A_18, %swap3A_19] : memref<10000x1xf32, #tpu.memory_space<vmem>>, vector<10000x1xf32>
    tpu.vector_store %arg4[%swap3A_18, %swap3A_19], %broadcast_in_dim3A_7 {strides = array<i32>} : memref<10000x1xf32, #tpu.memory_space<vmem>>, vector<10000x1xf32>,
    return
  }
}

module attributes {stable_mosaic.version = 14 : i64} {
  func.func @_dense2_body(%arg0: memref<10000x128xf32, #tpu.memory_space<vmem>>, %arg1: memref<10000x1xf32, #tpu.memory_space<vmem>>, %arg2: memref<128xf32, #tpu.memory_space<vmem>>, %arg3: memref<128x64xf32, #tpu.memory_space<vmem>>, %arg4: memref<10000x128xf32, #tpu.memory_space<vmem>>) attributes {dimension_semantics = [], scalar_prefetch = 0 : i64, scratch_operands = 0 : i64, tpu.core_type = #tpu.core_type<tc>} {
    %get3A = arith.constant 0 : index
    %get3A_0 = arith.constant 0 : index
    %get3A_1 = vector.load %arg1[%get3A, %get3A_0] : memref<10000x1xf32, #tpu.memory_space<vmem>>, vector<10000x1xf32>
    %get3A_2 = arith.constant 0 : index
    %get3A_3 = arith.constant 0 : index
    %get3A_4 = vector.load %arg0[%get3A_2, %get3A_3] : memref<10000x128xf32, #tpu.memory_space<vmem>>, vector<10000x128xf32>
    %mul3A = vector.broadcast %get3A_1 : vector<10000x1xf32> to vector<10000x128xf32>
    %mul3A_5 = arith.mulf %get3A_4, %mul3A : vector<10000x128xf32>
    %get3A_6 = arith.constant 0 : index
    %get3A_7 = vector.load %arg2[%get3A_6] : memref<128xf32, #tpu.memory_space<vmem>>, vector<128xf32>
    %broadcast_in_dim3A = vector.shape_cast %get3A_7 : vector<128xf32> to vector<1x128xf32>
    %add3A = vector.broadcast %broadcast_in_dim3A : vector<1x128xf32> to vector<10000x128xf32>
    %add3A_8 = arith.addf %mul3A_5, %add3A : vector<10000x128xf32>
    %max3A = arith.constant 0.000000e+00 : f32
    %max3A_9 = vector.broadcast %max3A : f32 to vector<10000x128xf32>
    %max3A_10 = arith.maximumf %add3A_8, %max3A_9 : vector<10000x128xf32>
    %get3A_11 = arith.constant 0 : index
    %get3A_12 = arith.constant 0 : index
    %get3A_13 = vector.load %arg3[%get3A_11, %get3A_12] : memref<128x64xf32, #tpu.memory_space<vmem>>, vector<128x64xf32>
    %dot_general3A = arith.constant dense<0.000000e+00> : vector<10000x64xf32>
    %dot_general3A_14 = tpu.matmul %max3A_10, %get3A_13, %dot_general3A {dimension_numbers = #tpu.dot_dimension_numbers<[1], [0], [0], [1], [0, 0, 1, 1], [], []>, transpose_lhs_hint = false} : vector<10000x128xf32>, vector<128x64xf32>, vector<10000x64xf32> -> vector<10000x64xf32>
    %mul3A_15 = vector.broadcast %get3A_1 : vector<10000x1xf32> to vector<10000x64xf32>
    %mul3A_16 = arith.mulf %dot_general3A_14, %mul3A_15 : vector<10000x64xf32>
    %concatenate3A = tpu.concatenate %mul3A_16, %mul3A_16 in 1 : vector<10000x64xf32>, vector<10000x64xf32> -> vector<10000x128xf32>
    %swap3A = arith.constant 0 : index
    %swap3A_17 = arith.constant 0 : index
    %swap3A_18 = vector.load %arg4[%swap3A, %swap3A_17] : memref<10000x128xf32, #tpu.memory_space<vmem>>, vector<10000x128xf32>
    tpu.vector_store %arg4[%swap3A, %swap3A_17], %concatenate3A {strides = array<i32>} : memref<10000x128xf32, #tpu.memory_space<vmem>>, vector<10000x128xf32>,
    return
  }
}

module attributes {stable_mosaic.version = 14 : i64} {
  func.func @_final_body(%arg0: memref<10000x128xf32, #tpu.memory_space<vmem>>, %arg1: memref<10000x1xf32, #tpu.memory_space<vmem>>, %arg2: memref<64xf32, #tpu.memory_space<vmem>>, %arg3: memref<10000x64xf32, #tpu.memory_space<vmem>>) attributes {dimension_semantics = [], scalar_prefetch = 0 : i64, scratch_operands = 0 : i64, tpu.core_type = #tpu.core_type<tc>} {
    %get3A = arith.constant 0 : index
    %get3A_0 = arith.constant 0 : index
    %get3A_1 = vector.load %arg0[%get3A, %get3A_0] : memref<10000x128xf32, #tpu.memory_space<vmem>>, vector<10000x128xf32>
    %slice3A = vector.extract_strided_slice %get3A_1 {offsets = [0, 0], sizes = [10000, 64], strides = [1, 1]} : vector<10000x128xf32> to vector<10000x64xf32>
    %slice3A_2 = vector.extract_strided_slice %get3A_1 {offsets = [0, 64], sizes = [10000, 64], strides = [1, 1]} : vector<10000x128xf32> to vector<10000x64xf32>
    %add3A = arith.addf %slice3A, %slice3A_2 : vector<10000x64xf32>
    %get3A_3 = arith.constant 0 : index
    %get3A_4 = arith.constant 0 : index
    %get3A_5 = vector.load %arg1[%get3A_3, %get3A_4] : memref<10000x1xf32, #tpu.memory_space<vmem>>, vector<10000x1xf32>
    %mul3A = vector.broadcast %get3A_5 : vector<10000x1xf32> to vector<10000x64xf32>
    %mul3A_6 = arith.mulf %add3A, %mul3A : vector<10000x64xf32>
    %get3A_7 = arith.constant 0 : index
    %get3A_8 = vector.load %arg2[%get3A_7] : memref<64xf32, #tpu.memory_space<vmem>>, vector<64xf32>
    %broadcast_in_dim3A = vector.shape_cast %get3A_8 : vector<64xf32> to vector<1x64xf32>
    %add3A_9 = vector.broadcast %broadcast_in_dim3A : vector<1x64xf32> to vector<10000x64xf32>
    %add3A_10 = arith.addf %mul3A_6, %add3A_9 : vector<10000x64xf32>
    %swap3A = arith.constant 0 : index
    %swap3A_11 = arith.constant 0 : index
    %swap3A_12 = vector.load %arg3[%swap3A, %swap3A_11] : memref<10000x64xf32, #tpu.memory_space<vmem>>, vector<10000x64xf32>
    tpu.vector_store %arg3[%swap3A, %swap3A_11], %add3A_10 {strides = array<i32>} : memref<10000x64xf32, #tpu.memory_space<vmem>>, vector<10000x64xf32>,
    return
  }
}

</mosaic_0001>

<sc_bundles>
// kernel: kernel.11.cloned.1.call-start
scs
__scs_entry_jumppad:
0x0: {  	(pc) =	sbr.rel $0x88, $3  }
0x1: {  	(tag) =	ssettag $0x0;
	lr =	simm.s32 $0x1  }
0x2: {  	[smem:$0x3F9B] =	sst lr;
	_ =	strace $0xD0000000  }
0x3: {  	_ = 	snop  }
0x4: {  	_ = 	snop  }
0x5: {  	_ = 	snop  }
0x6: {  	_ = 	snop  }
0x7: {  	_ = 	snop  }
__scs_overlays_trampoline_lowered:
0x8: {  	[smem:$0x3FAA] =	sst s0  }
0x9: {  	[smem:$0x3FAB] =	sst s1  }
0xa: {  	[smem:$0x3FAC] =	sst s2  }
0xb: {  	[smem:$0x3FAD] =	sst s3  }
0xc: {  	[smem:$0x3FAE] =	sst s4  }
0xd: {  	[smem:$0x3FAF] =	sst s5  }
0xe: {  	[smem:$0x3FB0] =	sst s6  }
0xf: {  	[smem:$0x3FB1] =	sst s7  }
0x10: {  	[smem:$0x3FB2] =	sst s8  }
0x11: {  	[smem:$0x3FB3] =	sst s9;
	s0 =	simm.s32 @!p0 $0x0  }
0x12: {  	s1 =	sld [smem:$0x3F99];
	s0 =	simm.s32 @p0 $0x1  }
0x13: {  	[smem:$0x3FB4] =	sst s0;
	s0 =	simm.s32 @!p1 $0x0  }
0x14: {  	s2 =	sld [smem:$0x3F98];
	s0 =	simm.s32 @p1 $0x1  }
0x15: {  	[smem:$0x3FB5] =	sst s0;
	s0 =	simm.s32 @!p2 $0x0  }
0x16: {  	s3 =	sld [smem:$0x3FDB];
	s0 =	simm.s32 @p2 $0x1  }
0x17: {  	s4 =	simm.s32 $0x1BF5;
	[smem:$0x3FB7] =	sst s0  }
0x18: {  	s0 =	sld [smem:$0x3F9A];
	_ =	swait.ge [sflag:s4], $0x0  }
0x19: {  	s7 =	sld [smem:$0x3F9B]  }
0x1a: {  	s8 =	sadd.s32 $0xFFFFE003, lr  }
0x1b: {  	s9 =	sadd.s32 $0xFFFFFEF7, lr;
	s5 =	simm.s32 $0xFFFFFFFF;
	p2 =	slt.u32 s8, $0xFFFFF086  }
0x1c: {  	p1 =	slt.u32 s9, $0xF7A;
	s5 =	simm.s32 @!p2 $0x0  }
0x1d: {  	s5 =	simm.s32 @p1 $0x1;
	p0 =	seq.s32 s7, s2  }
0x1e: {  	s7 =	smul.u32 @!p0 $0xF7A, s2;
	p2 =	seq.s32 @!p0 s5, $0x0  }
0x1f: {  	s9 =	smul.u32 $0xF7A, s1;
	s8 =	simm.s32 @!p0 $0x1BF5;
	p2 =	por !p2, p0  }
0x20: {  	[sflag:s8] =	ssyncset.s32 @!p0 $0xFFFFF086;
	s6 =	sadd.s32 @!p0 s3, s7;
	s7 =	simm.s32 @!p0 $0x108  }
0x21: {  	s3 =	sadd.s32 s3, s9;
	s6 =	sadd.s32 @!p0 $0x88, s6;
	s7 =	simm.s32 @p2 $0x1082  }
0x22: {  	[simem:s7], [sflag:s8] =	dma.local @!p0 [hbm:s6], $0xF7A  }
0x23: {  	s9 =	sor.u32 $0xD0000000, s2;
	s6 =	simm.s32 $0x108;
	_ =	swait.ge @!p0 [sflag:s8], $0x0  }
0x24: {  	s3 =	sadd.s32 $0x88, s3;
	s6 =	simm.s32 @!p1 $0x1082;
	[sflag:s4] =	ssyncset.s32 $0xFFFFF086  }
0x25: {  	[simem:s6], [sflag:s4] =	dma.local [hbm:s3], $0xF7A  }
0x26: {  	[smem:$0x3F9B] =	sst s1;
	(tag) =	ssettag s2;
	_ =	strace s9  }
0x27: {  	s1 =	sld [smem:$0x3FAB]  }
0x28: {  	s2 =	sld [smem:$0x3FAC]  }
0x29: {  	s4 =	sld [smem:$0x3FAE]  }
0x2a: {  	p0 =	seq.s32 s5, $0x0;
	s5 =	sld [smem:$0x3FAF]  }
0x2b: {  	s6 =	sld [smem:$0x3FB0]  }
0x2c: {  	s7 =	sld [smem:$0x3FB1]  }
0x2d: {  	s3 =	simm.s32 $0x108;
	s8 =	sld [smem:$0x3FB2]  }
0x2e: {  	s3 =	simm.s32 @!p0 $0x1082;
	s9 =	sld [smem:$0x3FB3]  }
0x2f: {  	lr =	sadd.s32 s0, s3;
	s0 =	sld [smem:$0x3FAA]  }
0x30: {  	s3 =	sld [smem:$0x3FAD]  }
0x31: {  	[smem:$0x3FB6] =	sst s10  }
0x32: {  	s10 =	sld [smem:$0x3FB4];
	_ =	sdelay $0x3  }
0x33: {  	p0 =	seq.s32 s10, $0x1;
	s10 =	sld [smem:$0x3FB6];
	_ =	sdelay $0x3  }
0x34: {  	[smem:$0x3FB6] =	sst s10  }
0x35: {  	s10 =	sld [smem:$0x3FB5];
	_ =	sdelay $0x3  }
0x36: {  	p1 =	seq.s32 s10, $0x1;
	s10 =	sld [smem:$0x3FB6];
	_ =	sdelay $0x3  }
0x37: {  	[smem:$0x3FB6] =	sst s10  }
0x38: {  	s10 =	sld [smem:$0x3FB7]  }
0x39: {  	_ = 	snop;
	(pc) =	sbr.ind lr, $3  }
0x3a: {  	_ = 	snop  }
0x3b: {  	_ = 	snop  }
0x3c: {  	p2 =	seq.s32 s10, $0x1;
	s10 =	sld [smem:$0x3FB6]  }
0x3d: {  	_ =	shalt  }
0x3e: {  	_ =	shalt  }
0x3f: {  	_ =	shalt  }
0x40: {  	_ =	shalt  }
0x41: {  	_ =	shalt  }
0x42: {  	_ =	shalt  }
0x43: {  	_ =	shalt  }
0x44: {  	_ =	shalt  }
0x45: {  	_ =	shalt  }
0x46: {  	_ =	shalt  }
0x47: {  	_ =	shalt  }
0x48: {  	_ =	shalt  }
0x49: {  	_ =	shalt  }
0x4a: {  	_ =	shalt  }
0x4b: {  	_ =	shalt  }
0x4c: {  	_ =	shalt  }
0x4d: {  	_ =	shalt  }
0x4e: {  	_ =	shalt  }
0x4f: {  	_ =	shalt  }
0x50: {  	_ =	shalt  }
0x51: {  	_ =	shalt  }
0x52: {  	_ =	shalt  }
0x53: {  	_ =	shalt  }
0x54: {  	_ =	shalt  }
0x55: {  	_ =	shalt  }
0x56: {  	_ =	shalt  }
0x57: {  	_ =	shalt  }
0x58: {  	_ =	shalt  }
0x59: {  	_ =	shalt  }
0x5a: {  	_ =	shalt  }
0x5b: {  	_ =	shalt  }
0x5c: {  	_ =	shalt  }
0x5d: {  	_ =	shalt  }
0x5e: {  	_ =	shalt  }
0x5f: {  	_ =	shalt  }
0x60: {  	_ =	shalt  }
0x61: {  	_ =	shalt  }
0x62: {  	_ =	shalt  }
0x63: {  	_ =	shalt  }
0x64: {  	_ =	shalt  }
0x65: {  	_ =	shalt  }
0x66: {  	_ =	shalt  }
0x67: {  	_ =	shalt  }
0x68: {  	_ =	shalt  }
0x69: {  	_ =	shalt  }
0x6a: {  	_ =	shalt  }
0x6b: {  	_ =	shalt  }
0x6c: {  	_ =	shalt  }
0x6d: {  	_ =	shalt  }
0x6e: {  	_ =	shalt  }
0x6f: {  	_ =	shalt  }
0x70: {  	_ =	shalt  }
0x71: {  	_ =	shalt  }
0x72: {  	_ =	shalt  }
0x73: {  	_ =	shalt  }
0x74: {  	_ =	shalt  }
0x75: {  	_ =	shalt  }
0x76: {  	_ =	shalt  }
0x77: {  	_ =	shalt  }
0x78: {  	_ =	shalt  }
0x79: {  	_ =	shalt  }
0x7a: {  	_ =	shalt  }
0x7b: {  	_ =	shalt  }
0x7c: {  	_ =	shalt  }
0x7d: {  	_ =	shalt  }
0x7e: {  	_ =	shalt  }
0x7f: {  	_ =	shalt  }
0x80: {  	_ =	shalt  }
0x81: {  	_ =	shalt  }
0x82: {  	_ =	shalt  }
0x83: {  	_ =	shalt  }
0x84: {  	_ =	shalt  }
0x85: {  	_ =	shalt  }
0x86: {  	_ =	shalt  }
0x87: {  	_ =	shalt  }
.Lfunc_end0:
.L_simem_size_0:
called_computation.1_lowered:
.L_overlay_start_0:
0x88: {  	s2 =	sld [smem:$0x3FD9]  }
0x89: {  	s3 =	sld [smem:$0x3FFE];
	_ =	sdelay $0x1  }
0x8a: {  	s1 =	srdreg.scid  }
0x8b: {  	s0 =	sand.u32 $0x1, s1  }
0x8c: {  	s17 =	sshll.u32 s0, $0xA;
	s2 =	sadd.s32 s3, s2  }
0x8d: {  	s2 =	sadd.s32 s2, s17  }
0x8e: {  	[smem:$0x3FC2] =	sst s2  }
0x8f: {  	_ = 	snop  }
0x90: {  	s2 =	sld [smem:$0x3FD0];
	(tm) =	ssettm $0x1  }
0x91: {  	s18 =	sld [smem:$0x3FFB];
	_ =	sdelay $0x3  }
0x92: {  	_ =	strace s18  }
0x93: {  	s3 =	sld [smem:$0x3FFC];
	_ =	sdelay $0x3  }
0x94: {  	_ =	strace s3  }
0x95: {  	s3 =	sld [smem:$0x3FFD];
	_ =	sdelay $0x3  }
0x96: {  	_ =	strace s3  }
0x97: {  	_ =	strace $0x8FFFFFFF  }
0x98: {  	s19 =	sld [smem:$0x3FDB];
	_ =	sdelay $0x1  }
0x99: {  	s4 =	simm.s32 $_scs_section_size  }
0x9a: {  	s5 =	simm.s32 $_size__tile_overlayer_lowered;
	s6 =	simm.s32 $_tile_overlayer_lowered  }
0x9b: {  	s22 =	simm.s32 $0x1BFF;
	s21 =	sshll.u32 s6, $0x1;
	s3 =	sadd.s32 s4, s19  }
0x9c: {  	s7 =	simm.s32 $0x0;
	s20 =	sshll.u32 s5, $0x1;
	s5 =	sadd.s32 s21, s3  }
0x9d: {  	[timem:s7], [sflag:s22] =	dma.local [hbm:s5], s20  }
0x9e: {  	_ =	swait.ge [sflag:s22], s20  }
0x9f: {  	s4 =	ssub.s32 $0x0, s20;
	[sflag:s22] =	ssyncset.done $0x0  }
0xa0: {  	[sflag:s22] =	ssyncadd.s32 s4;
	_ =	sdelay $0x1  }
0xa1: {  	s23 =	simm.s32 $0x1B8B  }
0xa2: {  	_ =	swait.ge [sflag:s23], $0x1  }
0xa3: {  	[sflag:s23] =	ssyncset.done $0x0  }
0xa4: {  	s25 =	simm.s32 $0x1B8E;
	s24 =	sld [smem:$0x3FFE];
	[sflag:s23] =	ssyncadd.s32 $0xFFFFFFFF  }
0xa5: {  	s26 =	simm.s32 $execute0_lowered;
	[smem:$0x3FD2] =	sst s25  }
0xa6: {  	s5 =	sshll.u32 s26, $0x1;
	_ =	strace $0x80000049;
	[dreg:$0x1] =	wrdreg $0xFFFFFFFF  }
0xa7: {  	s28 =	simm.s32 $_size_execute0_lowered;
	s3 =	sadd.s32 s3, s5;
	[dreg:$0x0] =	wrdreg $0x0  }
0xa8: {  	s5 =	sshll.u32 s28, $0x1;
	[dreg:$0x2] =	wrdreg s3  }
0xa9: {  	[dreg:$0x3] =	wrdreg s5  }
0xaa: {  	[dreg:$0x4] =	wrdreg $0xC0  }
0xab: {  	_ =	task [dreg:s7], $0x5FFFF  }
0xac: {  	[dreg:$0x1] =	wrdreg $0xFFFFFFFF  }
0xad: {  	[dreg:$0x0] =	wrdreg $0x60  }
0xae: {  	[dreg:$0x2] =	wrdreg s24  }
0xaf: {  	[dreg:$0x3] =	wrdreg s2  }
0xb0: {  	[dreg:$0x4] =	wrdreg $0x0  }
0xb1: {  	[dreg:$0x5] =	wrdreg $0x9  }
0xb2: {  	_ =	task.clear_ibuf [dreg:s7], $0x6FFFF;
	_ =	strace $0x90000049  }
0xb3: {  	s29 =	simm.s32 $0x9;
	_ =	strace $0x8000004B  }
0xb4: {  	_ =	swait.ge [sflag:s29], $0x1  }
0xb5: {  	[sflag:s29] =	ssyncadd.s32 $0xFFFFFFFF  }
0xb6: {  	_ =	strace $0x9000004B  }
0xb7: {  	_ =	sfence  }
0xb8: {  	s30 =	sld [smem:$0x0];
	_ =	sdelay $0x2  }
0xb9: {  	s31 =	sshll.u32 s1, $0xD;
	s1 =	sshrl.u32 s1, $0x2  }
0xba: {  	s3 =	sand.u32 $0x4000, s31;
	s1 =	sadd.s32 s1, s30  }
0xbb: {  	s0 =	sor.u32 s3, s0;
	s1 =	sshll.u32 s1, $0x11  }
0xbc: {  	s0 =	sor.u32 s1, s0  }
0xbd: {  	s0 =	sadd.s32 $0x8F2B, s0  }
0xbe: {  	[sflag:s0] =	ssyncadd.remote.s32 $0x1  }
0xbf: {  	_ =	sfence.sel $0xFFFF  }
0xc0: {  	[dreg:$0x0] =	wrdreg $0xFFFFFFFF;
	(pc) =	sbr.abs _section_cstart, $3  }
0xc1: {  	[dreg:$0x1] =	wrdreg $0xFFFFFFFF  }
0xc2: {  	_ =	task.clear_ibuf [dreg:s7], $0x2FFFF;
	_ =	strace $0x9FFFFFFF  }
0xc3: {  	(tm) =	ssettm $0x7FFFFFFF  }
tec
execute0_lowered:
.L_overlay_start_1:
0x0: {  	(tag) =	ssettag $0x1  }
0x1: {  	s2 =	rddreg [dreg:$0x0]  }
0x2: {  	s3 =	rddreg [dreg:$0x1]  }
0x3: {  	s1 =	rddreg [dreg:$0x2]  }
0x4: {  	s0 =	simm.s32 $0x0;
	s17 =	srdreg.scid;
	s16 =	stileid.u32  }
0x5: {  	s29 =	simm.s32 $0x13880;
	s30 =	simm.s32 $0x15;
	s5 =	smul.u32 $0x4E20, s16  }
0x6: {  	s28 =	simm.s32 $0x50;
	[smem:$0x7FF] =	sst s0;
	s8 =	smul.u32 $0x270, s16  }
0x7: {  	s0 =	sand.u32 $0x1, s17;
	s4 =	sadd.s32 $0x2600, s2;
	s10 =	smul.u32 $0x27000, s16  }
0x8: {  	s2 =	sadd.s32 $0x29800, s2;
	s24 =	smul.u32 $0x2700, s16;
	p0 =	sne.s32 s16, $0x0  }
0x9: {  	_ =	strace $0x8000004A;
	s6 =	ssub.s32 $0x2, s0;
	s19 =	sshll.u32 s0, $0x3  }
0xa: {  	s7 =	sshrl.u32 s6, $0x1;
	s5 =	sshrl.u32 s5, $0x3;
	s18 =	sadd.s32 $0x230, s8  }
0xb: {  	s21 =	sadd.s32 s2, s19;
	s22 =	sshrl.u32 s10, $0x2;
	s23 =	sadd.s32 $0x50, s8  }
0xc: {  	s25 =	sadd.s32 $0xA0, s8;
	s11 =	sadd.s32 $0xF0, s8;
	s12 =	sadd.s32 $0x140, s8  }
0xd: {  	s13 =	sadd.s32 $0x190, s8;
	s8 =	sadd.s32 $0x1E0, s8;
	s6 =	ssub.s32 s6, s7  }
0xe: {  	s5 =	sadd.s32 s3, s5;
	s20 =	sshll.u32 s18, $0x4;
	s3 =	sshll.u32 s18, $0x6  }
0xf: {  	s26 =	sshll.u32 s23, $0x4;
	s14 =	sshll.u32 s25, $0x4;
	s15 =	sshll.u32 s11, $0x4  }
0x10: {  	s17 =	sshll.u32 s13, $0x4;
	s18 =	sshll.u32 s8, $0x4;
	[dreg:$0x4] =	wrdreg s5  }
0x11: {  	s5 =	sadd.s32 $0x9C40, s5;
	s9 =	sor.u32 s19, s20;
	s7 =	sadd.s32 s3, s1  }
0x12: {  	s31 =	sadd.s32 s14, s21;
	s14 =	sadd.s32 s15, s21;
	s15 =	sshll.u32 s12, $0x4  }
0x13: {  	s19 =	sadd.s32 s17, s21;
	s20 =	sadd.s32 s18, s21;
	[dreg:$0x5] =	wrdreg s5  }
0x14: {  	s3 =	sadd.s32 $0x27000, s21;
	s18 =	sadd.s32 s22, s1;
	[dreg:$0x9] =	wrdreg s31  }
0x15: {  	s22 =	sshll.u32 s23, $0x6;
	s23 =	sshll.u32 s25, $0x6;
	[dreg:$0xa] =	wrdreg s14  }
0x16: {  	s25 =	sshll.u32 s12, $0x6;
	s12 =	simm.s32 $0x10;
	[dreg:$0xc] =	wrdreg s19  }
0x17: {  	s2 =	sadd.s32 s2, s9;
	s9 =	sadd.s32 s24, s21;
	[dreg:$0xd] =	wrdreg s20  }
0x18: {  	[dreg:$0xe] =	wrdreg s3;
	s24 =	sshll.u32 s11, $0x6;
	s19 =	sadd.s32 s22, s1  }
0x19: {  	s20 =	sadd.s32 s23, s1;
	s31 =	sshll.u32 s8, $0x6;
	s22 =	sadd.s32 s25, s1  }
0x1a: {  	s25 =	sadd.s32 $0x9C000, s1;
	s5 =	simm.s32 $0x9C40;
	[dreg:$0x6] =	wrdreg s2  }
0x1b: {  	s11 =	simm.s32 $0xF;
	s14 =	simm.s32 $0x8;
	[dreg:$0x7] =	wrdreg s9  }
0x1c: {  	s9 =	sadd.s32 s26, s21;
	s26 =	sshll.u32 s13, $0x6;
	s13 =	simm.s32 $0x1  }
0x1d: {  	[dreg:$0x8] =	wrdreg s9;
	s9 =	sadd.s32 s15, s21;
	s21 =	smax.u32 s6, $0x1  }
0x1e: {  	s23 =	sadd.s32 s26, s1;
	s15 =	simm.s32 $0x0;
	[dreg:$0xb] =	wrdreg s9  }
0x1f: {  	v1 =	vimm.f32 $0.0e+00;
	v0 =	vmov s0;
	[dreg:$0xf] =	wrdreg s21;
	s21 =	sadd.s32 s24, s1;
	s24 =	sadd.s32 s31, s1  }
.LBB2_1:
0x20: {  	s0 =	simm.s32 $0x0;
	s2 =	rddreg [dreg:$0x4]  }
0x21: {  	[tilespmem:s5], [sflag:$0x13] =	stream.linear.gather [hbm4b:s2+s0], $0x4E20, $0x38;
	[tilespmem:$0x1EC80] =	vst v63  }
0x22: {  	s31 =	rddreg [dreg:$0x5];
	s3 =	simm.s32 $0xEA60  }
0x23: {  	[tilespmem:s3], [sflag:$0x14] =	stream.linear.gather [hbm4b:s31+s0], $0x4E20, $0x38;
	[tilespmem:$0x1EC80] =	vst v63  }
0x24: {  	s2 =	simm.s32 $0x100;
	s0 =	simm.s32 $0x0  }
.LBB2_2:
0x25: {  	p1 =	sne.s32 s2, $0x4F00;
	[tilespmem:s0+$0x138B0] =	vst v1;
	s3 =	smov.u32 s2;
	s2 =	sadd.s32 $0x100, s2  }
.Ltmp0:
0x26: {  	[tilespmem:s0+$0x138A0] =	vst v1;
	(pc) =	sbr.rel @p1 .LBB2_2-.Ltmp0, $3  }
0x27: {  	[tilespmem:s0+$0x13880] =	vst v1  }
0x28: {  	[tilespmem:s0+$0x13890] =	vst v1;
	_ =	sdelay $0x1  }
0x29: {  	s0 =	sshra.s32 s3, $0x2  }
0x2a: {  	[tilespmem:s0+$0x138B0] =	vst v1  }
0x2b: {  	[tilespmem:s0+$0x138A0] =	vst v1  }
0x2c: {  	[tilespmem:s0+$0x13880] =	vst v1  }
0x2d: {  	[tilespmem:s0+$0x13890] =	vst v1  }
0x2e: {  	[spmem:s18] =	stream.linear.scatter [tilespmem:s29], [sflag:$0x15], $0x1400, $0x38;
	[tilespmem:$0x1EC80] =	vst v63  }
0x2f: {  	_ =	swait.ge [sflag:s30], $0x1400  }
0x30: {  	[sflag:s30] =	ssyncset.done $0x0  }
0x31: {  	[sflag:s30] =	ssyncadd.s32 $0xFFFFEC00  }
0x32: {  	[spmem:s19] =	stream.linear.scatter [tilespmem:s29], [sflag:$0x15], $0x1400, $0x38;
	[tilespmem:$0x1EC80] =	vst v63  }
0x33: {  	_ =	swait.ge [sflag:s30], $0x1400  }
0x34: {  	[sflag:s30] =	ssyncset.done $0x0  }
0x35: {  	[sflag:s30] =	ssyncadd.s32 $0xFFFFEC00  }
0x36: {  	[spmem:s20] =	stream.linear.scatter [tilespmem:s29], [sflag:$0x15], $0x1400, $0x38;
	[tilespmem:$0x1EC80] =	vst v63  }
0x37: {  	_ =	swait.ge [sflag:s30], $0x1400  }
0x38: {  	[sflag:s30] =	ssyncset.done $0x0  }
0x39: {  	[sflag:s30] =	ssyncadd.s32 $0xFFFFEC00  }
0x3a: {  	[spmem:s21] =	stream.linear.scatter [tilespmem:s29], [sflag:$0x15], $0x1400, $0x38;
	[tilespmem:$0x1EC80] =	vst v63  }
0x3b: {  	_ =	swait.ge [sflag:s30], $0x1400  }
0x3c: {  	[sflag:s30] =	ssyncset.done $0x0  }
0x3d: {  	[sflag:s30] =	ssyncadd.s32 $0xFFFFEC00  }
0x3e: {  	[spmem:s22] =	stream.linear.scatter [tilespmem:s29], [sflag:$0x15], $0x1400, $0x38;
	[tilespmem:$0x1EC80] =	vst v63  }
0x3f: {  	_ =	swait.ge [sflag:s30], $0x1400  }
0x40: {  	[sflag:s30] =	ssyncset.done $0x0  }
0x41: {  	[sflag:s30] =	ssyncadd.s32 $0xFFFFEC00  }
0x42: {  	[spmem:s23] =	stream.linear.scatter [tilespmem:s29], [sflag:$0x15], $0x1400, $0x38;
	[tilespmem:$0x1EC80] =	vst v63  }
0x43: {  	_ =	swait.ge [sflag:s30], $0x1400  }
0x44: {  	[sflag:s30] =	ssyncset.done $0x0  }
0x45: {  	[sflag:s30] =	ssyncadd.s32 $0xFFFFEC00  }
0x46: {  	[spmem:s24] =	stream.linear.scatter [tilespmem:s29], [sflag:$0x15], $0x1400, $0x38;
	[tilespmem:$0x1EC80] =	vst v63  }
0x47: {  	_ =	swait.ge [sflag:s30], $0x1400  }
0x48: {  	[sflag:s30] =	ssyncset.done $0x0  }
0x49: {  	[sflag:s30] =	ssyncadd.s32 $0xFFFFEC00  }
0x4a: {  	[spmem:s7] =	stream.linear.scatter [tilespmem:s29], [sflag:$0x15], $0x1000, $0x38;
	[tilespmem:$0x1EC80] =	vst v63  }
0x4b: {  	_ =	swait.ge [sflag:s30], $0x1000  }
0x4c: {  	[sflag:s30] =	ssyncset.done $0x0  }
0x4d: {  	s0 =	simm.s32 @!p0 $0x13880;
	[sflag:s30] =	ssyncadd.s32 $0xFFFFF000  }
0x4e: {  	[spmem:s25] =	stream.linear.scatter @!p0 [tilespmem:s0], [sflag:$0x15], $0x400, $0x38;
	[tilespmem:$0x1EC80] =	vst v63  }
0x4f: {  	s0 =	simm.s32 @!p0 $0x15  }
0x50: {  	_ =	swait.ge @!p0 [sflag:s0], $0x400  }
0x51: {  	[sflag:s0] =	ssyncset.done @!p0 $0x0  }
0x52: {  	s31 =	simm.s32 $0x13;
	[sflag:s0] =	ssyncadd.s32 @!p0 $0xFFFFFC00  }
0x53: {  	_ =	swait.ge [sflag:s31], $0x4E20  }
0x54: {  	[sflag:s31] =	ssyncset.done $0x0  }
0x55: {  	s0 =	simm.s32 $0x0;
	[sflag:s31] =	ssyncadd.s32 $0xFFFFB1E0  }
0x56: {  	v4 =	vld [tilespmem:s0+$0x9C40]  }
0x57: {  	v5 =	vld [tilespmem:s0+$0x9C50]  }
0x58: {  	v3 =	vld [tilespmem:s0+$0x9C60]  }
0x59: {  	s3 =	simm.s32 $0x140;
	v2 =	vld [tilespmem:s0+$0x9C70]  }
.LBB2_4:
0x5a: {  	p1 =	sne.s32 s3, $0x13740;
	v6 =	vld [tilespmem:s0+$0x9C80]  }
0x5b: {  	v4 =	vshll.u32 v4, $0x1  }
0x5c: {  	v4 =	vor.u32 v0, v4;
	v5 =	vshll.u32 v5, $0x1  }
.Ltmp1:
0x5d: {  	s2 =	sshra.s32 s3, $0x2;
	[tilespmem:s0+$0x9C40] =	vst v4;
	v5 =	vor.u32 v0, v5;
	v3 =	vshll.u32 v3, $0x1;
	(pc) =	sbr.rel @p1 .LBB2_4-.Ltmp1, $4  }
0x5e: {  	v4 =	vld [tilespmem:s2+$0x9C40];
	[tilespmem:s0+$0x9C50] =	vst v5;
	v3 =	vor.u32 v0, v3;
	v2 =	vshll.u32 v2, $0x1  }
0x5f: {  	v5 =	vld [tilespmem:s2+$0x9C50];
	[tilespmem:s0+$0x9C60] =	vst v3;
	v2 =	vor.u32 v0, v2;
	v6 =	vshll.u32 v6, $0x1  }
0x60: {  	v3 =	vld [tilespmem:s2+$0x9C60];
	[tilespmem:s0+$0x9C70] =	vst v2;
	v6 =	vor.u32 v0, v6  }
0x61: {  	s3 =	sadd.s32 $0x140, s3;
	v2 =	vld [tilespmem:s2+$0x9C70];
	[tilespmem:s0+$0x9C80] =	vst v6;
	s0 =	smov.u32 s2  }
0x62: {  	v6 =	vld [tilespmem:s0+$0x9C80]  }
0x63: {  	v4 =	vshll.u32 v4, $0x1  }
0x64: {  	v4 =	vor.u32 v0, v4;
	v5 =	vshll.u32 v5, $0x1  }
0x65: {  	[tilespmem:s0+$0x9C40] =	vst v4;
	v63 =	vor.u32 v0, v5;
	v3 =	vshll.u32 v3, $0x1  }
0x66: {  	[tilespmem:s0+$0x9C50] =	vst v63;
	v3 =	vor.u32 v0, v3;
	v2 =	vshll.u32 v2, $0x1  }
0x67: {  	[tilespmem:s0+$0x9C60] =	vst v3;
	v2 =	vor.u32 v0, v2;
	v3 =	vshll.u32 v6, $0x1  }
0x68: {  	s3 =	simm.s32 $0x14;
	s6 =	simm.s32 $0x9C90;
	s10 =	simm.s32 $0x0;
	[tilespmem:s0+$0x9C70] =	vst v2;
	v2 =	vor.u32 v0, v3  }
0x69: {  	s2 =	simm.s32 $0x14C80;
	s8 =	simm.s32 $0x9CE0;
	[tilespmem:s0+$0x9C80] =	vst v2;
	s0 =	smul.u32 $0x39, s10  }
0x6a: {  	s9 =	simm.s32 $0x16080;
	s16 =	simm.s32 $0x9D30;
	_ =	swait.ge [sflag:s3], $0x4E20  }
0x6b: {  	p1 =	por $0x0, $0x0;
	[sflag:s3] =	ssyncset.done $0x0;
	s0 =	sshrl.u32 s0, $0x9  }
0x6c: {  	p2 =	por @!p1 $0x1, $0x1;
	[sflag:s3] =	ssyncadd.s32 $0xFFFFB1E0;
	s0 =	sand.u32 $0x7F, s0  }
0x6d: {  	[tilespmem:s29], [sflag:$0x1] =	stream.indirect.gather [hbm4b:s4+s28], $0x40, s5, s28, $0xb8;
	[tilespmem:$0x1EC80] =	vst v63  }
0x6e: {  	s26 =	simm.s32 $0xEA60;
	p2 =	por p2, p1;
	s17 =	smul.u32 $0x9, s0  }
0x6f: {  	[tilespmem:s2], [sflag:$0x2] =	stream.indirect.gather [hbm4b:s4+s28], $0x40, s6, s28, $0xb8;
	[tilespmem:$0x1EC80] =	vst v63  }
0x70: {  	s3 =	simm.s32 $0x17480;
	s2 =	simm.s32 $0x4;
	s6 =	ssub.s32 $0x0, s17  }
0x71: {  	s0 =	simm.s32 $0x9D80;
	s2 =	smul.u32 @!p1 $0x39, s2;
	s6 =	sand.u32 $0xFF, s6  }
0x72: {  	[tilespmem:s9], [sflag:$0x3] =	stream.indirect.gather [hbm4b:s4+s28], $0x40, s8, s28, $0xb8;
	[tilespmem:$0x1EC80] =	vst v63  }
0x73: {  	s8 =	smul.u32 $0x5000, s6;
	s17 =	sadd.s32 $0x1, s6;
	s2 =	sshrl.u32 @!p1 s2, $0x9  }
0x74: {  	[tilespmem:s3], [sflag:$0x4] =	stream.indirect.gather [hbm4b:s4+s28], $0x40, s16, s28, $0xb8;
	[tilespmem:$0x1EC80] =	vst v63  }
0x75: {  	s6 =	sadd.s32 $0xA, s6;
	s16 =	simm.s32 $0x1;
	s2 =	sand.u32 @!p1 $0x7F, s2  }
0x76: {  	s3 =	simm.s32 $0x2;
	[bflag:$0x0] =	sbarrier.arrive $0xFFFF;
	s2 =	smul.u32 @!p1 $0x9, s2  }
0x77: {  	s8 =	sshrl.u32 s8, $0x2;
	s31 =	smul.u32 $0x39, s16;
	_ =	swait.ge [sflag:s17], $0x1400  }
0x78: {  	s8 =	sadd.s32 $0x13880, s8;
	[sflag:s17] =	ssyncset.done $0x0;
	s2 =	ssub.s32 @!p1 $0x4, s2  }
0x79: {  	[sflag:s17] =	ssyncadd.s32 $0xFFFFEC00;
	s2 =	sand.u32 @!p1 $0xFF, s2;
	s17 =	simm.s32 $0x9DD0  }
0x7a: {  	[spmem:s1] =	stream.indirect.scatter.add.f32 [tilespmem:s8], [sflag:s6], $0x40, s26, s28, $0xb8;
	[tilespmem:$0x1EC80] =	vst v63  }
0x7b: {  	s26 =	simm.s32 $0xEAB0;
	s6 =	sadd.s32 @!p2 $0xA, s2;
	s5 =	smul.u32 @!p1 $0x5000, s2  }
0x7c: {  	s2 =	sadd.s32 @!p1 $0x1, s2;
	s8 =	simm.s32 @!p1 $0x50;
	_ =	swait.ge @!p2 [sflag:s6], $0x1400  }
.LBB2_6:
0x7d: {  	s9 =	sshrl.u32 s31, $0x9  }
0x7e: {  	[sflag:s6] =	ssyncset.done @!p2 $0x0;
	s5 =	sshrl.u32 @!p1 s5, $0x2;
	s10 =	smov.u32 s3  }
0x7f: {  	s31 =	smul.u32 $0x39, s3;
	[sflag:s6] =	ssyncadd.s32 @!p2 $0xFFFFEC00;
	s5 =	sadd.s32 @!p1 $0x13880, s5  }
0x80: {  	[tilespmem:s5], [sflag:s2] =	stream.indirect.gather @!p1 [hbm4b:s4+s8], $0x40, s0, s8, $0xb8;
	[tilespmem:$0x1EC80] =	vst v63  }
0x81: {  	s3 =	sadd.s32 $0x1, s3;
	s0 =	sand.u32 $0x7F, s9  }
0x82: {  	s2 =	sadd.s32 $0x4, s16;
	p1 =	sgt.u32 s16, $0xF5;
	s5 =	smul.u32 $0x9, s0  }
0x83: {  	p3 =	sne.s32 s3, $0xFA;
	s6 =	smul.u32 @!p1 $0x39, s2  }
0x84: {  	p2 =	slt.u32 @!p1 s16, $0x5;
	s0 =	smov.u32 s17;
	s5 =	ssub.s32 s16, s5  }
0x85: {  	s16 =	smov.u32 s10;
	s6 =	sshrl.u32 @!p1 s6, $0x9;
	s5 =	sand.u32 $0xFF, s5  }
0x86: {  	s6 =	sand.u32 @!p1 $0x7F, s6;
	s8 =	smul.u32 $0x5000, s5  }
0x87: {  	s9 =	sadd.s32 $0x1, s5;
	s6 =	smul.u32 @!p1 $0x9, s6  }
0x88: {  	p2 =	por p2, p1;
	s5 =	sadd.s32 $0xA, s5;
	_ =	swait.ge [sflag:s9], $0x1400  }
0x89: {  	s8 =	sshrl.u32 s8, $0x2;
	s2 =	ssub.s32 @!p1 s2, s6;
	[sflag:s9] =	ssyncset.done $0x0  }
.Ltmp2:
0x8a: {  	s8 =	sadd.s32 $0x13880, s8;
	[sflag:s9] =	ssyncadd.s32 $0xFFFFEC00;
	(pc) =	sbr.rel @p3 .LBB2_6-.Ltmp2, $4  }
0x8b: {  	[spmem:s1] =	stream.indirect.scatter.add.f32 [tilespmem:s8], [sflag:s5], $0x40, s26, s28, $0xb8;
	[tilespmem:$0x1EC80] =	vst v63  }
0x8c: {  	s2 =	sand.u32 @!p1 $0xFF, s2;
	s26 =	sadd.s32 $0x50, s26  }
0x8d: {  	s6 =	sadd.s32 @!p2 $0xA, s2;
	s5 =	smul.u32 @!p1 $0x5000, s2;
	s2 =	sadd.s32 @!p1 $0x1, s2  }
0x8e: {  	s17 =	sadd.s32 $0x50, s17;
	s8 =	simm.s32 @!p1 $0x50;
	_ =	swait.ge @!p2 [sflag:s6], $0x1400  }
0x8f: {  	[sflag:s6] =	ssyncset.done @!p2 $0x0;
	s3 =	sshrl.u32 @!p1 s5, $0x2  }
0x90: {  	[sflag:s6] =	ssyncadd.s32 @!p2 $0xFFFFEC00;
	s6 =	sshrl.u32 s31, $0x9;
	s3 =	sadd.s32 @!p1 $0x13880, s3  }
0x91: {  	[tilespmem:s3], [sflag:s2] =	stream.indirect.gather @!p1 [hbm4b:s4+s8], $0x40, s0, s8, $0xb8;
	[tilespmem:$0x1EC80] =	vst v63  }
0x92: {  	s9 =	sand.u32 $0x7F, s6  }
0x93: {  	s2 =	sadd.s32 $0x4, s16;
	p1 =	sgt.u32 s16, $0xF5;
	s0 =	smul.u32 $0x9, s9  }
0x94: {  	s3 =	smul.u32 @!p1 $0x39, s2  }
0x95: {  	s0 =	ssub.s32 s16, s0  }
0x96: {  	s3 =	sshrl.u32 @!p1 s3, $0x9;
	s0 =	sand.u32 $0xFF, s0  }
0x97: {  	s3 =	sand.u32 @!p1 $0x7F, s3;
	s10 =	sadd.s32 $0x1, s0;
	s31 =	smul.u32 $0x5000, s0  }
0x98: {  	p2 =	slt.u32 @!p1 s16, $0x5;
	s3 =	smul.u32 @!p1 $0x9, s3;
	_ =	swait.ge [sflag:s10], $0x1400  }
0x99: {  	s0 =	sadd.s32 $0xA, s0;
	[sflag:s10] =	ssyncset.done $0x0;
	s8 =	sshrl.u32 s31, $0x2  }
0x9a: {  	s2 =	ssub.s32 @!p1 s2, s3;
	[sflag:s10] =	ssyncadd.s32 $0xFFFFEC00;
	s9 =	sadd.s32 $0x13880, s8  }
0x9b: {  	[spmem:s1] =	stream.indirect.scatter.add.f32 [tilespmem:s9], [sflag:s0], $0x40, s26, s28, $0xb8;
	[tilespmem:$0x1EC80] =	vst v63  }
0x9c: {  	p2 =	por p2, p1;
	s0 =	sand.u32 @!p1 $0xFF, s2  }
0x9d: {  	s2 =	sadd.s32 @!p2 $0xA, s0;
	s3 =	smul.u32 @!p1 $0x5000, s0  }
0x9e: {  	s5 =	simm.s32 @!p1 $0x50;
	_ =	swait.ge @!p2 [sflag:s2], $0x1400  }
0x9f: {  	s10 =	simm.s32 $0x11;
	[sflag:s2] =	ssyncset.done @!p2 $0x0;
	s3 =	sshrl.u32 @!p1 s3, $0x2  }
0xa0: {  	s0 =	sadd.s32 @!p1 $0x1, s0;
	[sflag:s2] =	ssyncadd.s32 @!p2 $0xFFFFEC00;
	s2 =	sadd.s32 @!p1 $0x13880, s3  }
0xa1: {  	[tilespmem:s2], [sflag:s0] =	stream.indirect.gather @!p1 [hbm4b:s4+s5], $0x40, s17, s5, $0xb8;
	[tilespmem:$0x1EC80] =	vst v63  }
0xa2: {  	_ =	swait.ge [sflag:s10], $0x1400  }
0xa3: {  	[sflag:s10] =	ssyncset.done $0x0  }
0xa4: {  	s16 =	simm.s32 $0x12;
	[sflag:s10] =	ssyncadd.s32 $0xFFFFEC00  }
0xa5: {  	_ =	swait.ge [sflag:s16], $0x1400  }
0xa6: {  	[sflag:s16] =	ssyncset.done $0x0  }
0xa7: {  	s17 =	simm.s32 $0xA;
	[sflag:s16] =	ssyncadd.s32 $0xFFFFEC00  }
0xa8: {  	_ =	swait.ge [sflag:s17], $0x1400  }
0xa9: {  	[sflag:s17] =	ssyncset.done $0x0  }
0xaa: {  	s26 =	simm.s32 $0xB;
	[sflag:s17] =	ssyncadd.s32 $0xFFFFEC00  }
0xab: {  	_ =	swait.ge [sflag:s26], $0x1400  }
0xac: {  	[sflag:s26] =	ssyncset.done $0x0  }
0xad: {  	s31 =	simm.s32 $0xC;
	[sflag:s26] =	ssyncadd.s32 $0xFFFFEC00  }
0xae: {  	_ =	swait.ge [sflag:s31], $0x1400  }
0xaf: {  	[sflag:s31] =	ssyncset.done $0x0  }
0xb0: {  	s2 =	simm.s32 $0xD;
	[sflag:s31] =	ssyncadd.s32 $0xFFFFEC00  }
0xb1: {  	_ =	swait.ge [sflag:s2], $0x1400  }
0xb2: {  	[sflag:s2] =	ssyncset.done $0x0  }
0xb3: {  	s3 =	simm.s32 $0xE;
	[sflag:s2] =	ssyncadd.s32 $0xFFFFEC00  }
0xb4: {  	_ =	swait.ge [sflag:s3], $0x1400  }
0xb5: {  	[sflag:s3] =	ssyncset.done $0x0  }
0xb6: {  	[sflag:s3] =	ssyncadd.s32 $0xFFFFEC00  }
0xb7: {  	_ =	swait.ge [sflag:s11], $0x1400  }
0xb8: {  	[sflag:s11] =	ssyncset.done $0x0  }
0xb9: {  	[sflag:s11] =	ssyncadd.s32 $0xFFFFEC00  }
0xba: {  	_ =	swait.ge [sflag:s12], $0x1400  }
0xbb: {  	[sflag:s12] =	ssyncset.done $0x0  }
0xbc: {  	s5 =	stileid.u32;
	[sflag:s12] =	ssyncadd.s32 $0xFFFFEC00  }
0xbd: {  	s0 =	sshll.u32 s5, $0x6;
	[bflag:$0x0] =	sbarrier.arrive $0xFFFF  }
0xbe: {  	s6 =	sshrl.u32 s18, $0x3;
	s0 =	sor.u32 $0x1C15, s0;
	s8 =	rddreg [dreg:$0x7]  }
0xbf: {  	[hbm:s8@s12], [sflag:s0] =	dma.strided [spmem:s6@s14], $0x280, s13, $0x8   }
0xc0: {  	_ =	swait.ge [sflag:s30], $0x280  }
0xc1: {  	[sflag:s30] =	ssyncset.done $0x0  }
0xc2: {  	s9 =	sshrl.u32 s19, $0x3;
	s10 =	rddreg [dreg:$0x8];
	[sflag:s30] =	ssyncadd.s32 $0xFFFFFD80  }
0xc3: {  	[hbm:s10@s12], [sflag:s0] =	dma.strided [spmem:s9@s14], $0x280, s13, $0x8   }
0xc4: {  	_ =	swait.ge [sflag:s30], $0x280  }
0xc5: {  	[sflag:s30] =	ssyncset.done $0x0  }
0xc6: {  	s16 =	sshrl.u32 s20, $0x3;
	s17 =	rddreg [dreg:$0x9];
	[sflag:s30] =	ssyncadd.s32 $0xFFFFFD80  }
0xc7: {  	[hbm:s17@s12], [sflag:s0] =	dma.strided [spmem:s16@s14], $0x280, s13, $0x8   }
0xc8: {  	_ =	swait.ge [sflag:s30], $0x280  }
0xc9: {  	[sflag:s30] =	ssyncset.done $0x0  }
0xca: {  	s26 =	sshrl.u32 s21, $0x3;
	s31 =	rddreg [dreg:$0xa];
	[sflag:s30] =	ssyncadd.s32 $0xFFFFFD80  }
0xcb: {  	[hbm:s31@s12], [sflag:s0] =	dma.strided [spmem:s26@s14], $0x280, s13, $0x8   }
0xcc: {  	_ =	swait.ge [sflag:s30], $0x280  }
0xcd: {  	[sflag:s30] =	ssyncset.done $0x0  }
0xce: {  	s5 =	sshrl.u32 s22, $0x3;
	s6 =	rddreg [dreg:$0xb];
	[sflag:s30] =	ssyncadd.s32 $0xFFFFFD80  }
0xcf: {  	[hbm:s6@s12], [sflag:s0] =	dma.strided [spmem:s5@s14], $0x280, s13, $0x8   }
0xd0: {  	_ =	swait.ge [sflag:s30], $0x280  }
0xd1: {  	[sflag:s30] =	ssyncset.done $0x0  }
0xd2: {  	s8 =	sshrl.u32 s23, $0x3;
	s9 =	rddreg [dreg:$0xc];
	[sflag:s30] =	ssyncadd.s32 $0xFFFFFD80  }
0xd3: {  	[hbm:s9@s12], [sflag:s0] =	dma.strided [spmem:s8@s14], $0x280, s13, $0x8   }
0xd4: {  	_ =	swait.ge [sflag:s30], $0x280  }
0xd5: {  	[sflag:s30] =	ssyncset.done $0x0  }
0xd6: {  	s10 =	sshrl.u32 s24, $0x3;
	s16 =	rddreg [dreg:$0xd];
	[sflag:s30] =	ssyncadd.s32 $0xFFFFFD80  }
0xd7: {  	[hbm:s16@s12], [sflag:s0] =	dma.strided [spmem:s10@s14], $0x280, s13, $0x8   }
0xd8: {  	_ =	swait.ge [sflag:s30], $0x280  }
0xd9: {  	[sflag:s30] =	ssyncset.done $0x0  }
0xda: {  	s17 =	sshrl.u32 s7, $0x3;
	s26 =	rddreg [dreg:$0x6];
	[sflag:s30] =	ssyncadd.s32 $0xFFFFFD80  }
0xdb: {  	[hbm:s26@s12], [sflag:s0] =	dma.strided [spmem:s17@s14], $0x200, s13, $0x8   }
0xdc: {  	s2 =	sshrl.u32 @!p0 s25, $0x3;
	_ =	swait.ge [sflag:s30], $0x200  }
0xdd: {  	s3 =	simm.s32 @!p0 $0x1;
	s5 =	simm.s32 @!p0 $0x10;
	[sflag:s30] =	ssyncset.done $0x0  }
0xde: {  	s6 =	simm.s32 @!p0 $0x8;
	s8 =	rddreg [dreg:$0xe];
	[sflag:s30] =	ssyncadd.s32 $0xFFFFFE00  }
0xdf: {  	[hbm:s8@s5], [sflag:s0] =	dma.strided @!p0 [spmem:s2@s6], $0x80, s3, $0x8   }
0xe0: {  	s0 =	simm.s32 @!p0 $0x15  }
0xe1: {  	_ =	swait.ge @!p0 [sflag:s0], $0x80  }
0xe2: {  	s15 =	sadd.s32 $0x1, s15;
	s31 =	rddreg [dreg:$0xf]  }
0xe3: {  	p1 =	sne.s32 s15, s31  }
.Ltmp3:
0xe4: {  	_ = 	snop;
	(pc) =	sbr.rel @p1 .LBB2_1-.Ltmp3, $3  }
0xe5: {  	_ =	sdelay $0x1  }
0xe6: {  	[sflag:s0] =	ssyncset.done @!p0 $0x0  }
0xe7: {  	s5 =	simm.s32 $0x9C40;
	[sflag:s0] =	ssyncadd.s32 @!p0 $0xFFFFFF80  }
0xe8: {  	_ =	sfence.sel $0x180000  }
0xe9: {  	[bflag:$0x0] =	sbarrier.arrive $0xFFFF  }
0xea: {  	_ =	strace $0x9000004A  }
0xeb: {  	[bflag:$0x2] =	sbarrier.arrive $0xFFFF  }
0xec: {  	s0 =	rddreg [dreg:$0x3]  }
0xed: {  	s0 =	sadd.s32 @!p0 $0x100000, s0  }
0xee: {  	[sflag:s0] =	ssyncadd.tile.s32 @!p0 $0x1;
	_ =	shalt  }
.Lfunc_end2:
_tile_overlayer_lowered:
.L_overlay_start_2:
0xef: {  	(tag) =	ssettag $0x2  }
0xf0: {  	s0 =	rddreg [dreg:$0x0];
	s2 =	stileid.u32  }
0xf1: {  	s1 =	rddreg [dreg:$0x1];
	p0 =	sne.s32 s2, $0x0  }
0xf2: {  	s3 =	rddreg [dreg:$0x2];
	[bflag:$0x3] =	sbarrier.arrive $0xFFFF;
	s2 =	simm.s32 @!p0 $0x1C15  }
0xf3: {  	[timem:s3], [sflag:s2] =	dma.local @!p0 [hbm:s0], s1  }
0xf4: {  	s0 =	simm.s32 @!p0 $0x15  }
0xf5: {  	_ =	swait.ge @!p0 [sflag:s0], s1  }
0xf6: {  	s1 =	ssub.s32 @!p0 $0x0, s1;
	[sflag:s0] =	ssyncset.done @!p0 $0x0  }
0xf7: {  	[sflag:s0] =	ssyncadd.s32 @!p0 s1  }
0xf8: {  	[bflag:$0x3] =	sbarrier.arrive $0xFFFF  }
0xf9: {  	_ =	shalt  }

// kernel: kernel.14.cloned.1.call-start
scs
__scs_entry_jumppad:
0x0: {  	(pc) =	sbr.rel $0x88, $3  }
0x1: {  	(tag) =	ssettag $0x0;
	lr =	simm.s32 $0x1  }
0x2: {  	[smem:$0x3F9B] =	sst lr;
	_ =	strace $0xD0000000  }
0x3: {  	_ = 	snop  }
0x4: {  	_ = 	snop  }
0x5: {  	_ = 	snop  }
0x6: {  	_ = 	snop  }
0x7: {  	_ = 	snop  }
__scs_overlays_trampoline_lowered:
0x8: {  	[smem:$0x3FAA] =	sst s0  }
0x9: {  	[smem:$0x3FAB] =	sst s1  }
0xa: {  	[smem:$0x3FAC] =	sst s2  }
0xb: {  	[smem:$0x3FAD] =	sst s3  }
0xc: {  	[smem:$0x3FAE] =	sst s4  }
0xd: {  	[smem:$0x3FAF] =	sst s5  }
0xe: {  	[smem:$0x3FB0] =	sst s6  }
0xf: {  	[smem:$0x3FB1] =	sst s7  }
0x10: {  	[smem:$0x3FB2] =	sst s8  }
0x11: {  	[smem:$0x3FB3] =	sst s9;
	s0 =	simm.s32 @!p0 $0x0  }
0x12: {  	s1 =	sld [smem:$0x3F99];
	s0 =	simm.s32 @p0 $0x1  }
0x13: {  	[smem:$0x3FB4] =	sst s0;
	s0 =	simm.s32 @!p1 $0x0  }
0x14: {  	s2 =	sld [smem:$0x3F98];
	s0 =	simm.s32 @p1 $0x1  }
0x15: {  	[smem:$0x3FB5] =	sst s0;
	s0 =	simm.s32 @!p2 $0x0  }
0x16: {  	s3 =	sld [smem:$0x3FDB];
	s0 =	simm.s32 @p2 $0x1  }
0x17: {  	s4 =	simm.s32 $0x1BF5;
	[smem:$0x3FB7] =	sst s0  }
0x18: {  	s0 =	sld [smem:$0x3F9A];
	_ =	swait.ge [sflag:s4], $0x0  }
0x19: {  	s7 =	sld [smem:$0x3F9B]  }
0x1a: {  	s8 =	sadd.s32 $0xFFFFE003, lr  }
0x1b: {  	s9 =	sadd.s32 $0xFFFFFEF7, lr;
	s5 =	simm.s32 $0xFFFFFFFF;
	p2 =	slt.u32 s8, $0xFFFFF086  }
0x1c: {  	p1 =	slt.u32 s9, $0xF7A;
	s5 =	simm.s32 @!p2 $0x0  }
0x1d: {  	s5 =	simm.s32 @p1 $0x1;
	p0 =	seq.s32 s7, s2  }
0x1e: {  	s7 =	smul.u32 @!p0 $0xF7A, s2;
	p2 =	seq.s32 @!p0 s5, $0x0  }
0x1f: {  	s9 =	smul.u32 $0xF7A, s1;
	s8 =	simm.s32 @!p0 $0x1BF5;
	p2 =	por !p2, p0  }
0x20: {  	[sflag:s8] =	ssyncset.s32 @!p0 $0xFFFFF086;
	s6 =	sadd.s32 @!p0 s3, s7;
	s7 =	simm.s32 @!p0 $0x108  }
0x21: {  	s3 =	sadd.s32 s3, s9;
	s6 =	sadd.s32 @!p0 $0x88, s6;
	s7 =	simm.s32 @p2 $0x1082  }
0x22: {  	[simem:s7], [sflag:s8] =	dma.local @!p0 [hbm:s6], $0xF7A  }
0x23: {  	s9 =	sor.u32 $0xD0000000, s2;
	s6 =	simm.s32 $0x108;
	_ =	swait.ge @!p0 [sflag:s8], $0x0  }
0x24: {  	s3 =	sadd.s32 $0x88, s3;
	s6 =	simm.s32 @!p1 $0x1082;
	[sflag:s4] =	ssyncset.s32 $0xFFFFF086  }
0x25: {  	[simem:s6], [sflag:s4] =	dma.local [hbm:s3], $0xF7A  }
0x26: {  	[smem:$0x3F9B] =	sst s1;
	(tag) =	ssettag s2;
	_ =	strace s9  }
0x27: {  	s1 =	sld [smem:$0x3FAB]  }
0x28: {  	s2 =	sld [smem:$0x3FAC]  }
0x29: {  	s4 =	sld [smem:$0x3FAE]  }
0x2a: {  	p0 =	seq.s32 s5, $0x0;
	s5 =	sld [smem:$0x3FAF]  }
0x2b: {  	s6 =	sld [smem:$0x3FB0]  }
0x2c: {  	s7 =	sld [smem:$0x3FB1]  }
0x2d: {  	s3 =	simm.s32 $0x108;
	s8 =	sld [smem:$0x3FB2]  }
0x2e: {  	s3 =	simm.s32 @!p0 $0x1082;
	s9 =	sld [smem:$0x3FB3]  }
0x2f: {  	lr =	sadd.s32 s0, s3;
	s0 =	sld [smem:$0x3FAA]  }
0x30: {  	s3 =	sld [smem:$0x3FAD]  }
0x31: {  	[smem:$0x3FB6] =	sst s10  }
0x32: {  	s10 =	sld [smem:$0x3FB4];
	_ =	sdelay $0x3  }
0x33: {  	p0 =	seq.s32 s10, $0x1;
	s10 =	sld [smem:$0x3FB6];
	_ =	sdelay $0x3  }
0x34: {  	[smem:$0x3FB6] =	sst s10  }
0x35: {  	s10 =	sld [smem:$0x3FB5];
	_ =	sdelay $0x3  }
0x36: {  	p1 =	seq.s32 s10, $0x1;
	s10 =	sld [smem:$0x3FB6];
	_ =	sdelay $0x3  }
0x37: {  	[smem:$0x3FB6] =	sst s10  }
0x38: {  	s10 =	sld [smem:$0x3FB7]  }
0x39: {  	_ = 	snop;
	(pc) =	sbr.ind lr, $3  }
0x3a: {  	_ = 	snop  }
0x3b: {  	_ = 	snop  }
0x3c: {  	p2 =	seq.s32 s10, $0x1;
	s10 =	sld [smem:$0x3FB6]  }
0x3d: {  	_ =	shalt  }
0x3e: {  	_ =	shalt  }
0x3f: {  	_ =	shalt  }
0x40: {  	_ =	shalt  }
0x41: {  	_ =	shalt  }
0x42: {  	_ =	shalt  }
0x43: {  	_ =	shalt  }
0x44: {  	_ =	shalt  }
0x45: {  	_ =	shalt  }
0x46: {  	_ =	shalt  }
0x47: {  	_ =	shalt  }
0x48: {  	_ =	shalt  }
0x49: {  	_ =	shalt  }
0x4a: {  	_ =	shalt  }
0x4b: {  	_ =	shalt  }
0x4c: {  	_ =	shalt  }
0x4d: {  	_ =	shalt  }
0x4e: {  	_ =	shalt  }
0x4f: {  	_ =	shalt  }
0x50: {  	_ =	shalt  }
0x51: {  	_ =	shalt  }
0x52: {  	_ =	shalt  }
0x53: {  	_ =	shalt  }
0x54: {  	_ =	shalt  }
0x55: {  	_ =	shalt  }
0x56: {  	_ =	shalt  }
0x57: {  	_ =	shalt  }
0x58: {  	_ =	shalt  }
0x59: {  	_ =	shalt  }
0x5a: {  	_ =	shalt  }
0x5b: {  	_ =	shalt  }
0x5c: {  	_ =	shalt  }
0x5d: {  	_ =	shalt  }
0x5e: {  	_ =	shalt  }
0x5f: {  	_ =	shalt  }
0x60: {  	_ =	shalt  }
0x61: {  	_ =	shalt  }
0x62: {  	_ =	shalt  }
0x63: {  	_ =	shalt  }
0x64: {  	_ =	shalt  }
0x65: {  	_ =	shalt  }
0x66: {  	_ =	shalt  }
0x67: {  	_ =	shalt  }
0x68: {  	_ =	shalt  }
0x69: {  	_ =	shalt  }
0x6a: {  	_ =	shalt  }
0x6b: {  	_ =	shalt  }
0x6c: {  	_ =	shalt  }
0x6d: {  	_ =	shalt  }
0x6e: {  	_ =	shalt  }
0x6f: {  	_ =	shalt  }
0x70: {  	_ =	shalt  }
0x71: {  	_ =	shalt  }
0x72: {  	_ =	shalt  }
0x73: {  	_ =	shalt  }
0x74: {  	_ =	shalt  }
0x75: {  	_ =	shalt  }
0x76: {  	_ =	shalt  }
0x77: {  	_ =	shalt  }
0x78: {  	_ =	shalt  }
0x79: {  	_ =	shalt  }
0x7a: {  	_ =	shalt  }
0x7b: {  	_ =	shalt  }
0x7c: {  	_ =	shalt  }
0x7d: {  	_ =	shalt  }
0x7e: {  	_ =	shalt  }
0x7f: {  	_ =	shalt  }
0x80: {  	_ =	shalt  }
0x81: {  	_ =	shalt  }
0x82: {  	_ =	shalt  }
0x83: {  	_ =	shalt  }
0x84: {  	_ =	shalt  }
0x85: {  	_ =	shalt  }
0x86: {  	_ =	shalt  }
0x87: {  	_ =	shalt  }
.Lfunc_end0:
.L_simem_size_0:
called_computation.2_lowered:
.L_overlay_start_0:
0x88: {  	s2 =	sld [smem:$0x3FD9]  }
0x89: {  	s3 =	sld [smem:$0x3FFE];
	_ =	sdelay $0x1  }
0x8a: {  	s1 =	srdreg.scid  }
0x8b: {  	s0 =	sand.u32 $0x1, s1  }
0x8c: {  	s17 =	sshll.u32 s0, $0xA;
	s2 =	sadd.s32 s3, s2  }
0x8d: {  	s2 =	sadd.s32 s2, s17  }
0x8e: {  	[smem:$0x3FC2] =	sst s2  }
0x8f: {  	_ = 	snop  }
0x90: {  	s2 =	sld [smem:$0x3FD0];
	(tm) =	ssettm $0x1  }
0x91: {  	s18 =	sld [smem:$0x3FFB];
	_ =	sdelay $0x3  }
0x92: {  	_ =	strace s18  }
0x93: {  	s3 =	sld [smem:$0x3FFC];
	_ =	sdelay $0x3  }
0x94: {  	_ =	strace s3  }
0x95: {  	s3 =	sld [smem:$0x3FFD];
	_ =	sdelay $0x3  }
0x96: {  	_ =	strace s3  }
0x97: {  	_ =	strace $0x8FFFFFFF  }
0x98: {  	s19 =	sld [smem:$0x3FDB];
	_ =	sdelay $0x1  }
0x99: {  	s4 =	simm.s32 $_scs_section_size  }
0x9a: {  	s5 =	simm.s32 $_size__tile_overlayer_lowered;
	s6 =	simm.s32 $_tile_overlayer_lowered  }
0x9b: {  	s22 =	simm.s32 $0x1BFF;
	s21 =	sshll.u32 s6, $0x1;
	s3 =	sadd.s32 s4, s19  }
0x9c: {  	s7 =	simm.s32 $0x0;
	s20 =	sshll.u32 s5, $0x1;
	s5 =	sadd.s32 s21, s3  }
0x9d: {  	[timem:s7], [sflag:s22] =	dma.local [hbm:s5], s20  }
0x9e: {  	_ =	swait.ge [sflag:s22], s20  }
0x9f: {  	s4 =	ssub.s32 $0x0, s20;
	[sflag:s22] =	ssyncset.done $0x0  }
0xa0: {  	[sflag:s22] =	ssyncadd.s32 s4;
	_ =	sdelay $0x1  }
0xa1: {  	s23 =	simm.s32 $0x1B8B  }
0xa2: {  	_ =	swait.ge [sflag:s23], $0x1  }
0xa3: {  	[sflag:s23] =	ssyncset.done $0x0  }
0xa4: {  	s25 =	simm.s32 $0x1B8E;
	s24 =	sld [smem:$0x3FFE];
	[sflag:s23] =	ssyncadd.s32 $0xFFFFFFFF  }
0xa5: {  	s26 =	simm.s32 $execute0_lowered;
	[smem:$0x3FD2] =	sst s25  }
0xa6: {  	s5 =	sshll.u32 s26, $0x1;
	_ =	strace $0x8000004C;
	[dreg:$0x1] =	wrdreg $0xFFFFFFFF  }
0xa7: {  	s28 =	simm.s32 $_size_execute0_lowered;
	s3 =	sadd.s32 s3, s5;
	[dreg:$0x0] =	wrdreg $0x0  }
0xa8: {  	s5 =	sshll.u32 s28, $0x1;
	[dreg:$0x2] =	wrdreg s3  }
0xa9: {  	[dreg:$0x3] =	wrdreg s5  }
0xaa: {  	[dreg:$0x4] =	wrdreg $0xC0  }
0xab: {  	_ =	task [dreg:s7], $0x5FFFF  }
0xac: {  	[dreg:$0x1] =	wrdreg $0xFFFFFFFF  }
0xad: {  	[dreg:$0x0] =	wrdreg $0x60  }
0xae: {  	[dreg:$0x2] =	wrdreg s24  }
0xaf: {  	[dreg:$0x3] =	wrdreg s2  }
0xb0: {  	[dreg:$0x4] =	wrdreg $0x0  }
0xb1: {  	[dreg:$0x5] =	wrdreg $0x9  }
0xb2: {  	_ =	task.clear_ibuf [dreg:s7], $0x6FFFF;
	_ =	strace $0x9000004C  }
0xb3: {  	s29 =	simm.s32 $0x9;
	_ =	strace $0x8000004E  }
0xb4: {  	_ =	swait.ge [sflag:s29], $0x1  }
0xb5: {  	[sflag:s29] =	ssyncadd.s32 $0xFFFFFFFF  }
0xb6: {  	_ =	strace $0x9000004E  }
0xb7: {  	_ =	sfence  }
0xb8: {  	s30 =	sld [smem:$0x0];
	_ =	sdelay $0x2  }
0xb9: {  	s31 =	sshll.u32 s1, $0xD;
	s1 =	sshrl.u32 s1, $0x2  }
0xba: {  	s3 =	sand.u32 $0x4000, s31;
	s1 =	sadd.s32 s1, s30  }
0xbb: {  	s0 =	sor.u32 s3, s0;
	s1 =	sshll.u32 s1, $0x11  }
0xbc: {  	s0 =	sor.u32 s1, s0  }
0xbd: {  	s0 =	sadd.s32 $0x8F2B, s0  }
0xbe: {  	[sflag:s0] =	ssyncadd.remote.s32 $0x1  }
0xbf: {  	_ =	sfence.sel $0xFFFF  }
0xc0: {  	[dreg:$0x0] =	wrdreg $0xFFFFFFFF;
	(pc) =	sbr.abs _section_cstart, $3  }
0xc1: {  	[dreg:$0x1] =	wrdreg $0xFFFFFFFF  }
0xc2: {  	_ =	task.clear_ibuf [dreg:s7], $0x2FFFF;
	_ =	strace $0x9FFFFFFF  }
0xc3: {  	(tm) =	ssettm $0x7FFFFFFF  }
tec
execute0_lowered:
.L_overlay_start_1:
0x0: {  	(tag) =	ssettag $0x1  }
0x1: {  	s0 =	rddreg [dreg:$0x0]  }
0x2: {  	s2 =	rddreg [dreg:$0x1]  }
0x3: {  	s1 =	rddreg [dreg:$0x2]  }
0x4: {  	s3 =	simm.s32 $0x0;
	s24 =	srdreg.scid;
	s15 =	stileid.u32  }
0x5: {  	s28 =	simm.s32 $0x0;
	[smem:$0x7FF] =	sst s3;
	s5 =	smul.u32 $0x270, s15  }
0x6: {  	s3 =	sand.u32 $0x1, s24;
	s4 =	sadd.s32 $0x2600, s0;
	s7 =	smul.u32 $0x4E20, s15  }
0x7: {  	s0 =	sadd.s32 $0x29800, s0;
	s19 =	smul.u32 $0x2700, s15;
	p0 =	sne.s32 s15, $0x0  }
0x8: {  	_ =	strace $0x8000004D;
	s6 =	ssub.s32 $0x2, s3;
	s11 =	smul.u32 $0x9C40, s3  }
0x9: {  	s3 =	sshll.u32 s3, $0x3;
	s8 =	sshrl.u32 s6, $0x1;
	s9 =	sadd.s32 $0x230, s5  }
0xa: {  	s7 =	sshrl.u32 s7, $0x3;
	s16 =	sadd.s32 $0xA0, s5;
	s18 =	sadd.s32 $0xF0, s5  }
0xb: {  	s12 =	sadd.s32 $0x140, s5;
	s13 =	sadd.s32 $0x190, s5;
	s10 =	sshll.u32 s9, $0x6  }
0xc: {  	s8 =	ssub.s32 s6, s8;
	s6 =	sadd.s32 s2, s7;
	s2 =	sshrl.u32 s11, $0x2  }
0xd: {  	s25 =	sshll.u32 s9, $0x4;
	s9 =	sadd.s32 s0, s3;
	s7 =	smul.u32 $0x27000, s15  }
0xe: {  	s14 =	sshll.u32 s16, $0x4;
	s22 =	sshll.u32 s18, $0x4;
	s23 =	sshll.u32 s12, $0x4  }
0xf: {  	s24 =	sshll.u32 s13, $0x4;
	s12 =	sshll.u32 s12, $0x6;
	s17 =	sadd.s32 s10, s1  }
0x10: {  	s26 =	sadd.s32 $0x9C40, s2;
	s3 =	sor.u32 s3, s25;
	s10 =	sadd.s32 $0x50, s5  }
0x11: {  	s5 =	sadd.s32 $0x1E0, s5;
	s11 =	sadd.s32 s19, s9;
	[dreg:$0x4] =	wrdreg s6  }
0x12: {  	s21 =	sadd.s32 s14, s9;
	s25 =	sadd.s32 s24, s9;
	[dreg:$0x5] =	wrdreg s26  }
0x13: {  	s8 =	smax.u32 s8, $0x1;
	s19 =	sadd.s32 $0x9C90, s2;
	[dreg:$0x7] =	wrdreg s11  }
0x14: {  	s30 =	sadd.s32 $0xEA60, s2;
	s0 =	sadd.s32 s0, s3;
	[dreg:$0x9] =	wrdreg s21  }
0x15: {  	s20 =	sshll.u32 s10, $0x4;
	[dreg:$0xc] =	wrdreg s25;
	s26 =	sshll.u32 s5, $0x4  }
0x16: {  	[dreg:$0xf] =	wrdreg s8;
	s8 =	sshll.u32 s10, $0x6;
	s10 =	sshll.u32 s18, $0x6  }
0x17: {  	s18 =	sshll.u32 s5, $0x6;
	[dreg:$0x11] =	wrdreg s19;
	s21 =	sadd.s32 $0x9D30, s2  }
0x18: {  	s25 =	sadd.s32 $0x9C60, s2;
	s3 =	simm.s32 $0x13880;
	s5 =	simm.s32 $0x50  }
0x19: {  	[dreg:$0x6] =	wrdreg s0;
	s11 =	sadd.s32 s20, s9;
	s0 =	sshrl.u32 s7, $0x2  }
0x1a: {  	s29 =	sadd.s32 s8, s1;
	s24 =	sadd.s32 s18, s1;
	[dreg:$0x13] =	wrdreg s21  }
0x1b: {  	s20 =	sadd.s32 $0x9CE0, s2;
	v0 =	vmov s25;
	s25 =	simm.s32 $0x1;
	[dreg:$0x8] =	wrdreg s11  }
0x1c: {  	s11 =	sadd.s32 s22, s9;
	s14 =	sadd.s32 s0, s1;
	[dreg:$0x12] =	wrdreg s20  }
0x1d: {  	s22 =	sadd.s32 s12, s1;
	[dreg:$0xa] =	wrdreg s11;
	s11 =	sadd.s32 s23, s9  }
0x1e: {  	s0 =	sadd.s32 $0x9C000, s1;
	[dreg:$0xb] =	wrdreg s11;
	s11 =	sadd.s32 s26, s9  }
0x1f: {  	s9 =	sadd.s32 $0x27000, s9;
	s26 =	sadd.s32 $0x9C40, s6;
	[dreg:$0xd] =	wrdreg s11  }
0x20: {  	[dreg:$0xe] =	wrdreg s9;
	s9 =	sshll.u32 s16, $0x6;
	s11 =	sadd.s32 s10, s1  }
0x21: {  	s16 =	sshll.u32 s13, $0x6;
	[dreg:$0x14] =	wrdreg s26;
	s26 =	simm.s32 $0x8  }
0x22: {  	s31 =	sadd.s32 s9, s1;
	[dreg:$0x10] =	wrdreg s11;
	s23 =	sadd.s32 s16, s1  }
0x23: {  	v1 =	vimm.f32 $0.0e+00;
	s11 =	sadd.s32 $0x9D80, s2;
	s2 =	simm.s32 $0x15;
	s16 =	simm.s32 $0x10  }
.LBB2_1:
0x24: {  	s7 =	rddreg [dreg:$0x4]  }
0x25: {  	s6 =	simm.s32 $0x0;
	s8 =	simm.s32 $0x9C40;
	s20 =	rddreg [dreg:$0x14]  }
0x26: {  	[tilespmem:s8], [sflag:$0x13] =	stream.linear.gather [hbm4b:s7+s6], $0x4E20, $0x38;
	[tilespmem:$0x1EC80] =	vst v63  }
0x27: {  	s21 =	simm.s32 $0xEA60;
	s8 =	simm.s32 $0x100;
	s7 =	simm.s32 $0x0  }
0x28: {  	[tilespmem:s21], [sflag:$0x14] =	stream.linear.gather [hbm4b:s20+s6], $0x4E20, $0x38;
	[tilespmem:$0x1EC80] =	vst v63  }
.LBB2_2:
0x29: {  	p1 =	sne.s32 s8, $0x4F00;
	[tilespmem:s7+$0x138B0] =	vst v1;
	s9 =	smov.u32 s8;
	s8 =	sadd.s32 $0x100, s8  }
.Ltmp0:
0x2a: {  	[tilespmem:s7+$0x138A0] =	vst v1;
	(pc) =	sbr.rel @p1 .LBB2_2-.Ltmp0, $3  }
0x2b: {  	[tilespmem:s7+$0x13880] =	vst v1  }
0x2c: {  	[tilespmem:s7+$0x13890] =	vst v1;
	_ =	sdelay $0x1  }
0x2d: {  	s7 =	sshra.s32 s9, $0x2  }
0x2e: {  	[tilespmem:s7+$0x138B0] =	vst v1  }
0x2f: {  	[tilespmem:s7+$0x138A0] =	vst v1  }
0x30: {  	[tilespmem:s7+$0x13880] =	vst v1  }
0x31: {  	[tilespmem:s7+$0x13890] =	vst v1  }
0x32: {  	[spmem:s14] =	stream.linear.scatter [tilespmem:s3], [sflag:$0x15], $0x1400, $0x38;
	[tilespmem:$0x1EC80] =	vst v63  }
0x33: {  	_ =	swait.ge [sflag:s2], $0x1400  }
0x34: {  	[sflag:s2] =	ssyncset.done $0x0  }
0x35: {  	[sflag:s2] =	ssyncadd.s32 $0xFFFFEC00  }
0x36: {  	[spmem:s29] =	stream.linear.scatter [tilespmem:s3], [sflag:$0x15], $0x1400, $0x38;
	[tilespmem:$0x1EC80] =	vst v63  }
0x37: {  	_ =	swait.ge [sflag:s2], $0x1400  }
0x38: {  	[sflag:s2] =	ssyncset.done $0x0  }
0x39: {  	[sflag:s2] =	ssyncadd.s32 $0xFFFFEC00  }
0x3a: {  	[spmem:s31] =	stream.linear.scatter [tilespmem:s3], [sflag:$0x15], $0x1400, $0x38;
	[tilespmem:$0x1EC80] =	vst v63  }
0x3b: {  	_ =	swait.ge [sflag:s2], $0x1400  }
0x3c: {  	[sflag:s2] =	ssyncset.done $0x0  }
0x3d: {  	s6 =	rddreg [dreg:$0x10];
	[sflag:s2] =	ssyncadd.s32 $0xFFFFEC00  }
0x3e: {  	[spmem:s6] =	stream.linear.scatter [tilespmem:s3], [sflag:$0x15], $0x1400, $0x38;
	[tilespmem:$0x1EC80] =	vst v63  }
0x3f: {  	_ =	swait.ge [sflag:s2], $0x1400  }
0x40: {  	[sflag:s2] =	ssyncset.done $0x0  }
0x41: {  	[sflag:s2] =	ssyncadd.s32 $0xFFFFEC00  }
0x42: {  	[spmem:s22] =	stream.linear.scatter [tilespmem:s3], [sflag:$0x15], $0x1400, $0x38;
	[tilespmem:$0x1EC80] =	vst v63  }
0x43: {  	_ =	swait.ge [sflag:s2], $0x1400  }
0x44: {  	[sflag:s2] =	ssyncset.done $0x0  }
0x45: {  	[sflag:s2] =	ssyncadd.s32 $0xFFFFEC00  }
0x46: {  	[spmem:s23] =	stream.linear.scatter [tilespmem:s3], [sflag:$0x15], $0x1400, $0x38;
	[tilespmem:$0x1EC80] =	vst v63  }
0x47: {  	_ =	swait.ge [sflag:s2], $0x1400  }
0x48: {  	[sflag:s2] =	ssyncset.done $0x0  }
0x49: {  	[sflag:s2] =	ssyncadd.s32 $0xFFFFEC00  }
0x4a: {  	[spmem:s24] =	stream.linear.scatter [tilespmem:s3], [sflag:$0x15], $0x1400, $0x38;
	[tilespmem:$0x1EC80] =	vst v63  }
0x4b: {  	_ =	swait.ge [sflag:s2], $0x1400  }
0x4c: {  	[sflag:s2] =	ssyncset.done $0x0  }
0x4d: {  	[sflag:s2] =	ssyncadd.s32 $0xFFFFEC00  }
0x4e: {  	[spmem:s17] =	stream.linear.scatter [tilespmem:s3], [sflag:$0x15], $0x1000, $0x38;
	[tilespmem:$0x1EC80] =	vst v63  }
0x4f: {  	_ =	swait.ge [sflag:s2], $0x1000  }
0x50: {  	[sflag:s2] =	ssyncset.done $0x0  }
0x51: {  	s7 =	simm.s32 @!p0 $0x13880;
	[sflag:s2] =	ssyncadd.s32 $0xFFFFF000  }
0x52: {  	[spmem:s0] =	stream.linear.scatter @!p0 [tilespmem:s7], [sflag:$0x15], $0x400, $0x38;
	[tilespmem:$0x1EC80] =	vst v63  }
0x53: {  	s7 =	simm.s32 @!p0 $0x15  }
0x54: {  	_ =	swait.ge @!p0 [sflag:s7], $0x400  }
0x55: {  	[sflag:s7] =	ssyncset.done @!p0 $0x0  }
0x56: {  	s21 =	smov.u32 s31;
	s31 =	simm.s32 $0x13;
	[sflag:s7] =	ssyncadd.s32 @!p0 $0xFFFFFC00  }
0x57: {  	_ =	swait.ge [sflag:s31], $0x4E20  }
0x58: {  	[sflag:s31] =	ssyncset.done $0x0  }
0x59: {  	s7 =	simm.s32 $0x0;
	[sflag:s31] =	ssyncadd.s32 $0xFFFFB1E0  }
0x5a: {  	v2 =	vld.idx.msk [tilespmem:v0+s7+$0xFFFFFFE0 ss:$0x1], $0xffff;
	_ =	sdelay $0x4  }
0x5b: {  	v2 =	vshll.u32 v2, $0x1  }
0x5c: {  	[tilespmem:v0+s7+$0xFFFFFFE0 ss:$0x1] =	vst.idx.msk $0xffff, v2  }
0x5d: {  	v2 =	vld.idx.msk [tilespmem:v0+s7+$0xFFFFFFF0 ss:$0x1], $0xffff;
	_ =	sdelay $0x4  }
0x5e: {  	v2 =	vshll.u32 v2, $0x1  }
0x5f: {  	[tilespmem:v0+s7+$0xFFFFFFF0 ss:$0x1] =	vst.idx.msk $0xffff, v2  }
0x60: {  	v2 =	vld.idx.msk [tilespmem:v0+s7+$0x0 ss:$0x1], $0xffff;
	_ =	sdelay $0x4  }
0x61: {  	v2 =	vshll.u32 v2, $0x1  }
0x62: {  	[tilespmem:v0+s7+$0x0 ss:$0x1] =	vst.idx.msk $0xffff, v2  }
0x63: {  	v2 =	vld.idx.msk [tilespmem:v0+s7+$0x10 ss:$0x1], $0xffff;
	_ =	sdelay $0x4  }
0x64: {  	v2 =	vshll.u32 v2, $0x1  }
0x65: {  	[tilespmem:v0+s7+$0x10 ss:$0x1] =	vst.idx.msk $0xffff, v2  }
0x66: {  	v2 =	vld.idx.msk [tilespmem:v0+s7+$0x20 ss:$0x1], $0xffff;
	_ =	sdelay $0x3  }
0x67: {  	s19 =	smov.u32 s14;
	s20 =	smov.u32 s29  }
0x68: {  	s18 =	smov.u32 s17;
	s8 =	simm.s32 $0x140;
	s9 =	simm.s32 $0x280;
	v2 =	vshll.u32 v2, $0x1  }
.LBB2_4:
0x69: {  	p1 =	sne.s32 s9, $0x9B00  }
0x6a: {  	[tilespmem:v0+s7+$0x20 ss:$0x1] =	vst.idx.msk $0xffff, v2;
	s7 =	sshra.s32 s8, $0x2;
	s8 =	smov.u32 s9;
	s9 =	sadd.s32 $0x140, s9  }
0x6b: {  	v2 =	vld.idx.msk [tilespmem:v0+s7+$0xFFFFFFE0 ss:$0x1], $0xffff;
	_ =	sdelay $0x5  }
0x6c: {  	v2 =	vshll.u32 v2, $0x1  }
0x6d: {  	[tilespmem:v0+s7+$0xFFFFFFE0 ss:$0x1] =	vst.idx.msk $0xffff, v2  }
0x6e: {  	v2 =	vld.idx.msk [tilespmem:v0+s7+$0xFFFFFFF0 ss:$0x1], $0xffff;
	_ =	sdelay $0x5  }
0x6f: {  	v2 =	vshll.u32 v2, $0x1  }
0x70: {  	[tilespmem:v0+s7+$0xFFFFFFF0 ss:$0x1] =	vst.idx.msk $0xffff, v2  }
0x71: {  	v2 =	vld.idx.msk [tilespmem:v0+s7+$0x0 ss:$0x1], $0xffff;
	_ =	sdelay $0x5  }
0x72: {  	v2 =	vshll.u32 v2, $0x1  }
0x73: {  	[tilespmem:v0+s7+$0x0 ss:$0x1] =	vst.idx.msk $0xffff, v2  }
0x74: {  	v2 =	vld.idx.msk [tilespmem:v0+s7+$0x10 ss:$0x1], $0xffff;
	_ =	sdelay $0x5  }
0x75: {  	v2 =	vshll.u32 v2, $0x1  }
0x76: {  	[tilespmem:v0+s7+$0x10 ss:$0x1] =	vst.idx.msk $0xffff, v2  }
0x77: {  	v2 =	vld.idx.msk [tilespmem:v0+s7+$0x20 ss:$0x1], $0xffff;
	_ =	sdelay $0x1  }
.Ltmp1:
0x78: {  	(pc) =	sbr.rel @p1 .LBB2_4-.Ltmp1, $2  }
0x79: {  	_ =	sdelay $0x2  }
0x7a: {  	v2 =	vshll.u32 v2, $0x1  }
0x7b: {  	_ =	sdelay $0x3  }
0x7c: {  	s8 =	sshra.s32 s8, $0x2;
	[tilespmem:v0+s7+$0x20 ss:$0x1] =	vst.idx.msk $0xffff, v2  }
0x7d: {  	v2 =	vld.idx.msk [tilespmem:v0+s8+$0xFFFFFFE0 ss:$0x1], $0xffff;
	_ =	sdelay $0x4  }
0x7e: {  	v2 =	vshll.u32 v2, $0x1  }
0x7f: {  	[tilespmem:v0+s8+$0xFFFFFFE0 ss:$0x1] =	vst.idx.msk $0xffff, v2  }
0x80: {  	v2 =	vld.idx.msk [tilespmem:v0+s8+$0xFFFFFFF0 ss:$0x1], $0xffff;
	_ =	sdelay $0x4  }
0x81: {  	v2 =	vshll.u32 v2, $0x1  }
0x82: {  	[tilespmem:v0+s8+$0xFFFFFFF0 ss:$0x1] =	vst.idx.msk $0xffff, v2  }
0x83: {  	v2 =	vld.idx.msk [tilespmem:v0+s8+$0x0 ss:$0x1], $0xffff;
	_ =	sdelay $0x4  }
0x84: {  	v2 =	vshll.u32 v2, $0x1  }
0x85: {  	[tilespmem:v0+s8+$0x0 ss:$0x1] =	vst.idx.msk $0xffff, v2  }
0x86: {  	v2 =	vld.idx.msk [tilespmem:v0+s8+$0x10 ss:$0x1], $0xffff;
	_ =	sdelay $0x4  }
0x87: {  	v2 =	vshll.u32 v2, $0x1  }
0x88: {  	[tilespmem:v0+s8+$0x10 ss:$0x1] =	vst.idx.msk $0xffff, v2  }
0x89: {  	v2 =	vld.idx.msk [tilespmem:v0+s8+$0x20 ss:$0x1], $0xffff;
	_ =	sdelay $0x3  }
0x8a: {  	s6 =	simm.s32 $0x14;
	s10 =	simm.s32 $0x14C80;
	s14 =	simm.s32 $0x0  }
0x8b: {  	s13 =	simm.s32 $0x16080;
	s17 =	simm.s32 $0x17480;
	s7 =	smul.u32 $0x39, s14;
	v2 =	vshll.u32 v2, $0x1  }
0x8c: {  	p1 =	por $0x0, $0x0;
	s31 =	simm.s32 $0x1;
	s29 =	smov.u32 s11;
	[tilespmem:v0+s8+$0x20 ss:$0x1] =	vst.idx.msk $0xffff, v2  }
0x8d: {  	p2 =	por @!p1 $0x1, $0x1;
	s7 =	sshrl.u32 s7, $0x9;
	_ =	swait.ge [sflag:s6], $0x4E20  }
0x8e: {  	s14 =	simm.s32 @!p1 $0x50;
	s7 =	sand.u32 $0x7F, s7;
	[sflag:s6] =	ssyncset.done $0x0  }
0x8f: {  	s7 =	smul.u32 $0x9, s7;
	s8 =	rddreg [dreg:$0x5];
	[sflag:s6] =	ssyncadd.s32 $0xFFFFB1E0  }
0x90: {  	[tilespmem:s3], [sflag:$0x1] =	stream.indirect.gather [hbm4b:s4+s5], $0x40, s8, s5, $0xb8;
	[tilespmem:$0x1EC80] =	vst v63  }
0x91: {  	s7 =	ssub.s32 $0x0, s7;
	s9 =	rddreg [dreg:$0x11];
	s8 =	simm.s32 $0x4  }
0x92: {  	[tilespmem:s10], [sflag:$0x2] =	stream.indirect.gather [hbm4b:s4+s5], $0x40, s9, s5, $0xb8;
	[tilespmem:$0x1EC80] =	vst v63  }
0x93: {  	s7 =	sand.u32 $0xFF, s7;
	s12 =	rddreg [dreg:$0x12];
	s8 =	smul.u32 @!p1 $0x39, s8  }
0x94: {  	[tilespmem:s13], [sflag:$0x3] =	stream.indirect.gather [hbm4b:s4+s5], $0x40, s12, s5, $0xb8;
	[tilespmem:$0x1EC80] =	vst v63  }
0x95: {  	s15 =	rddreg [dreg:$0x13];
	s8 =	sshrl.u32 @!p1 s8, $0x9;
	s12 =	smul.u32 $0x5000, s7  }
0x96: {  	[tilespmem:s17], [sflag:$0x4] =	stream.indirect.gather [hbm4b:s4+s5], $0x40, s15, s5, $0xb8;
	[tilespmem:$0x1EC80] =	vst v63  }
0x97: {  	s13 =	sadd.s32 $0x1, s7;
	s8 =	sand.u32 @!p1 $0x7F, s8;
	[bflag:$0x0] =	sbarrier.arrive $0xFFFF  }
0x98: {  	p2 =	por p2, p1;
	s8 =	smul.u32 @!p1 $0x9, s8;
	_ =	swait.ge [sflag:s13], $0x1400  }
0x99: {  	s7 =	sadd.s32 $0xA, s7;
	s12 =	sshrl.u32 s12, $0x2;
	[sflag:s13] =	ssyncset.done $0x0  }
0x9a: {  	s12 =	sadd.s32 $0x13880, s12;
	s8 =	ssub.s32 @!p1 $0x4, s8;
	[sflag:s13] =	ssyncadd.s32 $0xFFFFEC00  }
0x9b: {  	[spmem:s1] =	stream.indirect.scatter.add.f32 [tilespmem:s12], [sflag:s7], $0x40, s30, s5, $0xb8;
	[tilespmem:$0x1EC80] =	vst v63  }
0x9c: {  	s9 =	smul.u32 $0x39, s31;
	s10 =	simm.s32 $0x2;
	s7 =	sand.u32 @!p1 $0xFF, s8  }
0x9d: {  	s8 =	sadd.s32 $0x50, s30;
	s13 =	sadd.s32 @!p2 $0xA, s7;
	s15 =	smul.u32 @!p1 $0x5000, s7  }
0x9e: {  	s12 =	sadd.s32 @!p1 $0x1, s7;
	s7 =	sadd.s32 $0x50, s11;
	_ =	swait.ge @!p2 [sflag:s13], $0x1400  }
.LBB2_6:
0x9f: {  	s17 =	sshrl.u32 s9, $0x9  }
0xa0: {  	[sflag:s13] =	ssyncset.done @!p2 $0x0;
	s15 =	sshrl.u32 @!p1 s15, $0x2;
	s6 =	smov.u32 s10  }
0xa1: {  	s9 =	smul.u32 $0x39, s10;
	[sflag:s13] =	ssyncadd.s32 @!p2 $0xFFFFEC00;
	s13 =	sadd.s32 @!p1 $0x13880, s15  }
0xa2: {  	[tilespmem:s13], [sflag:s12] =	stream.indirect.gather @!p1 [hbm4b:s4+s14], $0x40, s29, s14, $0xb8;
	[tilespmem:$0x1EC80] =	vst v63  }
0xa3: {  	s12 =	sand.u32 $0x7F, s17  }
0xa4: {  	s10 =	sadd.s32 $0x1, s10;
	s13 =	sadd.s32 $0x4, s31;
	s12 =	smul.u32 $0x9, s12  }
0xa5: {  	p3 =	sne.s32 s10, $0x7D;
	p1 =	sgt.u32 s31, $0x78;
	s29 =	smov.u32 s7  }
0xa6: {  	s14 =	smul.u32 @!p1 $0x39, s13;
	p2 =	slt.u32 @!p1 s31, $0x5;
	s12 =	ssub.s32 s31, s12  }
0xa7: {  	s31 =	smov.u32 s6;
	s6 =	sand.u32 $0xFF, s12  }
0xa8: {  	s12 =	sshrl.u32 @!p1 s14, $0x9;
	s14 =	smul.u32 $0x5000, s6  }
0xa9: {  	p2 =	por p2, p1;
	s15 =	sadd.s32 $0x1, s6;
	s12 =	sand.u32 @!p1 $0x7F, s12  }
0xaa: {  	s12 =	smul.u32 @!p1 $0x9, s12;
	_ =	swait.ge [sflag:s15], $0x1400;
	s14 =	sshrl.u32 s14, $0x2  }
0xab: {  	s6 =	sadd.s32 $0xA, s6;
	[sflag:s15] =	ssyncset.done $0x0;
	s14 =	sadd.s32 $0x13880, s14  }
.Ltmp2:
0xac: {  	s12 =	ssub.s32 @!p1 s13, s12;
	[sflag:s15] =	ssyncadd.s32 $0xFFFFEC00;
	(pc) =	sbr.rel @p3 .LBB2_6-.Ltmp2, $4  }
0xad: {  	[spmem:s1] =	stream.indirect.scatter.add.f32 [tilespmem:s14], [sflag:s6], $0x40, s8, s5, $0xb8;
	[tilespmem:$0x1EC80] =	vst v63  }
0xae: {  	s6 =	sand.u32 @!p1 $0xFF, s12;
	s8 =	sadd.s32 $0x50, s8  }
0xaf: {  	s13 =	sadd.s32 @!p2 $0xA, s6;
	s15 =	smul.u32 @!p1 $0x5000, s6;
	s12 =	sadd.s32 @!p1 $0x1, s6  }
0xb0: {  	s7 =	sadd.s32 $0x50, s7;
	s14 =	simm.s32 @!p1 $0x50;
	_ =	swait.ge @!p2 [sflag:s13], $0x1400  }
0xb1: {  	[sflag:s13] =	ssyncset.done @!p2 $0x0;
	s6 =	sshrl.u32 @!p1 s15, $0x2  }
0xb2: {  	s9 =	sshrl.u32 s9, $0x9;
	[sflag:s13] =	ssyncadd.s32 @!p2 $0xFFFFEC00;
	s6 =	sadd.s32 @!p1 $0x13880, s6  }
0xb3: {  	[tilespmem:s6], [sflag:s12] =	stream.indirect.gather @!p1 [hbm4b:s4+s14], $0x40, s29, s14, $0xb8;
	[tilespmem:$0x1EC80] =	vst v63  }
0xb4: {  	s12 =	sand.u32 $0x7F, s9  }
0xb5: {  	s9 =	sadd.s32 $0x4, s31;
	p1 =	sgt.u32 s31, $0x78;
	s6 =	smul.u32 $0x9, s12  }
0xb6: {  	s10 =	smul.u32 @!p1 $0x39, s9  }
0xb7: {  	s6 =	ssub.s32 s31, s6  }
0xb8: {  	s10 =	sshrl.u32 @!p1 s10, $0x9;
	s6 =	sand.u32 $0xFF, s6  }
0xb9: {  	s10 =	sand.u32 @!p1 $0x7F, s10;
	s13 =	sadd.s32 $0x1, s6;
	s14 =	smul.u32 $0x5000, s6  }
0xba: {  	p2 =	slt.u32 @!p1 s31, $0x5;
	s10 =	smul.u32 @!p1 $0x9, s10;
	_ =	swait.ge [sflag:s13], $0x1400  }
0xbb: {  	s6 =	sadd.s32 $0xA, s6;
	[sflag:s13] =	ssyncset.done $0x0;
	s15 =	sshrl.u32 s14, $0x2  }
0xbc: {  	s9 =	ssub.s32 @!p1 s9, s10;
	[sflag:s13] =	ssyncadd.s32 $0xFFFFEC00;
	s17 =	sadd.s32 $0x13880, s15  }
0xbd: {  	[spmem:s1] =	stream.indirect.scatter.add.f32 [tilespmem:s17], [sflag:s6], $0x40, s8, s5, $0xb8;
	[tilespmem:$0x1EC80] =	vst v63  }
0xbe: {  	p2 =	por p2, p1;
	s6 =	sand.u32 @!p1 $0xFF, s9  }
0xbf: {  	s8 =	sadd.s32 @!p2 $0xA, s6;
	s9 =	smul.u32 @!p1 $0x5000, s6  }
0xc0: {  	_ =	swait.ge @!p2 [sflag:s8], $0x1400  }
0xc1: {  	s10 =	simm.s32 @!p1 $0x50;
	[sflag:s8] =	ssyncset.done @!p2 $0x0;
	s9 =	sshrl.u32 @!p1 s9, $0x2  }
0xc2: {  	s6 =	sadd.s32 @!p1 $0x1, s6;
	[sflag:s8] =	ssyncadd.s32 @!p2 $0xFFFFEC00;
	s8 =	sadd.s32 @!p1 $0x13880, s9  }
0xc3: {  	[tilespmem:s8], [sflag:s6] =	stream.indirect.gather @!p1 [hbm4b:s4+s10], $0x40, s7, s10, $0xb8;
	[tilespmem:$0x1EC80] =	vst v63  }
0xc4: {  	s10 =	simm.s32 $0x12  }
0xc5: {  	_ =	swait.ge [sflag:s10], $0x1400  }
0xc6: {  	[sflag:s10] =	ssyncset.done $0x0  }
0xc7: {  	s12 =	simm.s32 $0xA;
	[sflag:s10] =	ssyncadd.s32 $0xFFFFEC00  }
0xc8: {  	_ =	swait.ge [sflag:s12], $0x1400  }
0xc9: {  	[sflag:s12] =	ssyncset.done $0x0  }
0xca: {  	s13 =	simm.s32 $0xB;
	[sflag:s12] =	ssyncadd.s32 $0xFFFFEC00  }
0xcb: {  	_ =	swait.ge [sflag:s13], $0x1400  }
0xcc: {  	[sflag:s13] =	ssyncset.done $0x0  }
0xcd: {  	s14 =	simm.s32 $0xC;
	[sflag:s13] =	ssyncadd.s32 $0xFFFFEC00  }
0xce: {  	_ =	swait.ge [sflag:s14], $0x1400  }
0xcf: {  	[sflag:s14] =	ssyncset.done $0x0  }
0xd0: {  	s15 =	simm.s32 $0xD;
	[sflag:s14] =	ssyncadd.s32 $0xFFFFEC00  }
0xd1: {  	_ =	swait.ge [sflag:s15], $0x1400  }
0xd2: {  	[sflag:s15] =	ssyncset.done $0x0  }
0xd3: {  	s17 =	simm.s32 $0xE;
	[sflag:s15] =	ssyncadd.s32 $0xFFFFEC00  }
0xd4: {  	_ =	swait.ge [sflag:s17], $0x1400  }
0xd5: {  	[sflag:s17] =	ssyncset.done $0x0  }
0xd6: {  	s7 =	simm.s32 $0xF;
	[sflag:s17] =	ssyncadd.s32 $0xFFFFEC00  }
0xd7: {  	_ =	swait.ge [sflag:s7], $0x1400  }
0xd8: {  	[sflag:s7] =	ssyncset.done $0x0  }
0xd9: {  	[sflag:s7] =	ssyncadd.s32 $0xFFFFEC00  }
0xda: {  	_ =	swait.ge [sflag:s16], $0x1400  }
0xdb: {  	[sflag:s16] =	ssyncset.done $0x0  }
0xdc: {  	s8 =	simm.s32 $0x11;
	[sflag:s16] =	ssyncadd.s32 $0xFFFFEC00  }
0xdd: {  	_ =	swait.ge [sflag:s8], $0x1400  }
0xde: {  	[sflag:s8] =	ssyncset.done $0x0  }
0xdf: {  	s9 =	stileid.u32;
	[sflag:s8] =	ssyncadd.s32 $0xFFFFEC00  }
0xe0: {  	s6 =	sshll.u32 s9, $0x6;
	[bflag:$0x0] =	sbarrier.arrive $0xFFFF  }
0xe1: {  	s6 =	sor.u32 $0x1C15, s6;
	s10 =	sshrl.u32 s19, $0x3;
	s12 =	rddreg [dreg:$0x7]  }
0xe2: {  	[hbm:s12@s16], [sflag:s6] =	dma.strided [spmem:s10@s26], $0x280, s25, $0x8   }
0xe3: {  	_ =	swait.ge [sflag:s2], $0x280  }
0xe4: {  	[sflag:s2] =	ssyncset.done $0x0  }
0xe5: {  	s13 =	sshrl.u32 s20, $0x3;
	s15 =	rddreg [dreg:$0x8];
	[sflag:s2] =	ssyncadd.s32 $0xFFFFFD80  }
0xe6: {  	[hbm:s15@s16], [sflag:s6] =	dma.strided [spmem:s13@s26], $0x280, s25, $0x8   }
0xe7: {  	_ =	swait.ge [sflag:s2], $0x280  }
0xe8: {  	s14 =	smov.u32 s19;
	[sflag:s2] =	ssyncset.done $0x0  }
0xe9: {  	s17 =	sshrl.u32 s21, $0x3;
	s19 =	rddreg [dreg:$0x9];
	[sflag:s2] =	ssyncadd.s32 $0xFFFFFD80  }
0xea: {  	[hbm:s19@s16], [sflag:s6] =	dma.strided [spmem:s17@s26], $0x280, s25, $0x8   }
0xeb: {  	s29 =	smov.u32 s20;
	_ =	swait.ge [sflag:s2], $0x280  }
0xec: {  	s31 =	smov.u32 s21;
	[sflag:s2] =	ssyncset.done $0x0;
	s20 =	rddreg [dreg:$0x10]  }
0xed: {  	s21 =	rddreg [dreg:$0xa];
	[sflag:s2] =	ssyncadd.s32 $0xFFFFFD80;
	s7 =	sshrl.u32 s20, $0x3  }
0xee: {  	[hbm:s21@s16], [sflag:s6] =	dma.strided [spmem:s7@s26], $0x280, s25, $0x8   }
0xef: {  	_ =	swait.ge [sflag:s2], $0x280  }
0xf0: {  	[sflag:s2] =	ssyncset.done $0x0  }
0xf1: {  	s9 =	sshrl.u32 s22, $0x3;
	s10 =	rddreg [dreg:$0xb];
	[sflag:s2] =	ssyncadd.s32 $0xFFFFFD80  }
0xf2: {  	[hbm:s10@s16], [sflag:s6] =	dma.strided [spmem:s9@s26], $0x280, s25, $0x8   }
0xf3: {  	_ =	swait.ge [sflag:s2], $0x280  }
0xf4: {  	[sflag:s2] =	ssyncset.done $0x0  }
0xf5: {  	s12 =	sshrl.u32 s23, $0x3;
	s13 =	rddreg [dreg:$0xc];
	[sflag:s2] =	ssyncadd.s32 $0xFFFFFD80  }
0xf6: {  	[hbm:s13@s16], [sflag:s6] =	dma.strided [spmem:s12@s26], $0x280, s25, $0x8   }
0xf7: {  	_ =	swait.ge [sflag:s2], $0x280  }
0xf8: {  	[sflag:s2] =	ssyncset.done $0x0  }
0xf9: {  	s15 =	sshrl.u32 s24, $0x3;
	s17 =	rddreg [dreg:$0xd];
	[sflag:s2] =	ssyncadd.s32 $0xFFFFFD80  }
0xfa: {  	[hbm:s17@s16], [sflag:s6] =	dma.strided [spmem:s15@s26], $0x280, s25, $0x8   }
0xfb: {  	_ =	swait.ge [sflag:s2], $0x280  }
0xfc: {  	[sflag:s2] =	ssyncset.done $0x0  }
0xfd: {  	s19 =	sshrl.u32 s18, $0x3;
	s20 =	rddreg [dreg:$0x6];
	[sflag:s2] =	ssyncadd.s32 $0xFFFFFD80  }
0xfe: {  	[hbm:s20@s16], [sflag:s6] =	dma.strided [spmem:s19@s26], $0x200, s25, $0x8   }
0xff: {  	s8 =	simm.s32 @!p0 $0x1;
	_ =	swait.ge [sflag:s2], $0x200  }
0x100: {  	s7 =	sshrl.u32 @!p0 s0, $0x3;
	s9 =	simm.s32 @!p0 $0x10;
	[sflag:s2] =	ssyncset.done $0x0  }
0x101: {  	s10 =	simm.s32 @!p0 $0x8;
	s12 =	rddreg [dreg:$0xe];
	[sflag:s2] =	ssyncadd.s32 $0xFFFFFE00  }
0x102: {  	[hbm:s12@s9], [sflag:s6] =	dma.strided @!p0 [spmem:s7@s10], $0x80, s8, $0x8   }
0x103: {  	s6 =	simm.s32 @!p0 $0x15  }
0x104: {  	_ =	swait.ge @!p0 [sflag:s6], $0x80  }
0x105: {  	s28 =	sadd.s32 $0x1, s28;
	s21 =	rddreg [dreg:$0xf]  }
0x106: {  	p1 =	sne.s32 s28, s21  }
.Ltmp3:
0x107: {  	_ = 	snop;
	(pc) =	sbr.rel @p1 .LBB2_1-.Ltmp3, $3  }
0x108: {  	_ =	sdelay $0x1  }
0x109: {  	[sflag:s6] =	ssyncset.done @!p0 $0x0  }
0x10a: {  	s17 =	smov.u32 s18;
	[sflag:s6] =	ssyncadd.s32 @!p0 $0xFFFFFF80  }
0x10b: {  	_ =	sfence.sel $0x180000  }
0x10c: {  	[bflag:$0x0] =	sbarrier.arrive $0xFFFF  }
0x10d: {  	_ =	strace $0x9000004D  }
0x10e: {  	[bflag:$0x2] =	sbarrier.arrive $0xFFFF  }
0x10f: {  	s0 =	rddreg [dreg:$0x3]  }
0x110: {  	s0 =	sadd.s32 @!p0 $0x100000, s0  }
0x111: {  	[sflag:s0] =	ssyncadd.tile.s32 @!p0 $0x1;
	_ =	shalt  }
.Lfunc_end2:
_tile_overlayer_lowered:
.L_overlay_start_2:
0x112: {  	(tag) =	ssettag $0x2  }
0x113: {  	s0 =	rddreg [dreg:$0x0];
	s2 =	stileid.u32  }
0x114: {  	s1 =	rddreg [dreg:$0x1];
	p0 =	sne.s32 s2, $0x0  }
0x115: {  	s3 =	rddreg [dreg:$0x2];
	[bflag:$0x3] =	sbarrier.arrive $0xFFFF;
	s2 =	simm.s32 @!p0 $0x1C15  }
0x116: {  	[timem:s3], [sflag:s2] =	dma.local @!p0 [hbm:s0], s1  }
0x117: {  	s0 =	simm.s32 @!p0 $0x15  }
0x118: {  	_ =	swait.ge @!p0 [sflag:s0], s1  }
0x119: {  	s1 =	ssub.s32 @!p0 $0x0, s1;
	[sflag:s0] =	ssyncset.done @!p0 $0x0  }
0x11a: {  	[sflag:s0] =	ssyncadd.s32 @!p0 s1  }
0x11b: {  	[bflag:$0x3] =	sbarrier.arrive $0xFFFF  }
0x11c: {  	_ =	shalt  }

// kernel: kernel.8.cloned.1.call-start
scs
__scs_entry_jumppad:
0x0: {  	(pc) =	sbr.rel $0x88, $3  }
0x1: {  	(tag) =	ssettag $0x0;
	lr =	simm.s32 $0x1  }
0x2: {  	[smem:$0x3F9B] =	sst lr;
	_ =	strace $0xD0000000  }
0x3: {  	_ = 	snop  }
0x4: {  	_ = 	snop  }
0x5: {  	_ = 	snop  }
0x6: {  	_ = 	snop  }
0x7: {  	_ = 	snop  }
__scs_overlays_trampoline_lowered:
0x8: {  	[smem:$0x3FAA] =	sst s0  }
0x9: {  	[smem:$0x3FAB] =	sst s1  }
0xa: {  	[smem:$0x3FAC] =	sst s2  }
0xb: {  	[smem:$0x3FAD] =	sst s3  }
0xc: {  	[smem:$0x3FAE] =	sst s4  }
0xd: {  	[smem:$0x3FAF] =	sst s5  }
0xe: {  	[smem:$0x3FB0] =	sst s6  }
0xf: {  	[smem:$0x3FB1] =	sst s7  }
0x10: {  	[smem:$0x3FB2] =	sst s8  }
0x11: {  	[smem:$0x3FB3] =	sst s9;
	s0 =	simm.s32 @!p0 $0x0  }
0x12: {  	s1 =	sld [smem:$0x3F99];
	s0 =	simm.s32 @p0 $0x1  }
0x13: {  	[smem:$0x3FB4] =	sst s0;
	s0 =	simm.s32 @!p1 $0x0  }
0x14: {  	s2 =	sld [smem:$0x3F98];
	s0 =	simm.s32 @p1 $0x1  }
0x15: {  	[smem:$0x3FB5] =	sst s0;
	s0 =	simm.s32 @!p2 $0x0  }
0x16: {  	s3 =	sld [smem:$0x3FDB];
	s0 =	simm.s32 @p2 $0x1  }
0x17: {  	s4 =	simm.s32 $0x1BF5;
	[smem:$0x3FB7] =	sst s0  }
0x18: {  	s0 =	sld [smem:$0x3F9A];
	_ =	swait.ge [sflag:s4], $0x0  }
0x19: {  	s7 =	sld [smem:$0x3F9B]  }
0x1a: {  	s8 =	sadd.s32 $0xFFFFE003, lr  }
0x1b: {  	s9 =	sadd.s32 $0xFFFFFEF7, lr;
	s5 =	simm.s32 $0xFFFFFFFF;
	p2 =	slt.u32 s8, $0xFFFFF086  }
0x1c: {  	p1 =	slt.u32 s9, $0xF7A;
	s5 =	simm.s32 @!p2 $0x0  }
0x1d: {  	s5 =	simm.s32 @p1 $0x1;
	p0 =	seq.s32 s7, s2  }
0x1e: {  	s7 =	smul.u32 @!p0 $0xF7A, s2;
	p2 =	seq.s32 @!p0 s5, $0x0  }
0x1f: {  	s9 =	smul.u32 $0xF7A, s1;
	s8 =	simm.s32 @!p0 $0x1BF5;
	p2 =	por !p2, p0  }
0x20: {  	[sflag:s8] =	ssyncset.s32 @!p0 $0xFFFFF086;
	s6 =	sadd.s32 @!p0 s3, s7;
	s7 =	simm.s32 @!p0 $0x108  }
0x21: {  	s3 =	sadd.s32 s3, s9;
	s6 =	sadd.s32 @!p0 $0x88, s6;
	s7 =	simm.s32 @p2 $0x1082  }
0x22: {  	[simem:s7], [sflag:s8] =	dma.local @!p0 [hbm:s6], $0xF7A  }
0x23: {  	s9 =	sor.u32 $0xD0000000, s2;
	s6 =	simm.s32 $0x108;
	_ =	swait.ge @!p0 [sflag:s8], $0x0  }
0x24: {  	s3 =	sadd.s32 $0x88, s3;
	s6 =	simm.s32 @!p1 $0x1082;
	[sflag:s4] =	ssyncset.s32 $0xFFFFF086  }
0x25: {  	[simem:s6], [sflag:s4] =	dma.local [hbm:s3], $0xF7A  }
0x26: {  	[smem:$0x3F9B] =	sst s1;
	(tag) =	ssettag s2;
	_ =	strace s9  }
0x27: {  	s1 =	sld [smem:$0x3FAB]  }
0x28: {  	s2 =	sld [smem:$0x3FAC]  }
0x29: {  	s4 =	sld [smem:$0x3FAE]  }
0x2a: {  	p0 =	seq.s32 s5, $0x0;
	s5 =	sld [smem:$0x3FAF]  }
0x2b: {  	s6 =	sld [smem:$0x3FB0]  }
0x2c: {  	s7 =	sld [smem:$0x3FB1]  }
0x2d: {  	s3 =	simm.s32 $0x108;
	s8 =	sld [smem:$0x3FB2]  }
0x2e: {  	s3 =	simm.s32 @!p0 $0x1082;
	s9 =	sld [smem:$0x3FB3]  }
0x2f: {  	lr =	sadd.s32 s0, s3;
	s0 =	sld [smem:$0x3FAA]  }
0x30: {  	s3 =	sld [smem:$0x3FAD]  }
0x31: {  	[smem:$0x3FB6] =	sst s10  }
0x32: {  	s10 =	sld [smem:$0x3FB4];
	_ =	sdelay $0x3  }
0x33: {  	p0 =	seq.s32 s10, $0x1;
	s10 =	sld [smem:$0x3FB6];
	_ =	sdelay $0x3  }
0x34: {  	[smem:$0x3FB6] =	sst s10  }
0x35: {  	s10 =	sld [smem:$0x3FB5];
	_ =	sdelay $0x3  }
0x36: {  	p1 =	seq.s32 s10, $0x1;
	s10 =	sld [smem:$0x3FB6];
	_ =	sdelay $0x3  }
0x37: {  	[smem:$0x3FB6] =	sst s10  }
0x38: {  	s10 =	sld [smem:$0x3FB7]  }
0x39: {  	_ = 	snop;
	(pc) =	sbr.ind lr, $3  }
0x3a: {  	_ = 	snop  }
0x3b: {  	_ = 	snop  }
0x3c: {  	p2 =	seq.s32 s10, $0x1;
	s10 =	sld [smem:$0x3FB6]  }
0x3d: {  	_ =	shalt  }
0x3e: {  	_ =	shalt  }
0x3f: {  	_ =	shalt  }
0x40: {  	_ =	shalt  }
0x41: {  	_ =	shalt  }
0x42: {  	_ =	shalt  }
0x43: {  	_ =	shalt  }
0x44: {  	_ =	shalt  }
0x45: {  	_ =	shalt  }
0x46: {  	_ =	shalt  }
0x47: {  	_ =	shalt  }
0x48: {  	_ =	shalt  }
0x49: {  	_ =	shalt  }
0x4a: {  	_ =	shalt  }
0x4b: {  	_ =	shalt  }
0x4c: {  	_ =	shalt  }
0x4d: {  	_ =	shalt  }
0x4e: {  	_ =	shalt  }
0x4f: {  	_ =	shalt  }
0x50: {  	_ =	shalt  }
0x51: {  	_ =	shalt  }
0x52: {  	_ =	shalt  }
0x53: {  	_ =	shalt  }
0x54: {  	_ =	shalt  }
0x55: {  	_ =	shalt  }
0x56: {  	_ =	shalt  }
0x57: {  	_ =	shalt  }
0x58: {  	_ =	shalt  }
0x59: {  	_ =	shalt  }
0x5a: {  	_ =	shalt  }
0x5b: {  	_ =	shalt  }
0x5c: {  	_ =	shalt  }
0x5d: {  	_ =	shalt  }
0x5e: {  	_ =	shalt  }
0x5f: {  	_ =	shalt  }
0x60: {  	_ =	shalt  }
0x61: {  	_ =	shalt  }
0x62: {  	_ =	shalt  }
0x63: {  	_ =	shalt  }
0x64: {  	_ =	shalt  }
0x65: {  	_ =	shalt  }
0x66: {  	_ =	shalt  }
0x67: {  	_ =	shalt  }
0x68: {  	_ =	shalt  }
0x69: {  	_ =	shalt  }
0x6a: {  	_ =	shalt  }
0x6b: {  	_ =	shalt  }
0x6c: {  	_ =	shalt  }
0x6d: {  	_ =	shalt  }
0x6e: {  	_ =	shalt  }
0x6f: {  	_ =	shalt  }
0x70: {  	_ =	shalt  }
0x71: {  	_ =	shalt  }
0x72: {  	_ =	shalt  }
0x73: {  	_ =	shalt  }
0x74: {  	_ =	shalt  }
0x75: {  	_ =	shalt  }
0x76: {  	_ =	shalt  }
0x77: {  	_ =	shalt  }
0x78: {  	_ =	shalt  }
0x79: {  	_ =	shalt  }
0x7a: {  	_ =	shalt  }
0x7b: {  	_ =	shalt  }
0x7c: {  	_ =	shalt  }
0x7d: {  	_ =	shalt  }
0x7e: {  	_ =	shalt  }
0x7f: {  	_ =	shalt  }
0x80: {  	_ =	shalt  }
0x81: {  	_ =	shalt  }
0x82: {  	_ =	shalt  }
0x83: {  	_ =	shalt  }
0x84: {  	_ =	shalt  }
0x85: {  	_ =	shalt  }
0x86: {  	_ =	shalt  }
0x87: {  	_ =	shalt  }
.Lfunc_end0:
.L_simem_size_0:
called_computation_lowered:
.L_overlay_start_0:
0x88: {  	s2 =	sld [smem:$0x3FD9]  }
0x89: {  	s3 =	sld [smem:$0x3FFE];
	_ =	sdelay $0x1  }
0x8a: {  	s1 =	srdreg.scid  }
0x8b: {  	s0 =	sand.u32 $0x1, s1  }
0x8c: {  	s17 =	sshll.u32 s0, $0xA;
	s2 =	sadd.s32 s3, s2  }
0x8d: {  	s2 =	sadd.s32 s2, s17  }
0x8e: {  	[smem:$0x3FC2] =	sst s2  }
0x8f: {  	_ = 	snop  }
0x90: {  	s2 =	sld [smem:$0x3FD0];
	(tm) =	ssettm $0x1  }
0x91: {  	s18 =	sld [smem:$0x3FFB];
	_ =	sdelay $0x3  }
0x92: {  	_ =	strace s18  }
0x93: {  	s3 =	sld [smem:$0x3FFC];
	_ =	sdelay $0x3  }
0x94: {  	_ =	strace s3  }
0x95: {  	s3 =	sld [smem:$0x3FFD];
	_ =	sdelay $0x3  }
0x96: {  	_ =	strace s3  }
0x97: {  	_ =	strace $0x8FFFFFFF  }
0x98: {  	s19 =	sld [smem:$0x3FDB];
	_ =	sdelay $0x1  }
0x99: {  	s4 =	simm.s32 $_scs_section_size  }
0x9a: {  	s5 =	simm.s32 $_size__tile_overlayer_lowered;
	s6 =	simm.s32 $_tile_overlayer_lowered  }
0x9b: {  	s22 =	simm.s32 $0x1BFF;
	s21 =	sshll.u32 s6, $0x1;
	s3 =	sadd.s32 s4, s19  }
0x9c: {  	s7 =	simm.s32 $0x0;
	s20 =	sshll.u32 s5, $0x1;
	s5 =	sadd.s32 s21, s3  }
0x9d: {  	[timem:s7], [sflag:s22] =	dma.local [hbm:s5], s20  }
0x9e: {  	_ =	swait.ge [sflag:s22], s20  }
0x9f: {  	s4 =	ssub.s32 $0x0, s20;
	[sflag:s22] =	ssyncset.done $0x0  }
0xa0: {  	[sflag:s22] =	ssyncadd.s32 s4;
	_ =	sdelay $0x1  }
0xa1: {  	s23 =	simm.s32 $0x1B8B  }
0xa2: {  	_ =	swait.ge [sflag:s23], $0x1  }
0xa3: {  	[sflag:s23] =	ssyncset.done $0x0  }
0xa4: {  	s25 =	simm.s32 $0x1B8E;
	s24 =	sld [smem:$0x3FFE];
	[sflag:s23] =	ssyncadd.s32 $0xFFFFFFFF  }
0xa5: {  	s26 =	simm.s32 $execute0_lowered;
	[smem:$0x3FD2] =	sst s25  }
0xa6: {  	s5 =	sshll.u32 s26, $0x1;
	_ =	strace $0x80000046;
	[dreg:$0x1] =	wrdreg $0xFFFFFFFF  }
0xa7: {  	s28 =	simm.s32 $_size_execute0_lowered;
	s3 =	sadd.s32 s3, s5;
	[dreg:$0x0] =	wrdreg $0x0  }
0xa8: {  	s5 =	sshll.u32 s28, $0x1;
	[dreg:$0x2] =	wrdreg s3  }
0xa9: {  	[dreg:$0x3] =	wrdreg s5  }
0xaa: {  	[dreg:$0x4] =	wrdreg $0xC0  }
0xab: {  	_ =	task [dreg:s7], $0x5FFFF  }
0xac: {  	[dreg:$0x1] =	wrdreg $0xFFFFFFFF  }
0xad: {  	[dreg:$0x0] =	wrdreg $0x60  }
0xae: {  	[dreg:$0x2] =	wrdreg s2  }
0xaf: {  	[dreg:$0x3] =	wrdreg s24  }
0xb0: {  	[dreg:$0x4] =	wrdreg $0x9  }
0xb1: {  	_ =	task.clear_ibuf [dreg:s7], $0x5FFFF;
	_ =	strace $0x90000046  }
0xb2: {  	s29 =	simm.s32 $0x9;
	_ =	strace $0x80000048  }
0xb3: {  	_ =	swait.ge [sflag:s29], $0x1  }
0xb4: {  	[sflag:s29] =	ssyncadd.s32 $0xFFFFFFFF  }
0xb5: {  	_ =	strace $0x90000048  }
0xb6: {  	_ =	sfence  }
0xb7: {  	s30 =	sld [smem:$0x0];
	_ =	sdelay $0x2  }
0xb8: {  	s31 =	sshll.u32 s1, $0xD;
	s1 =	sshrl.u32 s1, $0x2  }
0xb9: {  	s3 =	sand.u32 $0x4000, s31;
	s1 =	sadd.s32 s1, s30  }
0xba: {  	s0 =	sor.u32 s3, s0;
	s1 =	sshll.u32 s1, $0x11  }
0xbb: {  	s0 =	sor.u32 s1, s0  }
0xbc: {  	s0 =	sadd.s32 $0x8F2B, s0  }
0xbd: {  	[sflag:s0] =	ssyncadd.remote.s32 $0x1  }
0xbe: {  	_ =	sfence.sel $0xFFFF  }
0xbf: {  	[dreg:$0x0] =	wrdreg $0xFFFFFFFF;
	(pc) =	sbr.abs _section_cstart, $3  }
0xc0: {  	[dreg:$0x1] =	wrdreg $0xFFFFFFFF  }
0xc1: {  	_ =	task.clear_ibuf [dreg:s7], $0x2FFFF;
	_ =	strace $0x9FFFFFFF  }
0xc2: {  	(tm) =	ssettm $0x7FFFFFFF  }
0xc3: {  	_ =	shalt  }
tec
execute0_lowered:
.L_overlay_start_1:
0x0: {  	(tag) =	ssettag $0x1  }
0x1: {  	s1 =	srdreg.scid;
	s3 =	rddreg [dreg:$0x0]  }
0x2: {  	s0 =	stileid.u32;
	s6 =	rddreg [dreg:$0x1]  }
0x3: {  	s2 =	simm.s32 $0x0;
	s4 =	sand.u32 $0x1, s1;
	s1 =	rddreg [dreg:$0x2]  }
0x4: {  	s9 =	simm.s32 $0x0;
	s5 =	smul.u32 $0x4E20, s0;
	[smem:$0x7FF] =	sst s2  }
0x5: {  	s7 =	smul.u32 $0x2710, s4;
	s8 =	sshll.u32 s4, $0x4;
	s4 =	ssub.s32 $0x2, s4  }
0x6: {  	_ =	strace $0x80000047;
	s8 =	sor.u32 s0, s8;
	s29 =	sshrl.u32 s4, $0x1  }
0x7: {  	s5 =	sadd.s32 s5, s7;
	s28 =	smul.u32 $0x4E2, s8;
	s31 =	ssub.s32 s4, s29  }
0x8: {  	s7 =	simm.s32 $0x2710;
	s8 =	simm.s32 $0x2;
	s5 =	sshrl.u32 s5, $0x3  }
0x9: {  	s3 =	sadd.s32 s3, s5;
	s30 =	sadd.s32 s28, s6;
	s5 =	smax.u32 s31, $0x1  }
0xa: {  	v0 =	vimm.f32 $0.0e+00;
	v1 =	vimm.f32 $1.000000000e+00;
	s6 =	simm.s32 $0x1;
	s3 =	sadd.s32 $0x9C40, s3;
	s4 =	sadd.s32 $0x2600, s30  }
.LBB2_1:
0xb: {  	[tilespmem:s2], [sflag:$0x1] =	stream.linear.gather [hbm4b:s3+s2], $0x2710, $0x38;
	[tilespmem:$0x4E20] =	vst v63  }
0xc: {  	s10 =	simm.s32 $0x40;
	s11 =	simm.s32 $0x0  }
.LBB2_2:
0xd: {  	p0 =	sne.s32 s10, $0x9C00;
	[tilespmem:s11+$0x2710] =	vst v0;
	s11 =	smov.u32 s10;
	s10 =	sadd.s32 $0x40, s10  }
.Ltmp0:
0xe: {  	(pc) =	sbr.rel @p0 .LBB2_2-.Ltmp0, $2  }
0xf: {  	_ =	sdelay $0x2  }
0x10: {  	s11 =	sshra.s32 s11, $0x2  }
0x11: {  	[tilespmem:s11+$0x2710] =	vst v0  }
0x12: {  	_ =	swait.ge [sflag:s6], $0x2710  }
0x13: {  	[sflag:s6] =	ssyncset.done $0x0  }
0x14: {  	s10 =	simm.s32 $0x0;
	[sflag:s6] =	ssyncadd.s32 $0xFFFFD8F0  }
.LBB2_4:
0x15: {  	s11 =	sshra.s32 s10, $0x2  }
0x16: {  	v2 =	vld [tilespmem:s11+$0x0];
	_ =	sdelay $0x7  }
0x17: {  	[tilespmem:v2+s7+$0x0] =	vst.idx.add.f32.msk $0xffff, v1  }
0x18: {  	v2 =	vld [tilespmem:s11+$0x10];
	_ =	sdelay $0x7  }
0x19: {  	[tilespmem:v2+s7+$0x0] =	vst.idx.add.f32.msk $0xffff, v1  }
0x1a: {  	v2 =	vld [tilespmem:s11+$0x20];
	_ =	sdelay $0x7  }
0x1b: {  	[tilespmem:v2+s7+$0x0] =	vst.idx.add.f32.msk $0xffff, v1  }
0x1c: {  	v2 =	vld [tilespmem:s11+$0x30];
	_ =	sdelay $0x7  }
0x1d: {  	[tilespmem:v2+s7+$0x0] =	vst.idx.add.f32.msk $0xffff, v1  }
0x1e: {  	v2 =	vld [tilespmem:s11+$0x40];
	_ =	sdelay $0x2  }
0x1f: {  	p0 =	sne.s32 s10, $0x9B00  }
.Ltmp1:
0x20: {  	_ = 	snop;
	(pc) =	sbr.rel @p0 .LBB2_4-.Ltmp1, $2  }
0x21: {  	_ =	sdelay $0x2  }
0x22: {  	s10 =	sadd.s32 $0x140, s10;
	[tilespmem:v2+s7+$0x0] =	vst.idx.add.f32.msk $0xffff, v1  }
0x23: {  	s9 =	sadd.s32 $0x1, s9  }
0x24: {  	p0 =	sne.s32 s9, s5  }
.Ltmp2:
0x25: {  	_ = 	snop;
	(pc) =	sbr.rel @p0 .LBB2_1-.Ltmp2, $4  }
0x26: {  	[hbm4b:s4+s2] =	stream.linear.scatter [tilespmem:s7], [sflag:$0x2], $0x2710, $0x38;
	[tilespmem:$0x4E20] =	vst v63  }
0x27: {  	_ =	swait.ge [sflag:s8], $0x2710  }
0x28: {  	[sflag:s8] =	ssyncset.done $0x0  }
0x29: {  	[sflag:s8] =	ssyncadd.s32 $0xFFFFD8F0  }
0x2a: {  	_ =	sfence.sel $0x180000  }
0x2b: {  	[bflag:$0x0] =	sbarrier.arrive $0xFFFF  }
0x2c: {  	p0 =	sne.s32 s0, $0x0;
	_ =	strace $0x90000047  }
0x2d: {  	s0 =	sadd.s32 @!p0 $0x100000, s1;
	[bflag:$0x2] =	sbarrier.arrive $0xFFFF  }
0x2e: {  	[sflag:s0] =	ssyncadd.tile.s32 @!p0 $0x1;
	_ =	shalt  }
.Lfunc_end2:
_tile_overlayer_lowered:
.L_overlay_start_2:
0x2f: {  	(tag) =	ssettag $0x2  }
0x30: {  	s0 =	rddreg [dreg:$0x0];
	s2 =	stileid.u32  }
0x31: {  	s1 =	rddreg [dreg:$0x1];
	p0 =	sne.s32 s2, $0x0  }
0x32: {  	s3 =	rddreg [dreg:$0x2];
	[bflag:$0x3] =	sbarrier.arrive $0xFFFF;
	s2 =	simm.s32 @!p0 $0x1C02  }
0x33: {  	[timem:s3], [sflag:s2] =	dma.local @!p0 [hbm:s0], s1  }
0x34: {  	s0 =	simm.s32 @!p0 $0x2  }
0x35: {  	_ =	swait.ge @!p0 [sflag:s0], s1  }
0x36: {  	s1 =	ssub.s32 @!p0 $0x0, s1;
	[sflag:s0] =	ssyncset.done @!p0 $0x0  }
0x37: {  	[sflag:s0] =	ssyncadd.s32 @!p0 s1  }
0x38: {  	[bflag:$0x3] =	sbarrier.arrive $0xFFFF  }
0x39: {  	_ =	shalt  }

</sc_bundles>
